<compile_context>
chip_gen: v7x
topology: tpu7x:2x2x1
jax: 0.10.2.dev20260603
libtpu: 0.0.44.dev20260713+nightly
codegen_flags: <defaults>
</compile_context>

<pallas_src>
import dataclasses
import functools

import jax
import jax.numpy as jnp
from jax import lax
from jax.experimental import pallas as pl
from jax.experimental.pallas import tpu as pltpu
from jax.experimental.pallas import tpu_sc as plsc

N = 10000
E = 320000
D = 128
H = 64
G = 64
C = 10

NC = 2
NS = 16
NW = NC * NS
EC = E // NW
EB = 80
NB = EC // EB
CB = 1
WD = 80
RPT = N // NS

_ROW_BLK = 1000
_NBLK = N // _ROW_BLK


def _compiler_params_sc():
    cp = pltpu.CompilerParams(use_tc_tiling_on_sc=False)
    if "needs_layout_passes" in pltpu.CompilerParams.__dataclass_fields__:
        cp = dataclasses.replace(cp, needs_layout_passes=False)
    return cp


def _sc_edge_body(htab_hbm, sd_hbm, src_hbm, dst_hbm, ew_hbm, out_hbm,
                  acc, sd_v, src_v, dst_v, ew_v, rows, sem, gsem):
    c = lax.axis_index("c")
    s = lax.axis_index("s")
    wid = s * NC + c

    pltpu.sync_copy(sd_hbm, sd_v)

    @pl.loop(0, EB)
    def _(r):
        @pl.loop(0, WD, step=16)
        def _(cc):
            rows[r, pl.ds(cc, 16)] = jnp.zeros((16,), jnp.float32)

    @pl.loop(0, RPT // 25)
    def _(k):
        pltpu.sync_copy(rows.at[pl.ds(0, 25), :],
                        acc.at[pl.ds(s * RPT + k * 25, 25), :])

    plsc.subcore_barrier()


    @pl.loop(0, NB)
    def _(bb):
        pltpu.sync_copy(src_hbm.at[wid, pl.ds(bb, CB), :], src_v)
        pltpu.sync_copy(dst_hbm.at[wid, pl.ds(bb, CB), :], dst_v)
        pltpu.sync_copy(ew_hbm.at[wid, pl.ds(bb, CB), :], ew_v)

        @pl.loop(0, CB)
        def _(b):
            pltpu.async_copy(htab_hbm.at[src_v.at[b]], rows, gsem).wait()

            @pl.loop(0, EB, step=16)
            def _(e0):
                src16 = src_v[b, pl.ds(e0, 16)]
                dst16 = dst_v[b, pl.ds(e0, 16)]
                s16 = plsc.load_gather(sd_v, [src16 * 2])
                d16 = plsc.load_gather(sd_v, [dst16 * 2 + 1])
                a = s16 + d16
                a = jnp.where(a >= 0, a, a * jnp.float32(0.2))
                ex = jnp.exp(a)
                g = ex * ew_v[b, pl.ds(e0, 16)]
                for k in range(16):
                    gk = g[k]
                    exk = ex[k]
                    j = e0 + k
                    rows[j, pl.ds(0, 16)] = rows[j, pl.ds(0, 16)] * gk
                    rows[j, pl.ds(16, 16)] = rows[j, pl.ds(16, 16)] * gk
                    rows[j, pl.ds(32, 16)] = rows[j, pl.ds(32, 16)] * gk
                    rows[j, pl.ds(48, 16)] = rows[j, pl.ds(48, 16)] * gk
                    rows[j, pl.ds(64, 16)] = rows[j, pl.ds(64, 16)] * exk

            pltpu.sync_copy(rows, acc.at[dst_v.at[b]], add=True)

    plsc.subcore_barrier()
    pltpu.sync_copy(acc.at[pl.ds(s * RPT, RPT), :],
                    out_hbm.at[c, pl.ds(s * RPT, RPT), :])


def _sc_edge(htab, sd, src, dst, ew):
    mesh = plsc.VectorSubcoreMesh(core_axis_name="c", subcore_axis_name="s")
    k = pl.kernel(
        _sc_edge_body,
        out_type=jax.ShapeDtypeStruct((NC, N, WD), jnp.float32),
        mesh=mesh,
        compiler_params=_compiler_params_sc(),
        scratch_types=[
            pltpu.VMEM_SHARED((N, WD), jnp.float32),
            pltpu.VMEM((2 * N,), jnp.float32),
            pltpu.VMEM((CB, EB), jnp.int32),
            pltpu.VMEM((CB, EB), jnp.int32),
            pltpu.VMEM((CB, EB), jnp.float32),
            pltpu.VMEM((EB, WD), jnp.float32),
            pltpu.SemaphoreType.DMA,
            pltpu.SemaphoreType.DMA,
        ],
    )
    return k(htab, sd, src, dst, ew)


def _tc1_body(x_ref, w_ref, as_ref, ad_ref, htab_ref, sd_ref):
    h = jnp.dot(x_ref[...], w_ref[...], preferred_element_type=jnp.float32)
    one = jnp.ones((_ROW_BLK, 1), jnp.float32)
    zer = jnp.zeros((_ROW_BLK, WD - H - 1), jnp.float32)
    htab_ref[...] = jnp.concatenate([h, one, zer], axis=1)
    sv = h @ as_ref[...]
    dv = h @ ad_ref[...]
    sd_ref[...] = jnp.stack([sv, dv], axis=1)


def _tc1(x, W1, a_src1, a_dst1):
    return pl.pallas_call(
        _tc1_body,
        grid=(_NBLK,),
        in_specs=[
            pl.BlockSpec((_ROW_BLK, D), lambda i: (i, 0)),
            pl.BlockSpec((D, H), lambda i: (0, 0)),
            pl.BlockSpec((H,), lambda i: (0,)),
            pl.BlockSpec((H,), lambda i: (0,)),
        ],
        out_specs=[
            pl.BlockSpec((_ROW_BLK, WD), lambda i: (i, 0)),
            pl.BlockSpec((_ROW_BLK, 2), lambda i: (i, 0)),
        ],
        out_shape=[
            jax.ShapeDtypeStruct((N, WD), jnp.float32),
            jax.ShapeDtypeStruct((N, 2), jnp.float32),
        ],
    )(x, W1, a_src1, a_dst1)


def _fuse_layer(acc_blk, htab_blk, sd_blk, bias):
    sv = sd_blk[:, 0]
    dv = sd_blk[:, 1]
    a = sv + dv
    a = jnp.where(a >= 0, a, a * jnp.float32(0.2))
    ex = jnp.exp(a)
    num = (acc_blk[0, :, :H] + acc_blk[1, :, :H]
           + ex[:, None] * htab_blk[:, :H])
    den = acc_blk[0, :, H] + acc_blk[1, :, H] + ex
    return num / (den + 1e-16)[:, None] + bias


def _tc2_body(acc_ref, htab_ref, sd_ref, b1_ref, w_ref, as_ref, ad_ref,
              htab2_ref, sd2_ref):
    h1 = jax.nn.relu(_fuse_layer(acc_ref[...], htab_ref[...], sd_ref[...],
                                 b1_ref[...]))
    h2 = jnp.dot(h1, w_ref[...], preferred_element_type=jnp.float32)
    one = jnp.ones((_ROW_BLK, 1), jnp.float32)
    zer = jnp.zeros((_ROW_BLK, WD - H - 1), jnp.float32)
    htab2_ref[...] = jnp.concatenate([h2, one, zer], axis=1)
    sv = h2 @ as_ref[...]
    dv = h2 @ ad_ref[...]
    sd2_ref[...] = jnp.stack([sv, dv], axis=1)


def _tc2(acc1, htab1, sd1, b1, W2, a_src2, a_dst2):
    return pl.pallas_call(
        _tc2_body,
        grid=(_NBLK,),
        in_specs=[
            pl.BlockSpec((NC, _ROW_BLK, WD), lambda i: (0, i, 0)),
            pl.BlockSpec((_ROW_BLK, WD), lambda i: (i, 0)),
            pl.BlockSpec((_ROW_BLK, 2), lambda i: (i, 0)),
            pl.BlockSpec((H,), lambda i: (0,)),
            pl.BlockSpec((H, H), lambda i: (0, 0)),
            pl.BlockSpec((H,), lambda i: (0,)),
            pl.BlockSpec((H,), lambda i: (0,)),
        ],
        out_specs=[
            pl.BlockSpec((_ROW_BLK, WD), lambda i: (i, 0)),
            pl.BlockSpec((_ROW_BLK, 2), lambda i: (i, 0)),
        ],
        out_shape=[
            jax.ShapeDtypeStruct((N, WD), jnp.float32),
            jax.ShapeDtypeStruct((N, 2), jnp.float32),
        ],
    )(acc1, htab1, sd1, b1, W2, a_src2, a_dst2)


def _tc3_body(acc_ref, htab_ref, sd_ref, b2_ref, batch_ref,
              wl_ref, bl_ref, wc_ref, bc_ref, o_ref, pool_ref):
    i = pl.program_id(0)

    @pl.when(i == 0)
    def _():
        pool_ref[...] = jnp.zeros((G, 2 * H), jnp.float32)

    h2 = _fuse_layer(acc_ref[...], htab_ref[...], sd_ref[...], b2_ref[...])
    batch = batch_ref[0, 0, :]
    gids = lax.broadcasted_iota(jnp.int32, (G, _ROW_BLK), 0)
    mask = (gids == batch[None, :]).astype(jnp.float32)
    he = jnp.concatenate([h2, jnp.ones((_ROW_BLK, H), jnp.float32)], axis=1)
    pool_ref[...] += jnp.dot(mask, he, preferred_element_type=jnp.float32)

    @pl.when(i == _NBLK - 1)
    def _():
        pooled = pool_ref[:, :H] / jnp.maximum(pool_ref[:, H:H + 1], 1.0)
        z = jax.nn.relu(pooled @ wl_ref[...] + bl_ref[...])
        logits = z @ wc_ref[...] + bc_ref[...]
        o_ref[...] = jax.nn.log_softmax(logits, axis=1)


def _tc3(acc2, htab2, sd2, b2, batch3, Wlin, blin, Wcls, bcls):
    return pl.pallas_call(
        _tc3_body,
        grid=(_NBLK,),
        in_specs=[
            pl.BlockSpec((NC, _ROW_BLK, WD), lambda i: (0, i, 0)),
            pl.BlockSpec((_ROW_BLK, WD), lambda i: (i, 0)),
            pl.BlockSpec((_ROW_BLK, 2), lambda i: (i, 0)),
            pl.BlockSpec((H,), lambda i: (0,)),
            pl.BlockSpec((1, 1, _ROW_BLK), lambda i: (i, 0, 0)),
            pl.BlockSpec((H, H // 2), lambda i: (0, 0)),
            pl.BlockSpec((H // 2,), lambda i: (0,)),
            pl.BlockSpec((H // 2, C), lambda i: (0, 0)),
            pl.BlockSpec((C,), lambda i: (0,)),
        ],
        out_specs=pl.BlockSpec((G, C), lambda i: (0, 0)),
        out_shape=jax.ShapeDtypeStruct((G, C), jnp.float32),
        scratch_shapes=[pltpu.VMEM((G, 2 * H), jnp.float32)],
    )(acc2, htab2, sd2, b2, batch3, Wlin, blin, Wcls, bcls)


def kernel(x, edge_index, edge_weight, batch, W1, a_src1, a_dst1, b1,
           W2, a_src2, a_dst2, b2, Wlin, blin, Wcls, bcls):
    src = edge_index[0].reshape(NW, NB, EB)
    dst = edge_index[1].reshape(NW, NB, EB)
    ew = edge_weight.reshape(NW, NB, EB)
    batch3 = batch.reshape(_NBLK, 1, _ROW_BLK)

    htab1, sd1 = _tc1(x, W1, a_src1, a_dst1)
    acc1 = _sc_edge(htab1, sd1.reshape(2 * N), src, dst, ew)
    htab2, sd2 = _tc2(acc1, htab1, sd1, b1, W2, a_src2, a_dst2)
    acc2 = _sc_edge(htab2, sd2.reshape(2 * N), src, dst, ew)
    return _tc3(acc2, htab2, sd2, b2, batch3, Wlin, blin, Wcls, bcls)

# --- scband reference (transcript-rebuilt; emitter-appended) ---
"""Pipeline reference for scband-model-name-70162585747879 (READ-ONLY COPY).

The authoritative reference and input builder live on the scoring server;
editing this copy changes nothing except your own understanding.
"""

import jax, jax.numpy as jnp
import numpy as np

N = 10000
E = 320000
D = 128
H = 64
G = 64
C = 10


def _gat_layer(x, src, dst, ew, W, a_s, a_d, b):
    n = x.shape[0]
    h = x @ W
    alpha = jax.nn.leaky_relu(h[src] @ a_s + h[dst] @ a_d, negative_slope=0.2)
    amax = jax.ops.segment_max(alpha, dst, num_segments=n)
    amax = jnp.where(jnp.isfinite(amax), amax, 0.0)
    ex = jnp.exp(alpha - amax[dst])
    denom = jax.ops.segment_sum(ex, dst, num_segments=n)
    coef = ex / (denom[dst] + 1e-16)
    msg = (coef * ew)[:, None] * h[src]
    return jax.ops.segment_sum(msg, dst, num_segments=n) + b


def setup_inputs(seed: int = 0):
    key = jax.random.key(seed)
    ks = jax.random.split(key, 16)
    x = jax.random.normal(ks[0], (N, D), dtype=jnp.float32)
    edge_index = jax.random.randint(ks[1], (2, E), 0, N, dtype=jnp.int32)
    edge_weight = jax.random.uniform(ks[2], (E,), dtype=jnp.float32)
    batch = jnp.sort(jax.random.randint(ks[3], (N,), 0, G, dtype=jnp.int32))
    s1 = np.float32(1.0 / np.sqrt(D))
    s2 = np.float32(1.0 / np.sqrt(H))
    s3 = np.float32(1.0 / np.sqrt(H // 2))
    W1 = jax.random.normal(ks[4], (D, H), dtype=jnp.float32) * s1
    a_src1 = jax.random.normal(ks[5], (H,), dtype=jnp.float32) * s2
    a_dst1 = jax.random.normal(ks[6], (H,), dtype=jnp.float32) * s2
    b1 = jnp.zeros((H,), dtype=jnp.float32)
    W2 = jax.random.normal(ks[7], (H, H), dtype=jnp.float32) * s2
    a_src2 = jax.random.normal(ks[8], (H,), dtype=jnp.float32) * s2
    a_dst2 = jax.random.normal(ks[9], (H,), dtype=jnp.float32) * s2
    b2 = jnp.zeros((H,), dtype=jnp.float32)
    Wlin = jax.random.normal(ks[10], (H, H // 2), dtype=jnp.float32) * s2
    blin = jnp.zeros((H // 2,), dtype=jnp.float32)
    Wcls = jax.random.normal(ks[11], (H // 2, C), dtype=jnp.float32) * s3
    bcls = jnp.zeros((C,), dtype=jnp.float32)
    return {"x": x, "edge_index": edge_index, "edge_weight": edge_weight, "batch": batch,
            "W1": W1, "a_src1": a_src1, "a_dst1": a_dst1, "b1": b1,
            "W2": W2, "a_src2": a_src2, "a_dst2": a_dst2, "b2": b2,
            "Wlin": Wlin, "blin": blin, "Wcls": Wcls, "bcls": bcls}


def reference(x, edge_index, edge_weight, batch, W1, a_src1, a_dst1, b1, W2, a_src2, a_dst2, b2, Wlin, blin, Wcls, bcls):
    loop = jnp.arange(N, dtype=edge_index.dtype)
    src = jnp.concatenate([edge_index[0], loop])
    dst = jnp.concatenate([edge_index[1], loop])
    ew = jnp.concatenate([edge_weight, jnp.ones((N,), dtype=edge_weight.dtype)])
    h = _gat_layer(x, src, dst, ew, W1, a_src1, a_dst1, b1)
    h = jax.nn.relu(h)
    h = _gat_layer(h, src, dst, ew, W2, a_src2, a_dst2, b2)
    counts = jax.ops.segment_sum(jnp.ones((N,), dtype=h.dtype), batch, num_segments=G)
    pooled = jax.ops.segment_sum(h, batch, num_segments=G) / jnp.maximum(counts, 1.0)[:, None]
    z = jax.nn.relu(pooled @ Wlin + blin)
    logits = z @ Wcls + bcls
    return jax.nn.log_softmax(logits, axis=1)

if __name__ == "__main__":
    import jax
    _d = setup_inputs()
    print(jax.jit(kernel)(*tuple(_d.values())))

</pallas_src>

<mosaic_0001>
#map = affine_map<(d0, d1) -> (0, 0)>
#map1 = affine_map<(d0, d1) -> (0)>
#map2 = affine_map<(d0, d1) -> (0, 0, 0)>
module attributes {stable_mosaic.version = 14 : i64} {
  func.func @_sc_edge_body(%arg0: i32, %arg1: i32, %arg2: memref<10000x80xf32, #tpu.memory_space<hbm>>, %arg3: memref<20000xf32, #tpu.memory_space<hbm>>, %arg4: memref<32x125x80xi32, #tpu.memory_space<hbm>>, %arg5: memref<32x125x80xi32, #tpu.memory_space<hbm>>, %arg6: memref<32x125x80xf32, #tpu.memory_space<hbm>>, %arg7: memref<2x10000x80xf32, #tpu.memory_space<hbm>>, %arg8: memref<10000x80xf32, #tpu.memory_space<vmem_shared>>, %arg9: memref<20000xf32, #tpu.memory_space<vmem>>, %arg10: memref<1x80xi32, #tpu.memory_space<vmem>>, %arg11: memref<1x80xi32, #tpu.memory_space<vmem>>, %arg12: memref<1x80xf32, #tpu.memory_space<vmem>>, %arg13: memref<80x80xf32, #tpu.memory_space<vmem>>, %arg14: memref<!tpu.dma_semaphore, #tpu.memory_space<semaphore_mem>>, %arg15: memref<!tpu.dma_semaphore, #tpu.memory_space<semaphore_mem>>) attributes {dimension_semantics = [#tpu.dimension_semantics<core_parallel>, #tpu.dimension_semantics<subcore_parallel>], iteration_bounds = array<i64: 2, 16>, scalar_prefetch = 0 : i64, scratch_operands = 8 : i64, tpu.core_type = #tpu.core_type<sc_vector_subcore>, window_params = [{transform_indices = #map}, {transform_indices = #map1}, {transform_indices = #map2}, {transform_indices = #map2}, {transform_indices = #map2}, {transform_indices = #map2}]} {
    %mul3A = arith.constant 2 : i32
    %mul3A_0 = arith.muli %arg1, %mul3A : i32
    %add3A = arith.addi %mul3A_0, %arg0 : i32
    "tpu.region"() ({
      %run_scoped3A = tpu.sem_alloc : memref<!tpu.dma_semaphore, #tpu.memory_space<semaphore_mem>>
      tpu.enqueue_dma source(%arg3 : memref<20000xf32, #tpu.memory_space<hbm>>) target(%arg9 : memref<20000xf32, #tpu.memory_space<vmem>>) target_semaphore(%run_scoped3A : memref<!tpu.dma_semaphore, #tpu.memory_space<semaphore_mem>>)
      tpu.wait_dma2 semaphore(%run_scoped3A : memref<!tpu.dma_semaphore, #tpu.memory_space<semaphore_mem>>) src(%arg3 : memref<20000xf32, #tpu.memory_space<hbm>>) dst(%arg9 : memref<20000xf32, #tpu.memory_space<vmem>>)
      tpu.yield
    }) : () -> ()
    %scan3A = arith.constant 0 : i32
    %scan3A_1 = arith.constant 80 : i32
    %scan3A_2 = arith.addi %scan3A, %scan3A_1 : i32
    %scan3A_3 = arith.constant 1 : i32
    scf.for %scan3A_20 = %scan3A to %scan3A_2 step %scan3A_3  : i32 {
      %mul3A_21 = arith.constant 1 : i32
      %mul3A_22 = arith.muli %scan3A_20, %mul3A_21 : i32
      %add3A_23 = arith.constant 0 : i32
      %add3A_24 = arith.addi %add3A_23, %mul3A_22 : i32
      %scan3A_25 = arith.constant 0 : i32
      %scan3A_26 = arith.constant 5 : i32
      %scan3A_27 = arith.addi %scan3A_25, %scan3A_26 : i32
      %scan3A_28 = arith.constant 1 : i32
      scf.for %scan3A_30 = %scan3A_25 to %scan3A_27 step %scan3A_28  : i32 {
        %mul3A_31 = arith.constant 16 : i32
        %mul3A_32 = arith.muli %scan3A_30, %mul3A_31 : i32
        %add3A_33 = arith.constant 0 : i32
        %add3A_34 = arith.addi %add3A_33, %mul3A_32 : i32
        %broadcast_in_dim3A = arith.constant 0.000000e+00 : f32
        %broadcast_in_dim3A_35 = vector.broadcast %broadcast_in_dim3A : f32 to vector<16xf32>
        %swap3A = arith.index_cast %add3A_24 : i32 to index
        %swap3A_36 = arith.index_cast %add3A_34 : i32 to index
        %swap3A_37 = tpu.vector_load %arg13[%swap3A, %swap3A_36] {strides = array<i32>} : memref<80x80xf32, #tpu.memory_space<vmem>>, vector<16xf32>,
        tpu.vector_store %arg13[%swap3A, %swap3A_36], %broadcast_in_dim3A_35 {strides = array<i32>} : memref<80x80xf32, #tpu.memory_space<vmem>>, vector<16xf32>,
      }
      %scan3A_29 = arith.constant 5 : i32
    }
    %scan3A_4 = arith.constant 80 : i32
    %scan3A_5 = arith.constant 0 : i32
    %scan3A_6 = arith.constant 25 : i32
    %scan3A_7 = arith.addi %scan3A_5, %scan3A_6 : i32
    %scan3A_8 = arith.constant 1 : i32
    scf.for %scan3A_20 = %scan3A_5 to %scan3A_7 step %scan3A_8  : i32 {
      %mul3A_21 = arith.constant 1 : i32
      %mul3A_22 = arith.muli %scan3A_20, %mul3A_21 : i32
      %add3A_23 = arith.constant 0 : i32
      %add3A_24 = arith.addi %add3A_23, %mul3A_22 : i32
      %mul3A_25 = arith.constant 625 : i32
      %mul3A_26 = arith.muli %arg1, %mul3A_25 : i32
      %mul3A_27 = arith.constant 25 : i32
      %mul3A_28 = arith.muli %add3A_24, %mul3A_27 : i32
      %add3A_29 = arith.addi %mul3A_26, %mul3A_28 : i32
      "tpu.region"() ({
        %run_scoped3A = tpu.sem_alloc : memref<!tpu.dma_semaphore, #tpu.memory_space<semaphore_mem>>
        %dma_start3A = arith.constant 0 : i32
        %dma_start3A_30 = arith.constant 0 : i32
        %dma_start3A_31 = tpu.memref_slice %arg13[%dma_start3A, %dma_start3A_30] : memref<80x80xf32, #tpu.memory_space<vmem>> -> memref<25x80xf32, #tpu.memory_space<vmem>>
        %dma_start3A_32 = arith.constant 0 : i32
        %dma_start3A_33 = tpu.memref_slice %arg8[%add3A_29, %dma_start3A_32] : memref<10000x80xf32, #tpu.memory_space<vmem_shared>> -> memref<25x80xf32, #tpu.memory_space<vmem_shared>>
        %dma_start3A_34 = arith.constant 0 : i32
        %dma_start3A_35 = tpu.memref_slice %arg8[%add3A_29, %dma_start3A_34] : memref<10000x80xf32, #tpu.memory_space<vmem_shared>> -> memref<25x80xf32, #tpu.memory_space<vmem_shared>>
        %dma_start3A_36 = arith.constant 0 : i32
        %dma_start3A_37 = arith.constant 0 : i32
        %dma_start3A_38 = tpu.memref_slice %arg13[%dma_start3A_36, %dma_start3A_37] : memref<80x80xf32, #tpu.memory_space<vmem>> -> memref<25x80xf32, #tpu.memory_space<vmem>>
        tpu.enqueue_dma source(%dma_start3A_38 : memref<25x80xf32, #tpu.memory_space<vmem>>) target(%dma_start3A_35 : memref<25x80xf32, #tpu.memory_space<vmem_shared>>) target_semaphore(%run_scoped3A : memref<!tpu.dma_semaphore, #tpu.memory_space<semaphore_mem>>)
        %dma_wait3A = arith.constant 0 : i32
        %dma_wait3A_39 = arith.constant 0 : i32
        %dma_wait3A_40 = tpu.memref_slice %arg13[%dma_wait3A, %dma_wait3A_39] : memref<80x80xf32, #tpu.memory_space<vmem>> -> memref<25x80xf32, #tpu.memory_space<vmem>>
        %dma_wait3A_41 = arith.constant 0 : i32
        %dma_wait3A_42 = tpu.memref_slice %arg8[%add3A_29, %dma_wait3A_41] : memref<10000x80xf32, #tpu.memory_space<vmem_shared>> -> memref<25x80xf32, #tpu.memory_space<vmem_shared>>
        %dma_wait3A_43 = arith.constant 0 : i32
        %dma_wait3A_44 = tpu.memref_slice %arg8[%add3A_29, %dma_wait3A_43] : memref<10000x80xf32, #tpu.memory_space<vmem_shared>> -> memref<25x80xf32, #tpu.memory_space<vmem_shared>>
        %dma_wait3A_45 = arith.constant 0 : i32
        %dma_wait3A_46 = arith.constant 0 : i32
        %dma_wait3A_47 = tpu.memref_slice %arg13[%dma_wait3A_45, %dma_wait3A_46] : memref<80x80xf32, #tpu.memory_space<vmem>> -> memref<25x80xf32, #tpu.memory_space<vmem>>
        tpu.wait_dma2 semaphore(%run_scoped3A : memref<!tpu.dma_semaphore, #tpu.memory_space<semaphore_mem>>) src(%dma_wait3A_47 : memref<25x80xf32, #tpu.memory_space<vmem>>) dst(%dma_wait3A_44 : memref<25x80xf32, #tpu.memory_space<vmem_shared>>)
        tpu.yield
      }) : () -> ()
    }
    %scan3A_9 = arith.constant 25 : i32
    %barrier3A = arith.constant 0 : index
    tpu.barrier barrier_id(%barrier3A)
    %scan3A_10 = arith.constant 0 : i32
    %scan3A_11 = arith.constant 125 : i32
    %scan3A_12 = arith.addi %scan3A_10, %scan3A_11 : i32
    %scan3A_13 = arith.constant 1 : i32
    scf.for %scan3A_20 = %scan3A_10 to %scan3A_12 step %scan3A_13  : i32 {
      %mul3A_21 = arith.constant 1 : i32
      %mul3A_22 = arith.muli %scan3A_20, %mul3A_21 : i32
      %add3A_23 = arith.constant 0 : i32
      %add3A_24 = arith.addi %add3A_23, %mul3A_22 : i32
      "tpu.region"() ({
        %run_scoped3A = tpu.sem_alloc : memref<!tpu.dma_semaphore, #tpu.memory_space<semaphore_mem>>
        %dma_start3A_46 = arith.constant 0 : i32
        %dma_start3A_47 = tpu.memref_slice %arg4[%add3A, %add3A_24, %dma_start3A_46] : memref<32x125x80xi32, #tpu.memory_space<hbm>> -> memref<1x1x80xi32, #tpu.memory_space<hbm>>
        %dma_start3A_48 = tpu.memref_squeeze %dma_start3A_47 : memref<1x1x80xi32, #tpu.memory_space<hbm>> -> memref<1x80xi32, #tpu.memory_space<hbm>>
        %dma_start3A_49 = arith.constant 0 : i32
        %dma_start3A_50 = tpu.memref_slice %arg4[%add3A, %add3A_24, %dma_start3A_49] : memref<32x125x80xi32, #tpu.memory_space<hbm>> -> memref<1x1x80xi32, #tpu.memory_space<hbm>>
        %dma_start3A_51 = tpu.memref_squeeze %dma_start3A_50 : memref<1x1x80xi32, #tpu.memory_space<hbm>> -> memref<1x80xi32, #tpu.memory_space<hbm>>
        tpu.enqueue_dma source(%dma_start3A_51 : memref<1x80xi32, #tpu.memory_space<hbm>>) target(%arg10 : memref<1x80xi32, #tpu.memory_space<vmem>>) target_semaphore(%run_scoped3A : memref<!tpu.dma_semaphore, #tpu.memory_space<semaphore_mem>>)
        %dma_wait3A_52 = arith.constant 0 : i32
        %dma_wait3A_53 = tpu.memref_slice %arg4[%add3A, %add3A_24, %dma_wait3A_52] : memref<32x125x80xi32, #tpu.memory_space<hbm>> -> memref<1x1x80xi32, #tpu.memory_space<hbm>>
        %dma_wait3A_54 = tpu.memref_squeeze %dma_wait3A_53 : memref<1x1x80xi32, #tpu.memory_space<hbm>> -> memref<1x80xi32, #tpu.memory_space<hbm>>
        %dma_wait3A_55 = arith.constant 0 : i32
        %dma_wait3A_56 = tpu.memref_slice %arg4[%add3A, %add3A_24, %dma_wait3A_55] : memref<32x125x80xi32, #tpu.memory_space<hbm>> -> memref<1x1x80xi32, #tpu.memory_space<hbm>>
        %dma_wait3A_57 = tpu.memref_squeeze %dma_wait3A_56 : memref<1x1x80xi32, #tpu.memory_space<hbm>> -> memref<1x80xi32, #tpu.memory_space<hbm>>
        tpu.wait_dma2 semaphore(%run_scoped3A : memref<!tpu.dma_semaphore, #tpu.memory_space<semaphore_mem>>) src(%dma_wait3A_57 : memref<1x80xi32, #tpu.memory_space<hbm>>) dst(%arg10 : memref<1x80xi32, #tpu.memory_space<vmem>>)
        tpu.yield
      }) : () -> ()
      "tpu.region"() ({
        %run_scoped3A = tpu.sem_alloc : memref<!tpu.dma_semaphore, #tpu.memory_space<semaphore_mem>>
        %dma_start3A_46 = arith.constant 0 : i32
        %dma_start3A_47 = tpu.memref_slice %arg5[%add3A, %add3A_24, %dma_start3A_46] : memref<32x125x80xi32, #tpu.memory_space<hbm>> -> memref<1x1x80xi32, #tpu.memory_space<hbm>>
        %dma_start3A_48 = tpu.memref_squeeze %dma_start3A_47 : memref<1x1x80xi32, #tpu.memory_space<hbm>> -> memref<1x80xi32, #tpu.memory_space<hbm>>
        %dma_start3A_49 = arith.constant 0 : i32
        %dma_start3A_50 = tpu.memref_slice %arg5[%add3A, %add3A_24, %dma_start3A_49] : memref<32x125x80xi32, #tpu.memory_space<hbm>> -> memref<1x1x80xi32, #tpu.memory_space<hbm>>
        %dma_start3A_51 = tpu.memref_squeeze %dma_start3A_50 : memref<1x1x80xi32, #tpu.memory_space<hbm>> -> memref<1x80xi32, #tpu.memory_space<hbm>>
        tpu.enqueue_dma source(%dma_start3A_51 : memref<1x80xi32, #tpu.memory_space<hbm>>) target(%arg11 : memref<1x80xi32, #tpu.memory_space<vmem>>) target_semaphore(%run_scoped3A : memref<!tpu.dma_semaphore, #tpu.memory_space<semaphore_mem>>)
        %dma_wait3A_52 = arith.constant 0 : i32
        %dma_wait3A_53 = tpu.memref_slice %arg5[%add3A, %add3A_24, %dma_wait3A_52] : memref<32x125x80xi32, #tpu.memory_space<hbm>> -> memref<1x1x80xi32, #tpu.memory_space<hbm>>
        %dma_wait3A_54 = tpu.memref_squeeze %dma_wait3A_53 : memref<1x1x80xi32, #tpu.memory_space<hbm>> -> memref<1x80xi32, #tpu.memory_space<hbm>>
        %dma_wait3A_55 = arith.constant 0 : i32
        %dma_wait3A_56 = tpu.memref_slice %arg5[%add3A, %add3A_24, %dma_wait3A_55] : memref<32x125x80xi32, #tpu.memory_space<hbm>> -> memref<1x1x80xi32, #tpu.memory_space<hbm>>
        %dma_wait3A_57 = tpu.memref_squeeze %dma_wait3A_56 : memref<1x1x80xi32, #tpu.memory_space<hbm>> -> memref<1x80xi32, #tpu.memory_space<hbm>>
        tpu.wait_dma2 semaphore(%run_scoped3A : memref<!tpu.dma_semaphore, #tpu.memory_space<semaphore_mem>>) src(%dma_wait3A_57 : memref<1x80xi32, #tpu.memory_space<hbm>>) dst(%arg11 : memref<1x80xi32, #tpu.memory_space<vmem>>)
        tpu.yield
      }) : () -> ()
      "tpu.region"() ({
        %run_scoped3A = tpu.sem_alloc : memref<!tpu.dma_semaphore, #tpu.memory_space<semaphore_mem>>
        %dma_start3A_46 = arith.constant 0 : i32
        %dma_start3A_47 = tpu.memref_slice %arg6[%add3A, %add3A_24, %dma_start3A_46] : memref<32x125x80xf32, #tpu.memory_space<hbm>> -> memref<1x1x80xf32, #tpu.memory_space<hbm>>
        %dma_start3A_48 = tpu.memref_squeeze %dma_start3A_47 : memref<1x1x80xf32, #tpu.memory_space<hbm>> -> memref<1x80xf32, #tpu.memory_space<hbm>>
        %dma_start3A_49 = arith.constant 0 : i32
        %dma_start3A_50 = tpu.memref_slice %arg6[%add3A, %add3A_24, %dma_start3A_49] : memref<32x125x80xf32, #tpu.memory_space<hbm>> -> memref<1x1x80xf32, #tpu.memory_space<hbm>>
        %dma_start3A_51 = tpu.memref_squeeze %dma_start3A_50 : memref<1x1x80xf32, #tpu.memory_space<hbm>> -> memref<1x80xf32, #tpu.memory_space<hbm>>
        tpu.enqueue_dma source(%dma_start3A_51 : memref<1x80xf32, #tpu.memory_space<hbm>>) target(%arg12 : memref<1x80xf32, #tpu.memory_space<vmem>>) target_semaphore(%run_scoped3A : memref<!tpu.dma_semaphore, #tpu.memory_space<semaphore_mem>>)
        %dma_wait3A_52 = arith.constant 0 : i32
        %dma_wait3A_53 = tpu.memref_slice %arg6[%add3A, %add3A_24, %dma_wait3A_52] : memref<32x125x80xf32, #tpu.memory_space<hbm>> -> memref<1x1x80xf32, #tpu.memory_space<hbm>>
        %dma_wait3A_54 = tpu.memref_squeeze %dma_wait3A_53 : memref<1x1x80xf32, #tpu.memory_space<hbm>> -> memref<1x80xf32, #tpu.memory_space<hbm>>
        %dma_wait3A_55 = arith.constant 0 : i32
        %dma_wait3A_56 = tpu.memref_slice %arg6[%add3A, %add3A_24, %dma_wait3A_55] : memref<32x125x80xf32, #tpu.memory_space<hbm>> -> memref<1x1x80xf32, #tpu.memory_space<hbm>>
        %dma_wait3A_57 = tpu.memref_squeeze %dma_wait3A_56 : memref<1x1x80xf32, #tpu.memory_space<hbm>> -> memref<1x80xf32, #tpu.memory_space<hbm>>
        tpu.wait_dma2 semaphore(%run_scoped3A : memref<!tpu.dma_semaphore, #tpu.memory_space<semaphore_mem>>) src(%dma_wait3A_57 : memref<1x80xf32, #tpu.memory_space<hbm>>) dst(%arg12 : memref<1x80xf32, #tpu.memory_space<vmem>>)
        tpu.yield
      }) : () -> ()
      %scan3A_25 = arith.constant 0 : i32
      %mul3A_26 = arith.constant 1 : i32
      %mul3A_27 = arith.muli %scan3A_25, %mul3A_26 : i32
      %add3A_28 = arith.constant 0 : i32
      %add3A_29 = arith.addi %add3A_28, %mul3A_27 : i32
      %dma_start3A = arith.constant 0 : i32
      %dma_start3A_30 = tpu.memref_slice %arg10[%add3A_29, %dma_start3A] : memref<1x80xi32, #tpu.memory_space<vmem>> -> memref<1x80xi32, #tpu.memory_space<vmem>>
      %dma_start3A_31 = tpu.memref_squeeze %dma_start3A_30 : memref<1x80xi32, #tpu.memory_space<vmem>> -> memref<80xi32, #tpu.memory_space<vmem>>
      %dma_start3A_32 = arith.constant 0 : i32
      %dma_start3A_33 = arith.constant 0 : i32
      %dma_start3A_34 = tpu.memref_slice %arg2[%dma_start3A_32, %dma_start3A_33] : memref<10000x80xf32, #tpu.memory_space<hbm>> -> memref<10000x80xf32, #tpu.memory_space<hbm>>
      tpu.enqueue_indirect_dma source(%dma_start3A_34 : memref<10000x80xf32, #tpu.memory_space<hbm>>) target(%arg13 : memref<80x80xf32, #tpu.memory_space<vmem>>) offsets(%dma_start3A_31 : memref<80xi32, #tpu.memory_space<vmem>>) semaphore(%arg15 : memref<!tpu.dma_semaphore, #tpu.memory_space<semaphore_mem>>)
      %dma_wait3A = arith.constant 0 : i32
      %dma_wait3A_35 = tpu.memref_slice %arg10[%add3A_29, %dma_wait3A] : memref<1x80xi32, #tpu.memory_space<vmem>> -> memref<1x80xi32, #tpu.memory_space<vmem>>
      %dma_wait3A_36 = tpu.memref_squeeze %dma_wait3A_35 : memref<1x80xi32, #tpu.memory_space<vmem>> -> memref<80xi32, #tpu.memory_space<vmem>>
      %dma_wait3A_37 = arith.constant 0 : i32
      %dma_wait3A_38 = arith.constant 0 : i32
      %dma_wait3A_39 = tpu.memref_slice %arg2[%dma_wait3A_37, %dma_wait3A_38] : memref<10000x80xf32, #tpu.memory_space<hbm>> -> memref<10000x80xf32, #tpu.memory_space<hbm>>
      tpu.wait_indirect_dma semaphore(%arg15 : memref<!tpu.dma_semaphore, #tpu.memory_space<semaphore_mem>>) src(%dma_wait3A_39 : memref<10000x80xf32, #tpu.memory_space<hbm>>) dst(%arg13 : memref<80x80xf32, #tpu.memory_space<vmem>>)
      %scan3A_40 = arith.constant 0 : i32
      %scan3A_41 = arith.constant 5 : i32
      %scan3A_42 = arith.addi %scan3A_40, %scan3A_41 : i32
      %scan3A_43 = arith.constant 1 : i32
      scf.for %scan3A_46 = %scan3A_40 to %scan3A_42 step %scan3A_43  : i32 {
        %mul3A_47 = arith.constant 16 : i32
        %mul3A_48 = arith.muli %scan3A_46, %mul3A_47 : i32
        %add3A_49 = arith.constant 0 : i32
        %add3A_50 = arith.addi %add3A_49, %mul3A_48 : i32
        %get3A = arith.index_cast %add3A_29 : i32 to index
        %get3A_51 = arith.index_cast %add3A_50 : i32 to index
        %get3A_52 = tpu.vector_load %arg10[%get3A, %get3A_51] {strides = array<i32>} : memref<1x80xi32, #tpu.memory_space<vmem>>, vector<16xi32>,
        %get3A_53 = arith.index_cast %add3A_29 : i32 to index
        %get3A_54 = arith.index_cast %add3A_50 : i32 to index
        %get3A_55 = tpu.vector_load %arg11[%get3A_53, %get3A_54] {strides = array<i32>} : memref<1x80xi32, #tpu.memory_space<vmem>>, vector<16xi32>,
        %mul3A_56 = arith.constant 2 : i32
        %mul3A_57 = vector.broadcast %mul3A_56 : i32 to vector<16xi32>
        %mul3A_58 = arith.muli %get3A_52, %mul3A_57 : vector<16xi32>
        %gather3A = tpu.vector_load_idx %arg9[%mul3A_58] : memref<20000xf32, #tpu.memory_space<vmem>>[vector<16xi32>], vector<16xf32>,
        %mul3A_59 = arith.constant 2 : i32
        %mul3A_60 = vector.broadcast %mul3A_59 : i32 to vector<16xi32>
        %mul3A_61 = arith.muli %get3A_55, %mul3A_60 : vector<16xi32>
        %add3A_62 = arith.constant 1 : i32
        %add3A_63 = vector.broadcast %add3A_62 : i32 to vector<16xi32>
        %add3A_64 = arith.addi %mul3A_61, %add3A_63 : vector<16xi32>
        %gather3A_65 = tpu.vector_load_idx %arg9[%add3A_64] : memref<20000xf32, #tpu.memory_space<vmem>>[vector<16xi32>], vector<16xf32>,
        %add3A_66 = arith.addf %gather3A, %gather3A_65 : vector<16xf32>
        %ge3A = arith.constant 0.000000e+00 : f32
        %ge3A_67 = vector.broadcast %ge3A : f32 to vector<16xf32>
        %ge3A_68 = arith.cmpf oge, %add3A_66, %ge3A_67 : vector<16xf32>
        %mul3A_69 = arith.constant 2.000000e-01 : f32
        %mul3A_70 = vector.broadcast %mul3A_69 : f32 to vector<16xf32>
        %mul3A_71 = arith.mulf %add3A_66, %mul3A_70 : vector<16xf32>
        %select_n3A = arith.select %ge3A_68, %add3A_66, %mul3A_71 : vector<16xi1>, vector<16xf32>
        %exp3A = math.exp %select_n3A : vector<16xf32>
        %get3A_72 = arith.index_cast %add3A_29 : i32 to index
        %get3A_73 = arith.index_cast %add3A_50 : i32 to index
        %get3A_74 = tpu.vector_load %arg12[%get3A_72, %get3A_73] {strides = array<i32>} : memref<1x80xf32, #tpu.memory_space<vmem>>, vector<16xf32>,
        %mul3A_75 = arith.mulf %exp3A, %get3A_74 : vector<16xf32>
        %slice3A = vector.extract_strided_slice %mul3A_75 {offsets = [0], sizes = [1], strides = [1]} : vector<16xf32> to vector<1xf32>
        %squeeze3A = vector.extract %slice3A[0] : f32 from vector<1xf32>
        %slice3A_76 = vector.extract_strided_slice %exp3A {offsets = [0], sizes = [1], strides = [1]} : vector<16xf32> to vector<1xf32>
        %squeeze3A_77 = vector.extract %slice3A_76[0] : f32 from vector<1xf32>
        %add3A_78 = arith.constant 0 : i32
        %add3A_79 = arith.addi %add3A_50, %add3A_78 : i32
        %get3A_80 = arith.index_cast %add3A_79 : i32 to index
        %get3A_81 = arith.constant 0 : index
        %get3A_82 = tpu.vector_load %arg13[%get3A_80, %get3A_81] {strides = array<i32>} : memref<80x80xf32, #tpu.memory_space<vmem>>, vector<16xf32>,
        %mul3A_83 = vector.broadcast %squeeze3A : f32 to vector<16xf32>
        %mul3A_84 = arith.mulf %get3A_82, %mul3A_83 : vector<16xf32>
        %swap3A = arith.index_cast %add3A_79 : i32 to index
        %swap3A_85 = arith.constant 0 : index
        %swap3A_86 = tpu.vector_load %arg13[%swap3A, %swap3A_85] {strides = array<i32>} : memref<80x80xf32, #tpu.memory_space<vmem>>, vector<16xf32>,
        tpu.vector_store %arg13[%swap3A, %swap3A_85], %mul3A_84 {strides = array<i32>} : memref<80x80xf32, #tpu.memory_space<vmem>>, vector<16xf32>,
        %get3A_87 = arith.index_cast %add3A_79 : i32 to index
        %get3A_88 = arith.constant 16 : index
        %get3A_89 = tpu.vector_load %arg13[%get3A_87, %get3A_88] {strides = array<i32>} : memref<80x80xf32, #tpu.memory_space<vmem>>, vector<16xf32>,
        %mul3A_90 = vector.broadcast %squeeze3A : f32 to vector<16xf32>
        %mul3A_91 = arith.mulf %get3A_89, %mul3A_90 : vector<16xf32>
        %swap3A_92 = arith.index_cast %add3A_79 : i32 to index
        %swap3A_93 = arith.constant 16 : index
        %swap3A_94 = tpu.vector_load %arg13[%swap3A_92, %swap3A_93] {strides = array<i32>} : memref<80x80xf32, #tpu.memory_space<vmem>>, vector<16xf32>,
        tpu.vector_store %arg13[%swap3A_92, %swap3A_93], %mul3A_91 {strides = array<i32>} : memref<80x80xf32, #tpu.memory_space<vmem>>, vector<16xf32>,
        %get3A_95 = arith.index_cast %add3A_79 : i32 to index
        %get3A_96 = arith.constant 32 : index
        %get3A_97 = tpu.vector_load %arg13[%get3A_95, %get3A_96] {strides = array<i32>} : memref<80x80xf32, #tpu.memory_space<vmem>>, vector<16xf32>,
        %mul3A_98 = vector.broadcast %squeeze3A : f32 to vector<16xf32>
        %mul3A_99 = arith.mulf %get3A_97, %mul3A_98 : vector<16xf32>
        %swap3A_100 = arith.index_cast %add3A_79 : i32 to index
        %swap3A_101 = arith.constant 32 : index
        %swap3A_102 = tpu.vector_load %arg13[%swap3A_100, %swap3A_101] {strides = array<i32>} : memref<80x80xf32, #tpu.memory_space<vmem>>, vector<16xf32>,
        tpu.vector_store %arg13[%swap3A_100, %swap3A_101], %mul3A_99 {strides = array<i32>} : memref<80x80xf32, #tpu.memory_space<vmem>>, vector<16xf32>,
        %get3A_103 = arith.index_cast %add3A_79 : i32 to index
        %get3A_104 = arith.constant 48 : index
        %get3A_105 = tpu.vector_load %arg13[%get3A_103, %get3A_104] {strides = array<i32>} : memref<80x80xf32, #tpu.memory_space<vmem>>, vector<16xf32>,
        %mul3A_106 = vector.broadcast %squeeze3A : f32 to vector<16xf32>
        %mul3A_107 = arith.mulf %get3A_105, %mul3A_106 : vector<16xf32>
        %swap3A_108 = arith.index_cast %add3A_79 : i32 to index
        %swap3A_109 = arith.constant 48 : index
        %swap3A_110 = tpu.vector_load %arg13[%swap3A_108, %swap3A_109] {strides = array<i32>} : memref<80x80xf32, #tpu.memory_space<vmem>>, vector<16xf32>,
        tpu.vector_store %arg13[%swap3A_108, %swap3A_109], %mul3A_107 {strides = array<i32>} : memref<80x80xf32, #tpu.memory_space<vmem>>, vector<16xf32>,
        %get3A_111 = arith.index_cast %add3A_79 : i32 to index
        %get3A_112 = arith.constant 64 : index
        %get3A_113 = tpu.vector_load %arg13[%get3A_111, %get3A_112] {strides = array<i32>} : memref<80x80xf32, #tpu.memory_space<vmem>>, vector<16xf32>,
        %mul3A_114 = vector.broadcast %squeeze3A_77 : f32 to vector<16xf32>
        %mul3A_115 = arith.mulf %get3A_113, %mul3A_114 : vector<16xf32>
        %swap3A_116 = arith.index_cast %add3A_79 : i32 to index
        %swap3A_117 = arith.constant 64 : index
        %swap3A_118 = tpu.vector_load %arg13[%swap3A_116, %swap3A_117] {strides = array<i32>} : memref<80x80xf32, #tpu.memory_space<vmem>>, vector<16xf32>,
        tpu.vector_store %arg13[%swap3A_116, %swap3A_117], %mul3A_115 {strides = array<i32>} : memref<80x80xf32, #tpu.memory_space<vmem>>, vector<16xf32>,
        %slice3A_119 = vector.extract_strided_slice %mul3A_75 {offsets = [1], sizes = [1], strides = [1]} : vector<16xf32> to vector<1xf32>
        %squeeze3A_120 = vector.extract %slice3A_119[0] : f32 from vector<1xf32>
        %slice3A_121 = vector.extract_strided_slice %exp3A {offsets = [1], sizes = [1], strides = [1]} : vector<16xf32> to vector<1xf32>
        %squeeze3A_122 = vector.extract %slice3A_121[0] : f32 from vector<1xf32>
        %add3A_123 = arith.constant 1 : i32
        %add3A_124 = arith.addi %add3A_50, %add3A_123 : i32
        %get3A_125 = arith.index_cast %add3A_124 : i32 to index
        %get3A_126 = arith.constant 0 : index
        %get3A_127 = tpu.vector_load %arg13[%get3A_125, %get3A_126] {strides = array<i32>} : memref<80x80xf32, #tpu.memory_space<vmem>>, vector<16xf32>,
        %mul3A_128 = vector.broadcast %squeeze3A_120 : f32 to vector<16xf32>
        %mul3A_129 = arith.mulf %get3A_127, %mul3A_128 : vector<16xf32>
        %swap3A_130 = arith.index_cast %add3A_124 : i32 to index
        %swap3A_131 = arith.constant 0 : index
        %swap3A_132 = tpu.vector_load %arg13[%swap3A_130, %swap3A_131] {strides = array<i32>} : memref<80x80xf32, #tpu.memory_space<vmem>>, vector<16xf32>,
        tpu.vector_store %arg13[%swap3A_130, %swap3A_131], %mul3A_129 {strides = array<i32>} : memref<80x80xf32, #tpu.memory_space<vmem>>, vector<16xf32>,
        %get3A_133 = arith.index_cast %add3A_124 : i32 to index
        %get3A_134 = arith.constant 16 : index
        %get3A_135 = tpu.vector_load %arg13[%get3A_133, %get3A_134] {strides = array<i32>} : memref<80x80xf32, #tpu.memory_space<vmem>>, vector<16xf32>,
        %mul3A_136 = vector.broadcast %squeeze3A_120 : f32 to vector<16xf32>
        %mul3A_137 = arith.mulf %get3A_135, %mul3A_136 : vector<16xf32>
        %swap3A_138 = arith.index_cast %add3A_124 : i32 to index
        %swap3A_139 = arith.constant 16 : index
        %swap3A_140 = tpu.vector_load %arg13[%swap3A_138, %swap3A_139] {strides = array<i32>} : memref<80x80xf32, #tpu.memory_space<vmem>>, vector<16xf32>,
        tpu.vector_store %arg13[%swap3A_138, %swap3A_139], %mul3A_137 {strides = array<i32>} : memref<80x80xf32, #tpu.memory_space<vmem>>, vector<16xf32>,
        %get3A_141 = arith.index_cast %add3A_124 : i32 to index
        %get3A_142 = arith.constant 32 : index
        %get3A_143 = tpu.vector_load %arg13[%get3A_141, %get3A_142] {strides = array<i32>} : memref<80x80xf32, #tpu.memory_space<vmem>>, vector<16xf32>,
        %mul3A_144 = vector.broadcast %squeeze3A_120 : f32 to vector<16xf32>
        %mul3A_145 = arith.mulf %get3A_143, %mul3A_144 : vector<16xf32>
        %swap3A_146 = arith.index_cast %add3A_124 : i32 to index
        %swap3A_147 = arith.constant 32 : index
        %swap3A_148 = tpu.vector_load %arg13[%swap3A_146, %swap3A_147] {strides = array<i32>} : memref<80x80xf32, #tpu.memory_space<vmem>>, vector<16xf32>,
        tpu.vector_store %arg13[%swap3A_146, %swap3A_147], %mul3A_145 {strides = array<i32>} : memref<80x80xf32, #tpu.memory_space<vmem>>, vector<16xf32>,
        %get3A_149 = arith.index_cast %add3A_124 : i32 to index
        %get3A_150 = arith.constant 48 : index
        %get3A_151 = tpu.vector_load %arg13[%get3A_149, %get3A_150] {strides = array<i32>} : memref<80x80xf32, #tpu.memory_space<vmem>>, vector<16xf32>,
        %mul3A_152 = vector.broadcast %squeeze3A_120 : f32 to vector<16xf32>
        %mul3A_153 = arith.mulf %get3A_151, %mul3A_152 : vector<16xf32>
        %swap3A_154 = arith.index_cast %add3A_124 : i32 to index
        %swap3A_155 = arith.constant 48 : index
        %swap3A_156 = tpu.vector_load %arg13[%swap3A_154, %swap3A_155] {strides = array<i32>} : memref<80x80xf32, #tpu.memory_space<vmem>>, vector<16xf32>,
        tpu.vector_store %arg13[%swap3A_154, %swap3A_155], %mul3A_153 {strides = array<i32>} : memref<80x80xf32, #tpu.memory_space<vmem>>, vector<16xf32>,
        %get3A_157 = arith.index_cast %add3A_124 : i32 to index
        %get3A_158 = arith.constant 64 : index
        %get3A_159 = tpu.vector_load %arg13[%get3A_157, %get3A_158] {strides = array<i32>} : memref<80x80xf32, #tpu.memory_space<vmem>>, vector<16xf32>,
        %mul3A_160 = vector.broadcast %squeeze3A_122 : f32 to vector<16xf32>
        %mul3A_161 = arith.mulf %get3A_159, %mul3A_160 : vector<16xf32>
        %swap3A_162 = arith.index_cast %add3A_124 : i32 to index
        %swap3A_163 = arith.constant 64 : index
        %swap3A_164 = tpu.vector_load %arg13[%swap3A_162, %swap3A_163] {strides = array<i32>} : memref<80x80xf32, #tpu.memory_space<vmem>>, vector<16xf32>,
        tpu.vector_store %arg13[%swap3A_162, %swap3A_163], %mul3A_161 {strides = array<i32>} : memref<80x80xf32, #tpu.memory_space<vmem>>, vector<16xf32>,
        %slice3A_165 = vector.extract_strided_slice %mul3A_75 {offsets = [2], sizes = [1], strides = [1]} : vector<16xf32> to vector<1xf32>
        %squeeze3A_166 = vector.extract %slice3A_165[0] : f32 from vector<1xf32>
        %slice3A_167 = vector.extract_strided_slice %exp3A {offsets = [2], sizes = [1], strides = [1]} : vector<16xf32> to vector<1xf32>
        %squeeze3A_168 = vector.extract %slice3A_167[0] : f32 from vector<1xf32>
        %add3A_169 = arith.constant 2 : i32
        %add3A_170 = arith.addi %add3A_50, %add3A_169 : i32
        %get3A_171 = arith.index_cast %add3A_170 : i32 to index
        %get3A_172 = arith.constant 0 : index
        %get3A_173 = tpu.vector_load %arg13[%get3A_171, %get3A_172] {strides = array<i32>} : memref<80x80xf32, #tpu.memory_space<vmem>>, vector<16xf32>,
        %mul3A_174 = vector.broadcast %squeeze3A_166 : f32 to vector<16xf32>
        %mul3A_175 = arith.mulf %get3A_173, %mul3A_174 : vector<16xf32>
        %swap3A_176 = arith.index_cast %add3A_170 : i32 to index
        %swap3A_177 = arith.constant 0 : index
        %swap3A_178 = tpu.vector_load %arg13[%swap3A_176, %swap3A_177] {strides = array<i32>} : memref<80x80xf32, #tpu.memory_space<vmem>>, vector<16xf32>,
        tpu.vector_store %arg13[%swap3A_176, %swap3A_177], %mul3A_175 {strides = array<i32>} : memref<80x80xf32, #tpu.memory_space<vmem>>, vector<16xf32>,
        %get3A_179 = arith.index_cast %add3A_170 : i32 to index
        %get3A_180 = arith.constant 16 : index
        %get3A_181 = tpu.vector_load %arg13[%get3A_179, %get3A_180] {strides = array<i32>} : memref<80x80xf32, #tpu.memory_space<vmem>>, vector<16xf32>,
        %mul3A_182 = vector.broadcast %squeeze3A_166 : f32 to vector<16xf32>
        %mul3A_183 = arith.mulf %get3A_181, %mul3A_182 : vector<16xf32>
        %swap3A_184 = arith.index_cast %add3A_170 : i32 to index
        %swap3A_185 = arith.constant 16 : index
        %swap3A_186 = tpu.vector_load %arg13[%swap3A_184, %swap3A_185] {strides = array<i32>} : memref<80x80xf32, #tpu.memory_space<vmem>>, vector<16xf32>,
        tpu.vector_store %arg13[%swap3A_184, %swap3A_185], %mul3A_183 {strides = array<i32>} : memref<80x80xf32, #tpu.memory_space<vmem>>, vector<16xf32>,
        %get3A_187 = arith.index_cast %add3A_170 : i32 to index
        %get3A_188 = arith.constant 32 : index
        %get3A_189 = tpu.vector_load %arg13[%get3A_187, %get3A_188] {strides = array<i32>} : memref<80x80xf32, #tpu.memory_space<vmem>>, vector<16xf32>,
        %mul3A_190 = vector.broadcast %squeeze3A_166 : f32 to vector<16xf32>
        %mul3A_191 = arith.mulf %get3A_189, %mul3A_190 : vector<16xf32>
        %swap3A_192 = arith.index_cast %add3A_170 : i32 to index
        %swap3A_193 = arith.constant 32 : index
        %swap3A_194 = tpu.vector_load %arg13[%swap3A_192, %swap3A_193] {strides = array<i32>} : memref<80x80xf32, #tpu.memory_space<vmem>>, vector<16xf32>,
        tpu.vector_store %arg13[%swap3A_192, %swap3A_193], %mul3A_191 {strides = array<i32>} : memref<80x80xf32, #tpu.memory_space<vmem>>, vector<16xf32>,
        %get3A_195 = arith.index_cast %add3A_170 : i32 to index
        %get3A_196 = arith.constant 48 : index
        %get3A_197 = tpu.vector_load %arg13[%get3A_195, %get3A_196] {strides = array<i32>} : memref<80x80xf32, #tpu.memory_space<vmem>>, vector<16xf32>,
        %mul3A_198 = vector.broadcast %squeeze3A_166 : f32 to vector<16xf32>
        %mul3A_199 = arith.mulf %get3A_197, %mul3A_198 : vector<16xf32>
        %swap3A_200 = arith.index_cast %add3A_170 : i32 to index
        %swap3A_201 = arith.constant 48 : index
        %swap3A_202 = tpu.vector_load %arg13[%swap3A_200, %swap3A_201] {strides = array<i32>} : memref<80x80xf32, #tpu.memory_space<vmem>>, vector<16xf32>,
        tpu.vector_store %arg13[%swap3A_200, %swap3A_201], %mul3A_199 {strides = array<i32>} : memref<80x80xf32, #tpu.memory_space<vmem>>, vector<16xf32>,
        %get3A_203 = arith.index_cast %add3A_170 : i32 to index
        %get3A_204 = arith.constant 64 : index
        %get3A_205 = tpu.vector_load %arg13[%get3A_203, %get3A_204] {strides = array<i32>} : memref<80x80xf32, #tpu.memory_space<vmem>>, vector<16xf32>,
        %mul3A_206 = vector.broadcast %squeeze3A_168 : f32 to vector<16xf32>
        %mul3A_207 = arith.mulf %get3A_205, %mul3A_206 : vector<16xf32>
        %swap3A_208 = arith.index_cast %add3A_170 : i32 to index
        %swap3A_209 = arith.constant 64 : index
        %swap3A_210 = tpu.vector_load %arg13[%swap3A_208, %swap3A_209] {strides = array<i32>} : memref<80x80xf32, #tpu.memory_space<vmem>>, vector<16xf32>,
        tpu.vector_store %arg13[%swap3A_208, %swap3A_209], %mul3A_207 {strides = array<i32>} : memref<80x80xf32, #tpu.memory_space<vmem>>, vector<16xf32>,
        %slice3A_211 = vector.extract_strided_slice %mul3A_75 {offsets = [3], sizes = [1], strides = [1]} : vector<16xf32> to vector<1xf32>
        %squeeze3A_212 = vector.extract %slice3A_211[0] : f32 from vector<1xf32>
        %slice3A_213 = vector.extract_strided_slice %exp3A {offsets = [3], sizes = [1], strides = [1]} : vector<16xf32> to vector<1xf32>
        %squeeze3A_214 = vector.extract %slice3A_213[0] : f32 from vector<1xf32>
        %add3A_215 = arith.constant 3 : i32
        %add3A_216 = arith.addi %add3A_50, %add3A_215 : i32
        %get3A_217 = arith.index_cast %add3A_216 : i32 to index
        %get3A_218 = arith.constant 0 : index
        %get3A_219 = tpu.vector_load %arg13[%get3A_217, %get3A_218] {strides = array<i32>} : memref<80x80xf32, #tpu.memory_space<vmem>>, vector<16xf32>,
        %mul3A_220 = vector.broadcast %squeeze3A_212 : f32 to vector<16xf32>
        %mul3A_221 = arith.mulf %get3A_219, %mul3A_220 : vector<16xf32>
        %swap3A_222 = arith.index_cast %add3A_216 : i32 to index
        %swap3A_223 = arith.constant 0 : index
        %swap3A_224 = tpu.vector_load %arg13[%swap3A_222, %swap3A_223] {strides = array<i32>} : memref<80x80xf32, #tpu.memory_space<vmem>>, vector<16xf32>,
        tpu.vector_store %arg13[%swap3A_222, %swap3A_223], %mul3A_221 {strides = array<i32>} : memref<80x80xf32, #tpu.memory_space<vmem>>, vector<16xf32>,
        %get3A_225 = arith.index_cast %add3A_216 : i32 to index
        %get3A_226 = arith.constant 16 : index
        %get3A_227 = tpu.vector_load %arg13[%get3A_225, %get3A_226] {strides = array<i32>} : memref<80x80xf32, #tpu.memory_space<vmem>>, vector<16xf32>,
        %mul3A_228 = vector.broadcast %squeeze3A_212 : f32 to vector<16xf32>
        %mul3A_229 = arith.mulf %get3A_227, %mul3A_228 : vector<16xf32>
        %swap3A_230 = arith.index_cast %add3A_216 : i32 to index
        %swap3A_231 = arith.constant 16 : index
        %swap3A_232 = tpu.vector_load %arg13[%swap3A_230, %swap3A_231] {strides = array<i32>} : memref<80x80xf32, #tpu.memory_space<vmem>>, vector<16xf32>,
        tpu.vector_store %arg13[%swap3A_230, %swap3A_231], %mul3A_229 {strides = array<i32>} : memref<80x80xf32, #tpu.memory_space<vmem>>, vector<16xf32>,
        %get3A_233 = arith.index_cast %add3A_216 : i32 to index
        %get3A_234 = arith.constant 32 : index
        %get3A_235 = tpu.vector_load %arg13[%get3A_233, %get3A_234] {strides = array<i32>} : memref<80x80xf32, #tpu.memory_space<vmem>>, vector<16xf32>,
        %mul3A_236 = vector.broadcast %squeeze3A_212 : f32 to vector<16xf32>
        %mul3A_237 = arith.mulf %get3A_235, %mul3A_236 : vector<16xf32>
        %swap3A_238 = arith.index_cast %add3A_216 : i32 to index
        %swap3A_239 = arith.constant 32 : index
        %swap3A_240 = tpu.vector_load %arg13[%swap3A_238, %swap3A_239] {strides = array<i32>} : memref<80x80xf32, #tpu.memory_space<vmem>>, vector<16xf32>,
        tpu.vector_store %arg13[%swap3A_238, %swap3A_239], %mul3A_237 {strides = array<i32>} : memref<80x80xf32, #tpu.memory_space<vmem>>, vector<16xf32>,
        %get3A_241 = arith.index_cast %add3A_216 : i32 to index
        %get3A_242 = arith.constant 48 : index
        %get3A_243 = tpu.vector_load %arg13[%get3A_241, %get3A_242] {strides = array<i32>} : memref<80x80xf32, #tpu.memory_space<vmem>>, vector<16xf32>,
        %mul3A_244 = vector.broadcast %squeeze3A_212 : f32 to vector<16xf32>
        %mul3A_245 = arith.mulf %get3A_243, %mul3A_244 : vector<16xf32>
        %swap3A_246 = arith.index_cast %add3A_216 : i32 to index
        %swap3A_247 = arith.constant 48 : index
        %swap3A_248 = tpu.vector_load %arg13[%swap3A_246, %swap3A_247] {strides = array<i32>} : memref<80x80xf32, #tpu.memory_space<vmem>>, vector<16xf32>,
        tpu.vector_store %arg13[%swap3A_246, %swap3A_247], %mul3A_245 {strides = array<i32>} : memref<80x80xf32, #tpu.memory_space<vmem>>, vector<16xf32>,
        %get3A_249 = arith.index_cast %add3A_216 : i32 to index
        %get3A_250 = arith.constant 64 : index
        %get3A_251 = tpu.vector_load %arg13[%get3A_249, %get3A_250] {strides = array<i32>} : memref<80x80xf32, #tpu.memory_space<vmem>>, vector<16xf32>,
        %mul3A_252 = vector.broadcast %squeeze3A_214 : f32 to vector<16xf32>
        %mul3A_253 = arith.mulf %get3A_251, %mul3A_252 : vector<16xf32>
        %swap3A_254 = arith.index_cast %add3A_216 : i32 to index
        %swap3A_255 = arith.constant 64 : index
        %swap3A_256 = tpu.vector_load %arg13[%swap3A_254, %swap3A_255] {strides = array<i32>} : memref<80x80xf32, #tpu.memory_space<vmem>>, vector<16xf32>,
        tpu.vector_store %arg13[%swap3A_254, %swap3A_255], %mul3A_253 {strides = array<i32>} : memref<80x80xf32, #tpu.memory_space<vmem>>, vector<16xf32>,
        %slice3A_257 = vector.extract_strided_slice %mul3A_75 {offsets = [4], sizes = [1], strides = [1]} : vector<16xf32> to vector<1xf32>
        %squeeze3A_258 = vector.extract %slice3A_257[0] : f32 from vector<1xf32>
        %slice3A_259 = vector.extract_strided_slice %exp3A {offsets = [4], sizes = [1], strides = [1]} : vector<16xf32> to vector<1xf32>
        %squeeze3A_260 = vector.extract %slice3A_259[0] : f32 from vector<1xf32>
        %add3A_261 = arith.constant 4 : i32
        %add3A_262 = arith.addi %add3A_50, %add3A_261 : i32
        %get3A_263 = arith.index_cast %add3A_262 : i32 to index
        %get3A_264 = arith.constant 0 : index
        %get3A_265 = tpu.vector_load %arg13[%get3A_263, %get3A_264] {strides = array<i32>} : memref<80x80xf32, #tpu.memory_space<vmem>>, vector<16xf32>,
        %mul3A_266 = vector.broadcast %squeeze3A_258 : f32 to vector<16xf32>
        %mul3A_267 = arith.mulf %get3A_265, %mul3A_266 : vector<16xf32>
        %swap3A_268 = arith.index_cast %add3A_262 : i32 to index
        %swap3A_269 = arith.constant 0 : index
        %swap3A_270 = tpu.vector_load %arg13[%swap3A_268, %swap3A_269] {strides = array<i32>} : memref<80x80xf32, #tpu.memory_space<vmem>>, vector<16xf32>,
        tpu.vector_store %arg13[%swap3A_268, %swap3A_269], %mul3A_267 {strides = array<i32>} : memref<80x80xf32, #tpu.memory_space<vmem>>, vector<16xf32>,
        %get3A_271 = arith.index_cast %add3A_262 : i32 to index
        %get3A_272 = arith.constant 16 : index
        %get3A_273 = tpu.vector_load %arg13[%get3A_271, %get3A_272] {strides = array<i32>} : memref<80x80xf32, #tpu.memory_space<vmem>>, vector<16xf32>,
        %mul3A_274 = vector.broadcast %squeeze3A_258 : f32 to vector<16xf32>
        %mul3A_275 = arith.mulf %get3A_273, %mul3A_274 : vector<16xf32>
        %swap3A_276 = arith.index_cast %add3A_262 : i32 to index
        %swap3A_277 = arith.constant 16 : index
        %swap3A_278 = tpu.vector_load %arg13[%swap3A_276, %swap3A_277] {strides = array<i32>} : memref<80x80xf32, #tpu.memory_space<vmem>>, vector<16xf32>,
        tpu.vector_store %arg13[%swap3A_276, %swap3A_277], %mul3A_275 {strides = array<i32>} : memref<80x80xf32, #tpu.memory_space<vmem>>, vector<16xf32>,
        %get3A_279 = arith.index_cast %add3A_262 : i32 to index
        %get3A_280 = arith.constant 32 : index
        %get3A_281 = tpu.vector_load %arg13[%get3A_279, %get3A_280] {strides = array<i32>} : memref<80x80xf32, #tpu.memory_space<vmem>>, vector<16xf32>,
        %mul3A_282 = vector.broadcast %squeeze3A_258 : f32 to vector<16xf32>
        %mul3A_283 = arith.mulf %get3A_281, %mul3A_282 : vector<16xf32>
        %swap3A_284 = arith.index_cast %add3A_262 : i32 to index
        %swap3A_285 = arith.constant 32 : index
        %swap3A_286 = tpu.vector_load %arg13[%swap3A_284, %swap3A_285] {strides = array<i32>} : memref<80x80xf32, #tpu.memory_space<vmem>>, vector<16xf32>,
        tpu.vector_store %arg13[%swap3A_284, %swap3A_285], %mul3A_283 {strides = array<i32>} : memref<80x80xf32, #tpu.memory_space<vmem>>, vector<16xf32>,
        %get3A_287 = arith.index_cast %add3A_262 : i32 to index
        %get3A_288 = arith.constant 48 : index
        %get3A_289 = tpu.vector_load %arg13[%get3A_287, %get3A_288] {strides = array<i32>} : memref<80x80xf32, #tpu.memory_space<vmem>>, vector<16xf32>,
        %mul3A_290 = vector.broadcast %squeeze3A_258 : f32 to vector<16xf32>
        %mul3A_291 = arith.mulf %get3A_289, %mul3A_290 : vector<16xf32>
        %swap3A_292 = arith.index_cast %add3A_262 : i32 to index
        %swap3A_293 = arith.constant 48 : index
        %swap3A_294 = tpu.vector_load %arg13[%swap3A_292, %swap3A_293] {strides = array<i32>} : memref<80x80xf32, #tpu.memory_space<vmem>>, vector<16xf32>,
        tpu.vector_store %arg13[%swap3A_292, %swap3A_293], %mul3A_291 {strides = array<i32>} : memref<80x80xf32, #tpu.memory_space<vmem>>, vector<16xf32>,
        %get3A_295 = arith.index_cast %add3A_262 : i32 to index
        %get3A_296 = arith.constant 64 : index
        %get3A_297 = tpu.vector_load %arg13[%get3A_295, %get3A_296] {strides = array<i32>} : memref<80x80xf32, #tpu.memory_space<vmem>>, vector<16xf32>,
        %mul3A_298 = vector.broadcast %squeeze3A_260 : f32 to vector<16xf32>
        %mul3A_299 = arith.mulf %get3A_297, %mul3A_298 : vector<16xf32>
        %swap3A_300 = arith.index_cast %add3A_262 : i32 to index
        %swap3A_301 = arith.constant 64 : index
        %swap3A_302 = tpu.vector_load %arg13[%swap3A_300, %swap3A_301] {strides = array<i32>} : memref<80x80xf32, #tpu.memory_space<vmem>>, vector<16xf32>,
        tpu.vector_store %arg13[%swap3A_300, %swap3A_301], %mul3A_299 {strides = array<i32>} : memref<80x80xf32, #tpu.memory_space<vmem>>, vector<16xf32>,
        %slice3A_303 = vector.extract_strided_slice %mul3A_75 {offsets = [5], sizes = [1], strides = [1]} : vector<16xf32> to vector<1xf32>
        %squeeze3A_304 = vector.extract %slice3A_303[0] : f32 from vector<1xf32>
        %slice3A_305 = vector.extract_strided_slice %exp3A {offsets = [5], sizes = [1], strides = [1]} : vector<16xf32> to vector<1xf32>
        %squeeze3A_306 = vector.extract %slice3A_305[0] : f32 from vector<1xf32>
        %add3A_307 = arith.constant 5 : i32
        %add3A_308 = arith.addi %add3A_50, %add3A_307 : i32
        %get3A_309 = arith.index_cast %add3A_308 : i32 to index
        %get3A_310 = arith.constant 0 : index
        %get3A_311 = tpu.vector_load %arg13[%get3A_309, %get3A_310] {strides = array<i32>} : memref<80x80xf32, #tpu.memory_space<vmem>>, vector<16xf32>,
        %mul3A_312 = vector.broadcast %squeeze3A_304 : f32 to vector<16xf32>
        %mul3A_313 = arith.mulf %get3A_311, %mul3A_312 : vector<16xf32>
        %swap3A_314 = arith.index_cast %add3A_308 : i32 to index
        %swap3A_315 = arith.constant 0 : index
        %swap3A_316 = tpu.vector_load %arg13[%swap3A_314, %swap3A_315] {strides = array<i32>} : memref<80x80xf32, #tpu.memory_space<vmem>>, vector<16xf32>,
        tpu.vector_store %arg13[%swap3A_314, %swap3A_315], %mul3A_313 {strides = array<i32>} : memref<80x80xf32, #tpu.memory_space<vmem>>, vector<16xf32>,
        %get3A_317 = arith.index_cast %add3A_308 : i32 to index
        %get3A_318 = arith.constant 16 : index
        %get3A_319 = tpu.vector_load %arg13[%get3A_317, %get3A_318] {strides = array<i32>} : memref<80x80xf32, #tpu.memory_space<vmem>>, vector<16xf32>,
        %mul3A_320 = vector.broadcast %squeeze3A_304 : f32 to vector<16xf32>
        %mul3A_321 = arith.mulf %get3A_319, %mul3A_320 : vector<16xf32>
        %swap3A_322 = arith.index_cast %add3A_308 : i32 to index
        %swap3A_323 = arith.constant 16 : index
        %swap3A_324 = tpu.vector_load %arg13[%swap3A_322, %swap3A_323] {strides = array<i32>} : memref<80x80xf32, #tpu.memory_space<vmem>>, vector<16xf32>,
        tpu.vector_store %arg13[%swap3A_322, %swap3A_323], %mul3A_321 {strides = array<i32>} : memref<80x80xf32, #tpu.memory_space<vmem>>, vector<16xf32>,
        %get3A_325 = arith.index_cast %add3A_308 : i32 to index
        %get3A_326 = arith.constant 32 : index
        %get3A_327 = tpu.vector_load %arg13[%get3A_325, %get3A_326] {strides = array<i32>} : memref<80x80xf32, #tpu.memory_space<vmem>>, vector<16xf32>,
        %mul3A_328 = vector.broadcast %squeeze3A_304 : f32 to vector<16xf32>
        %mul3A_329 = arith.mulf %get3A_327, %mul3A_328 : vector<16xf32>
        %swap3A_330 = arith.index_cast %add3A_308 : i32 to index
        %swap3A_331 = arith.constant 32 : index
        %swap3A_332 = tpu.vector_load %arg13[%swap3A_330, %swap3A_331] {strides = array<i32>} : memref<80x80xf32, #tpu.memory_space<vmem>>, vector<16xf32>,
        tpu.vector_store %arg13[%swap3A_330, %swap3A_331], %mul3A_329 {strides = array<i32>} : memref<80x80xf32, #tpu.memory_space<vmem>>, vector<16xf32>,
        %get3A_333 = arith.index_cast %add3A_308 : i32 to index
        %get3A_334 = arith.constant 48 : index
        %get3A_335 = tpu.vector_load %arg13[%get3A_333, %get3A_334] {strides = array<i32>} : memref<80x80xf32, #tpu.memory_space<vmem>>, vector<16xf32>,
        %mul3A_336 = vector.broadcast %squeeze3A_304 : f32 to vector<16xf32>
        %mul3A_337 = arith.mulf %get3A_335, %mul3A_336 : vector<16xf32>
        %swap3A_338 = arith.index_cast %add3A_308 : i32 to index
        %swap3A_339 = arith.constant 48 : index
        %swap3A_340 = tpu.vector_load %arg13[%swap3A_338, %swap3A_339] {strides = array<i32>} : memref<80x80xf32, #tpu.memory_space<vmem>>, vector<16xf32>,
        tpu.vector_store %arg13[%swap3A_338, %swap3A_339], %mul3A_337 {strides = array<i32>} : memref<80x80xf32, #tpu.memory_space<vmem>>, vector<16xf32>,
        %get3A_341 = arith.index_cast %add3A_308 : i32 to index
        %get3A_342 = arith.constant 64 : index
        %get3A_343 = tpu.vector_load %arg13[%get3A_341, %get3A_342] {strides = array<i32>} : memref<80x80xf32, #tpu.memory_space<vmem>>, vector<16xf32>,
        %mul3A_344 = vector.broadcast %squeeze3A_306 : f32 to vector<16xf32>
        %mul3A_345 = arith.mulf %get3A_343, %mul3A_344 : vector<16xf32>
        %swap3A_346 = arith.index_cast %add3A_308 : i32 to index
        %swap3A_347 = arith.constant 64 : index
        %swap3A_348 = tpu.vector_load %arg13[%swap3A_346, %swap3A_347] {strides = array<i32>} : memref<80x80xf32, #tpu.memory_space<vmem>>, vector<16xf32>,
        tpu.vector_store %arg13[%swap3A_346, %swap3A_347], %mul3A_345 {strides = array<i32>} : memref<80x80xf32, #tpu.memory_space<vmem>>, vector<16xf32>,
        %slice3A_349 = vector.extract_strided_slice %mul3A_75 {offsets = [6], sizes = [1], strides = [1]} : vector<16xf32> to vector<1xf32>
        %squeeze3A_350 = vector.extract %slice3A_349[0] : f32 from vector<1xf32>
        %slice3A_351 = vector.extract_strided_slice %exp3A {offsets = [6], sizes = [1], strides = [1]} : vector<16xf32> to vector<1xf32>
        %squeeze3A_352 = vector.extract %slice3A_351[0] : f32 from vector<1xf32>
        %add3A_353 = arith.constant 6 : i32
        %add3A_354 = arith.addi %add3A_50, %add3A_353 : i32
        %get3A_355 = arith.index_cast %add3A_354 : i32 to index
        %get3A_356 = arith.constant 0 : index
        %get3A_357 = tpu.vector_load %arg13[%get3A_355, %get3A_356] {strides = array<i32>} : memref<80x80xf32, #tpu.memory_space<vmem>>, vector<16xf32>,
        %mul3A_358 = vector.broadcast %squeeze3A_350 : f32 to vector<16xf32>
        %mul3A_359 = arith.mulf %get3A_357, %mul3A_358 : vector<16xf32>
        %swap3A_360 = arith.index_cast %add3A_354 : i32 to index
        %swap3A_361 = arith.constant 0 : index
        %swap3A_362 = tpu.vector_load %arg13[%swap3A_360, %swap3A_361] {strides = array<i32>} : memref<80x80xf32, #tpu.memory_space<vmem>>, vector<16xf32>,
        tpu.vector_store %arg13[%swap3A_360, %swap3A_361], %mul3A_359 {strides = array<i32>} : memref<80x80xf32, #tpu.memory_space<vmem>>, vector<16xf32>,
        %get3A_363 = arith.index_cast %add3A_354 : i32 to index
        %get3A_364 = arith.constant 16 : index
        %get3A_365 = tpu.vector_load %arg13[%get3A_363, %get3A_364] {strides = array<i32>} : memref<80x80xf32, #tpu.memory_space<vmem>>, vector<16xf32>,
        %mul3A_366 = vector.broadcast %squeeze3A_350 : f32 to vector<16xf32>
        %mul3A_367 = arith.mulf %get3A_365, %mul3A_366 : vector<16xf32>
        %swap3A_368 = arith.index_cast %add3A_354 : i32 to index
        %swap3A_369 = arith.constant 16 : index
        %swap3A_370 = tpu.vector_load %arg13[%swap3A_368, %swap3A_369] {strides = array<i32>} : memref<80x80xf32, #tpu.memory_space<vmem>>, vector<16xf32>,
        tpu.vector_store %arg13[%swap3A_368, %swap3A_369], %mul3A_367 {strides = array<i32>} : memref<80x80xf32, #tpu.memory_space<vmem>>, vector<16xf32>,
        %get3A_371 = arith.index_cast %add3A_354 : i32 to index
        %get3A_372 = arith.constant 32 : index
        %get3A_373 = tpu.vector_load %arg13[%get3A_371, %get3A_372] {strides = array<i32>} : memref<80x80xf32, #tpu.memory_space<vmem>>, vector<16xf32>,
        %mul3A_374 = vector.broadcast %squeeze3A_350 : f32 to vector<16xf32>
        %mul3A_375 = arith.mulf %get3A_373, %mul3A_374 : vector<16xf32>
        %swap3A_376 = arith.index_cast %add3A_354 : i32 to index
        %swap3A_377 = arith.constant 32 : index
        %swap3A_378 = tpu.vector_load %arg13[%swap3A_376, %swap3A_377] {strides = array<i32>} : memref<80x80xf32, #tpu.memory_space<vmem>>, vector<16xf32>,
        tpu.vector_store %arg13[%swap3A_376, %swap3A_377], %mul3A_375 {strides = array<i32>} : memref<80x80xf32, #tpu.memory_space<vmem>>, vector<16xf32>,
        %get3A_379 = arith.index_cast %add3A_354 : i32 to index
        %get3A_380 = arith.constant 48 : index
        %get3A_381 = tpu.vector_load %arg13[%get3A_379, %get3A_380] {strides = array<i32>} : memref<80x80xf32, #tpu.memory_space<vmem>>, vector<16xf32>,
        %mul3A_382 = vector.broadcast %squeeze3A_350 : f32 to vector<16xf32>
        %mul3A_383 = arith.mulf %get3A_381, %mul3A_382 : vector<16xf32>
        %swap3A_384 = arith.index_cast %add3A_354 : i32 to index
        %swap3A_385 = arith.constant 48 : index
        %swap3A_386 = tpu.vector_load %arg13[%swap3A_384, %swap3A_385] {strides = array<i32>} : memref<80x80xf32, #tpu.memory_space<vmem>>, vector<16xf32>,
        tpu.vector_store %arg13[%swap3A_384, %swap3A_385], %mul3A_383 {strides = array<i32>} : memref<80x80xf32, #tpu.memory_space<vmem>>, vector<16xf32>,
        %get3A_387 = arith.index_cast %add3A_354 : i32 to index
        %get3A_388 = arith.constant 64 : index
        %get3A_389 = tpu.vector_load %arg13[%get3A_387, %get3A_388] {strides = array<i32>} : memref<80x80xf32, #tpu.memory_space<vmem>>, vector<16xf32>,
        %mul3A_390 = vector.broadcast %squeeze3A_352 : f32 to vector<16xf32>
        %mul3A_391 = arith.mulf %get3A_389, %mul3A_390 : vector<16xf32>
        %swap3A_392 = arith.index_cast %add3A_354 : i32 to index
        %swap3A_393 = arith.constant 64 : index
        %swap3A_394 = tpu.vector_load %arg13[%swap3A_392, %swap3A_393] {strides = array<i32>} : memref<80x80xf32, #tpu.memory_space<vmem>>, vector<16xf32>,
        tpu.vector_store %arg13[%swap3A_392, %swap3A_393], %mul3A_391 {strides = array<i32>} : memref<80x80xf32, #tpu.memory_space<vmem>>, vector<16xf32>,
        %slice3A_395 = vector.extract_strided_slice %mul3A_75 {offsets = [7], sizes = [1], strides = [1]} : vector<16xf32> to vector<1xf32>
        %squeeze3A_396 = vector.extract %slice3A_395[0] : f32 from vector<1xf32>
        %slice3A_397 = vector.extract_strided_slice %exp3A {offsets = [7], sizes = [1], strides = [1]} : vector<16xf32> to vector<1xf32>
        %squeeze3A_398 = vector.extract %slice3A_397[0] : f32 from vector<1xf32>
        %add3A_399 = arith.constant 7 : i32
        %add3A_400 = arith.addi %add3A_50, %add3A_399 : i32
        %get3A_401 = arith.index_cast %add3A_400 : i32 to index
        %get3A_402 = arith.constant 0 : index
        %get3A_403 = tpu.vector_load %arg13[%get3A_401, %get3A_402] {strides = array<i32>} : memref<80x80xf32, #tpu.memory_space<vmem>>, vector<16xf32>,
        %mul3A_404 = vector.broadcast %squeeze3A_396 : f32 to vector<16xf32>
        %mul3A_405 = arith.mulf %get3A_403, %mul3A_404 : vector<16xf32>
        %swap3A_406 = arith.index_cast %add3A_400 : i32 to index
        %swap3A_407 = arith.constant 0 : index
        %swap3A_408 = tpu.vector_load %arg13[%swap3A_406, %swap3A_407] {strides = array<i32>} : memref<80x80xf32, #tpu.memory_space<vmem>>, vector<16xf32>,
        tpu.vector_store %arg13[%swap3A_406, %swap3A_407], %mul3A_405 {strides = array<i32>} : memref<80x80xf32, #tpu.memory_space<vmem>>, vector<16xf32>,
        %get3A_409 = arith.index_cast %add3A_400 : i32 to index
        %get3A_410 = arith.constant 16 : index
        %get3A_411 = tpu.vector_load %arg13[%get3A_409, %get3A_410] {strides = array<i32>} : memref<80x80xf32, #tpu.memory_space<vmem>>, vector<16xf32>,
        %mul3A_412 = vector.broadcast %squeeze3A_396 : f32 to vector<16xf32>
        %mul3A_413 = arith.mulf %get3A_411, %mul3A_412 : vector<16xf32>
        %swap3A_414 = arith.index_cast %add3A_400 : i32 to index
        %swap3A_415 = arith.constant 16 : index
        %swap3A_416 = tpu.vector_load %arg13[%swap3A_414, %swap3A_415] {strides = array<i32>} : memref<80x80xf32, #tpu.memory_space<vmem>>, vector<16xf32>,
        tpu.vector_store %arg13[%swap3A_414, %swap3A_415], %mul3A_413 {strides = array<i32>} : memref<80x80xf32, #tpu.memory_space<vmem>>, vector<16xf32>,
        %get3A_417 = arith.index_cast %add3A_400 : i32 to index
        %get3A_418 = arith.constant 32 : index
        %get3A_419 = tpu.vector_load %arg13[%get3A_417, %get3A_418] {strides = array<i32>} : memref<80x80xf32, #tpu.memory_space<vmem>>, vector<16xf32>,
        %mul3A_420 = vector.broadcast %squeeze3A_396 : f32 to vector<16xf32>
        %mul3A_421 = arith.mulf %get3A_419, %mul3A_420 : vector<16xf32>
        %swap3A_422 = arith.index_cast %add3A_400 : i32 to index
        %swap3A_423 = arith.constant 32 : index
        %swap3A_424 = tpu.vector_load %arg13[%swap3A_422, %swap3A_423] {strides = array<i32>} : memref<80x80xf32, #tpu.memory_space<vmem>>, vector<16xf32>,
        tpu.vector_store %arg13[%swap3A_422, %swap3A_423], %mul3A_421 {strides = array<i32>} : memref<80x80xf32, #tpu.memory_space<vmem>>, vector<16xf32>,
        %get3A_425 = arith.index_cast %add3A_400 : i32 to index
        %get3A_426 = arith.constant 48 : index
        %get3A_427 = tpu.vector_load %arg13[%get3A_425, %get3A_426] {strides = array<i32>} : memref<80x80xf32, #tpu.memory_space<vmem>>, vector<16xf32>,
        %mul3A_428 = vector.broadcast %squeeze3A_396 : f32 to vector<16xf32>
        %mul3A_429 = arith.mulf %get3A_427, %mul3A_428 : vector<16xf32>
        %swap3A_430 = arith.index_cast %add3A_400 : i32 to index
        %swap3A_431 = arith.constant 48 : index
        %swap3A_432 = tpu.vector_load %arg13[%swap3A_430, %swap3A_431] {strides = array<i32>} : memref<80x80xf32, #tpu.memory_space<vmem>>, vector<16xf32>,
        tpu.vector_store %arg13[%swap3A_430, %swap3A_431], %mul3A_429 {strides = array<i32>} : memref<80x80xf32, #tpu.memory_space<vmem>>, vector<16xf32>,
        %get3A_433 = arith.index_cast %add3A_400 : i32 to index
        %get3A_434 = arith.constant 64 : index
        %get3A_435 = tpu.vector_load %arg13[%get3A_433, %get3A_434] {strides = array<i32>} : memref<80x80xf32, #tpu.memory_space<vmem>>, vector<16xf32>,
        %mul3A_436 = vector.broadcast %squeeze3A_398 : f32 to vector<16xf32>
        %mul3A_437 = arith.mulf %get3A_435, %mul3A_436 : vector<16xf32>
        %swap3A_438 = arith.index_cast %add3A_400 : i32 to index
        %swap3A_439 = arith.constant 64 : index
        %swap3A_440 = tpu.vector_load %arg13[%swap3A_438, %swap3A_439] {strides = array<i32>} : memref<80x80xf32, #tpu.memory_space<vmem>>, vector<16xf32>,
        tpu.vector_store %arg13[%swap3A_438, %swap3A_439], %mul3A_437 {strides = array<i32>} : memref<80x80xf32, #tpu.memory_space<vmem>>, vector<16xf32>,
        %slice3A_441 = vector.extract_strided_slice %mul3A_75 {offsets = [8], sizes = [1], strides = [1]} : vector<16xf32> to vector<1xf32>
        %squeeze3A_442 = vector.extract %slice3A_441[0] : f32 from vector<1xf32>
        %slice3A_443 = vector.extract_strided_slice %exp3A {offsets = [8], sizes = [1], strides = [1]} : vector<16xf32> to vector<1xf32>
        %squeeze3A_444 = vector.extract %slice3A_443[0] : f32 from vector<1xf32>
        %add3A_445 = arith.constant 8 : i32
        %add3A_446 = arith.addi %add3A_50, %add3A_445 : i32
        %get3A_447 = arith.index_cast %add3A_446 : i32 to index
        %get3A_448 = arith.constant 0 : index
        %get3A_449 = tpu.vector_load %arg13[%get3A_447, %get3A_448] {strides = array<i32>} : memref<80x80xf32, #tpu.memory_space<vmem>>, vector<16xf32>,
        %mul3A_450 = vector.broadcast %squeeze3A_442 : f32 to vector<16xf32>
        %mul3A_451 = arith.mulf %get3A_449, %mul3A_450 : vector<16xf32>
        %swap3A_452 = arith.index_cast %add3A_446 : i32 to index
        %swap3A_453 = arith.constant 0 : index
        %swap3A_454 = tpu.vector_load %arg13[%swap3A_452, %swap3A_453] {strides = array<i32>} : memref<80x80xf32, #tpu.memory_space<vmem>>, vector<16xf32>,
        tpu.vector_store %arg13[%swap3A_452, %swap3A_453], %mul3A_451 {strides = array<i32>} : memref<80x80xf32, #tpu.memory_space<vmem>>, vector<16xf32>,
        %get3A_455 = arith.index_cast %add3A_446 : i32 to index
        %get3A_456 = arith.constant 16 : index
        %get3A_457 = tpu.vector_load %arg13[%get3A_455, %get3A_456] {strides = array<i32>} : memref<80x80xf32, #tpu.memory_space<vmem>>, vector<16xf32>,
        %mul3A_458 = vector.broadcast %squeeze3A_442 : f32 to vector<16xf32>
        %mul3A_459 = arith.mulf %get3A_457, %mul3A_458 : vector<16xf32>
        %swap3A_460 = arith.index_cast %add3A_446 : i32 to index
        %swap3A_461 = arith.constant 16 : index
        %swap3A_462 = tpu.vector_load %arg13[%swap3A_460, %swap3A_461] {strides = array<i32>} : memref<80x80xf32, #tpu.memory_space<vmem>>, vector<16xf32>,
        tpu.vector_store %arg13[%swap3A_460, %swap3A_461], %mul3A_459 {strides = array<i32>} : memref<80x80xf32, #tpu.memory_space<vmem>>, vector<16xf32>,
        %get3A_463 = arith.index_cast %add3A_446 : i32 to index
        %get3A_464 = arith.constant 32 : index
        %get3A_465 = tpu.vector_load %arg13[%get3A_463, %get3A_464] {strides = array<i32>} : memref<80x80xf32, #tpu.memory_space<vmem>>, vector<16xf32>,
        %mul3A_466 = vector.broadcast %squeeze3A_442 : f32 to vector<16xf32>
        %mul3A_467 = arith.mulf %get3A_465, %mul3A_466 : vector<16xf32>
        %swap3A_468 = arith.index_cast %add3A_446 : i32 to index
        %swap3A_469 = arith.constant 32 : index
        %swap3A_470 = tpu.vector_load %arg13[%swap3A_468, %swap3A_469] {strides = array<i32>} : memref<80x80xf32, #tpu.memory_space<vmem>>, vector<16xf32>,
        tpu.vector_store %arg13[%swap3A_468, %swap3A_469], %mul3A_467 {strides = array<i32>} : memref<80x80xf32, #tpu.memory_space<vmem>>, vector<16xf32>,
        %get3A_471 = arith.index_cast %add3A_446 : i32 to index
        %get3A_472 = arith.constant 48 : index
        %get3A_473 = tpu.vector_load %arg13[%get3A_471, %get3A_472] {strides = array<i32>} : memref<80x80xf32, #tpu.memory_space<vmem>>, vector<16xf32>,
        %mul3A_474 = vector.broadcast %squeeze3A_442 : f32 to vector<16xf32>
        %mul3A_475 = arith.mulf %get3A_473, %mul3A_474 : vector<16xf32>
        %swap3A_476 = arith.index_cast %add3A_446 : i32 to index
        %swap3A_477 = arith.constant 48 : index
        %swap3A_478 = tpu.vector_load %arg13[%swap3A_476, %swap3A_477] {strides = array<i32>} : memref<80x80xf32, #tpu.memory_space<vmem>>, vector<16xf32>,
        tpu.vector_store %arg13[%swap3A_476, %swap3A_477], %mul3A_475 {strides = array<i32>} : memref<80x80xf32, #tpu.memory_space<vmem>>, vector<16xf32>,
        %get3A_479 = arith.index_cast %add3A_446 : i32 to index
        %get3A_480 = arith.constant 64 : index
        %get3A_481 = tpu.vector_load %arg13[%get3A_479, %get3A_480] {strides = array<i32>} : memref<80x80xf32, #tpu.memory_space<vmem>>, vector<16xf32>,
        %mul3A_482 = vector.broadcast %squeeze3A_444 : f32 to vector<16xf32>
        %mul3A_483 = arith.mulf %get3A_481, %mul3A_482 : vector<16xf32>
        %swap3A_484 = arith.index_cast %add3A_446 : i32 to index
        %swap3A_485 = arith.constant 64 : index
        %swap3A_486 = tpu.vector_load %arg13[%swap3A_484, %swap3A_485] {strides = array<i32>} : memref<80x80xf32, #tpu.memory_space<vmem>>, vector<16xf32>,
        tpu.vector_store %arg13[%swap3A_484, %swap3A_485], %mul3A_483 {strides = array<i32>} : memref<80x80xf32, #tpu.memory_space<vmem>>, vector<16xf32>,
        %slice3A_487 = vector.extract_strided_slice %mul3A_75 {offsets = [9], sizes = [1], strides = [1]} : vector<16xf32> to vector<1xf32>
        %squeeze3A_488 = vector.extract %slice3A_487[0] : f32 from vector<1xf32>
        %slice3A_489 = vector.extract_strided_slice %exp3A {offsets = [9], sizes = [1], strides = [1]} : vector<16xf32> to vector<1xf32>
        %squeeze3A_490 = vector.extract %slice3A_489[0] : f32 from vector<1xf32>
        %add3A_491 = arith.constant 9 : i32
        %add3A_492 = arith.addi %add3A_50, %add3A_491 : i32
        %get3A_493 = arith.index_cast %add3A_492 : i32 to index
        %get3A_494 = arith.constant 0 : index
        %get3A_495 = tpu.vector_load %arg13[%get3A_493, %get3A_494] {strides = array<i32>} : memref<80x80xf32, #tpu.memory_space<vmem>>, vector<16xf32>,
        %mul3A_496 = vector.broadcast %squeeze3A_488 : f32 to vector<16xf32>
        %mul3A_497 = arith.mulf %get3A_495, %mul3A_496 : vector<16xf32>
        %swap3A_498 = arith.index_cast %add3A_492 : i32 to index
        %swap3A_499 = arith.constant 0 : index
        %swap3A_500 = tpu.vector_load %arg13[%swap3A_498, %swap3A_499] {strides = array<i32>} : memref<80x80xf32, #tpu.memory_space<vmem>>, vector<16xf32>,
        tpu.vector_store %arg13[%swap3A_498, %swap3A_499], %mul3A_497 {strides = array<i32>} : memref<80x80xf32, #tpu.memory_space<vmem>>, vector<16xf32>,
        %get3A_501 = arith.index_cast %add3A_492 : i32 to index
        %get3A_502 = arith.constant 16 : index
        %get3A_503 = tpu.vector_load %arg13[%get3A_501, %get3A_502] {strides = array<i32>} : memref<80x80xf32, #tpu.memory_space<vmem>>, vector<16xf32>,
        %mul3A_504 = vector.broadcast %squeeze3A_488 : f32 to vector<16xf32>
        %mul3A_505 = arith.mulf %get3A_503, %mul3A_504 : vector<16xf32>
        %swap3A_506 = arith.index_cast %add3A_492 : i32 to index
        %swap3A_507 = arith.constant 16 : index
        %swap3A_508 = tpu.vector_load %arg13[%swap3A_506, %swap3A_507] {strides = array<i32>} : memref<80x80xf32, #tpu.memory_space<vmem>>, vector<16xf32>,
        tpu.vector_store %arg13[%swap3A_506, %swap3A_507], %mul3A_505 {strides = array<i32>} : memref<80x80xf32, #tpu.memory_space<vmem>>, vector<16xf32>,
        %get3A_509 = arith.index_cast %add3A_492 : i32 to index
        %get3A_510 = arith.constant 32 : index
        %get3A_511 = tpu.vector_load %arg13[%get3A_509, %get3A_510] {strides = array<i32>} : memref<80x80xf32, #tpu.memory_space<vmem>>, vector<16xf32>,
        %mul3A_512 = vector.broadcast %squeeze3A_488 : f32 to vector<16xf32>
        %mul3A_513 = arith.mulf %get3A_511, %mul3A_512 : vector<16xf32>
        %swap3A_514 = arith.index_cast %add3A_492 : i32 to index
        %swap3A_515 = arith.constant 32 : index
        %swap3A_516 = tpu.vector_load %arg13[%swap3A_514, %swap3A_515] {strides = array<i32>} : memref<80x80xf32, #tpu.memory_space<vmem>>, vector<16xf32>,
        tpu.vector_store %arg13[%swap3A_514, %swap3A_515], %mul3A_513 {strides = array<i32>} : memref<80x80xf32, #tpu.memory_space<vmem>>, vector<16xf32>,
        %get3A_517 = arith.index_cast %add3A_492 : i32 to index
        %get3A_518 = arith.constant 48 : index
        %get3A_519 = tpu.vector_load %arg13[%get3A_517, %get3A_518] {strides = array<i32>} : memref<80x80xf32, #tpu.memory_space<vmem>>, vector<16xf32>,
        %mul3A_520 = vector.broadcast %squeeze3A_488 : f32 to vector<16xf32>
        %mul3A_521 = arith.mulf %get3A_519, %mul3A_520 : vector<16xf32>
        %swap3A_522 = arith.index_cast %add3A_492 : i32 to index
        %swap3A_523 = arith.constant 48 : index
        %swap3A_524 = tpu.vector_load %arg13[%swap3A_522, %swap3A_523] {strides = array<i32>} : memref<80x80xf32, #tpu.memory_space<vmem>>, vector<16xf32>,
        tpu.vector_store %arg13[%swap3A_522, %swap3A_523], %mul3A_521 {strides = array<i32>} : memref<80x80xf32, #tpu.memory_space<vmem>>, vector<16xf32>,
        %get3A_525 = arith.index_cast %add3A_492 : i32 to index
        %get3A_526 = arith.constant 64 : index
        %get3A_527 = tpu.vector_load %arg13[%get3A_525, %get3A_526] {strides = array<i32>} : memref<80x80xf32, #tpu.memory_space<vmem>>, vector<16xf32>,
        %mul3A_528 = vector.broadcast %squeeze3A_490 : f32 to vector<16xf32>
        %mul3A_529 = arith.mulf %get3A_527, %mul3A_528 : vector<16xf32>
        %swap3A_530 = arith.index_cast %add3A_492 : i32 to index
        %swap3A_531 = arith.constant 64 : index
        %swap3A_532 = tpu.vector_load %arg13[%swap3A_530, %swap3A_531] {strides = array<i32>} : memref<80x80xf32, #tpu.memory_space<vmem>>, vector<16xf32>,
        tpu.vector_store %arg13[%swap3A_530, %swap3A_531], %mul3A_529 {strides = array<i32>} : memref<80x80xf32, #tpu.memory_space<vmem>>, vector<16xf32>,
        %slice3A_533 = vector.extract_strided_slice %mul3A_75 {offsets = [10], sizes = [1], strides = [1]} : vector<16xf32> to vector<1xf32>
        %squeeze3A_534 = vector.extract %slice3A_533[0] : f32 from vector<1xf32>
        %slice3A_535 = vector.extract_strided_slice %exp3A {offsets = [10], sizes = [1], strides = [1]} : vector<16xf32> to vector<1xf32>
        %squeeze3A_536 = vector.extract %slice3A_535[0] : f32 from vector<1xf32>
        %add3A_537 = arith.constant 10 : i32
        %add3A_538 = arith.addi %add3A_50, %add3A_537 : i32
        %get3A_539 = arith.index_cast %add3A_538 : i32 to index
        %get3A_540 = arith.constant 0 : index
        %get3A_541 = tpu.vector_load %arg13[%get3A_539, %get3A_540] {strides = array<i32>} : memref<80x80xf32, #tpu.memory_space<vmem>>, vector<16xf32>,
        %mul3A_542 = vector.broadcast %squeeze3A_534 : f32 to vector<16xf32>
        %mul3A_543 = arith.mulf %get3A_541, %mul3A_542 : vector<16xf32>
        %swap3A_544 = arith.index_cast %add3A_538 : i32 to index
        %swap3A_545 = arith.constant 0 : index
        %swap3A_546 = tpu.vector_load %arg13[%swap3A_544, %swap3A_545] {strides = array<i32>} : memref<80x80xf32, #tpu.memory_space<vmem>>, vector<16xf32>,
        tpu.vector_store %arg13[%swap3A_544, %swap3A_545], %mul3A_543 {strides = array<i32>} : memref<80x80xf32, #tpu.memory_space<vmem>>, vector<16xf32>,
        %get3A_547 = arith.index_cast %add3A_538 : i32 to index
        %get3A_548 = arith.constant 16 : index
        %get3A_549 = tpu.vector_load %arg13[%get3A_547, %get3A_548] {strides = array<i32>} : memref<80x80xf32, #tpu.memory_space<vmem>>, vector<16xf32>,
        %mul3A_550 = vector.broadcast %squeeze3A_534 : f32 to vector<16xf32>
        %mul3A_551 = arith.mulf %get3A_549, %mul3A_550 : vector<16xf32>
        %swap3A_552 = arith.index_cast %add3A_538 : i32 to index
        %swap3A_553 = arith.constant 16 : index
        %swap3A_554 = tpu.vector_load %arg13[%swap3A_552, %swap3A_553] {strides = array<i32>} : memref<80x80xf32, #tpu.memory_space<vmem>>, vector<16xf32>,
        tpu.vector_store %arg13[%swap3A_552, %swap3A_553], %mul3A_551 {strides = array<i32>} : memref<80x80xf32, #tpu.memory_space<vmem>>, vector<16xf32>,
        %get3A_555 = arith.index_cast %add3A_538 : i32 to index
        %get3A_556 = arith.constant 32 : index
        %get3A_557 = tpu.vector_load %arg13[%get3A_555, %get3A_556] {strides = array<i32>} : memref<80x80xf32, #tpu.memory_space<vmem>>, vector<16xf32>,
        %mul3A_558 = vector.broadcast %squeeze3A_534 : f32 to vector<16xf32>
        %mul3A_559 = arith.mulf %get3A_557, %mul3A_558 : vector<16xf32>
        %swap3A_560 = arith.index_cast %add3A_538 : i32 to index
        %swap3A_561 = arith.constant 32 : index
        %swap3A_562 = tpu.vector_load %arg13[%swap3A_560, %swap3A_561] {strides = array<i32>} : memref<80x80xf32, #tpu.memory_space<vmem>>, vector<16xf32>,
        tpu.vector_store %arg13[%swap3A_560, %swap3A_561], %mul3A_559 {strides = array<i32>} : memref<80x80xf32, #tpu.memory_space<vmem>>, vector<16xf32>,
        %get3A_563 = arith.index_cast %add3A_538 : i32 to index
        %get3A_564 = arith.constant 48 : index
        %get3A_565 = tpu.vector_load %arg13[%get3A_563, %get3A_564] {strides = array<i32>} : memref<80x80xf32, #tpu.memory_space<vmem>>, vector<16xf32>,
        %mul3A_566 = vector.broadcast %squeeze3A_534 : f32 to vector<16xf32>
        %mul3A_567 = arith.mulf %get3A_565, %mul3A_566 : vector<16xf32>
        %swap3A_568 = arith.index_cast %add3A_538 : i32 to index
        %swap3A_569 = arith.constant 48 : index
        %swap3A_570 = tpu.vector_load %arg13[%swap3A_568, %swap3A_569] {strides = array<i32>} : memref<80x80xf32, #tpu.memory_space<vmem>>, vector<16xf32>,
        tpu.vector_store %arg13[%swap3A_568, %swap3A_569], %mul3A_567 {strides = array<i32>} : memref<80x80xf32, #tpu.memory_space<vmem>>, vector<16xf32>,
        %get3A_571 = arith.index_cast %add3A_538 : i32 to index
        %get3A_572 = arith.constant 64 : index
        %get3A_573 = tpu.vector_load %arg13[%get3A_571, %get3A_572] {strides = array<i32>} : memref<80x80xf32, #tpu.memory_space<vmem>>, vector<16xf32>,
        %mul3A_574 = vector.broadcast %squeeze3A_536 : f32 to vector<16xf32>
        %mul3A_575 = arith.mulf %get3A_573, %mul3A_574 : vector<16xf32>
        %swap3A_576 = arith.index_cast %add3A_538 : i32 to index
        %swap3A_577 = arith.constant 64 : index
        %swap3A_578 = tpu.vector_load %arg13[%swap3A_576, %swap3A_577] {strides = array<i32>} : memref<80x80xf32, #tpu.memory_space<vmem>>, vector<16xf32>,
        tpu.vector_store %arg13[%swap3A_576, %swap3A_577], %mul3A_575 {strides = array<i32>} : memref<80x80xf32, #tpu.memory_space<vmem>>, vector<16xf32>,
        %slice3A_579 = vector.extract_strided_slice %mul3A_75 {offsets = [11], sizes = [1], strides = [1]} : vector<16xf32> to vector<1xf32>
        %squeeze3A_580 = vector.extract %slice3A_579[0] : f32 from vector<1xf32>
        %slice3A_581 = vector.extract_strided_slice %exp3A {offsets = [11], sizes = [1], strides = [1]} : vector<16xf32> to vector<1xf32>
        %squeeze3A_582 = vector.extract %slice3A_581[0] : f32 from vector<1xf32>
        %add3A_583 = arith.constant 11 : i32
        %add3A_584 = arith.addi %add3A_50, %add3A_583 : i32
        %get3A_585 = arith.index_cast %add3A_584 : i32 to index
        %get3A_586 = arith.constant 0 : index
        %get3A_587 = tpu.vector_load %arg13[%get3A_585, %get3A_586] {strides = array<i32>} : memref<80x80xf32, #tpu.memory_space<vmem>>, vector<16xf32>,
        %mul3A_588 = vector.broadcast %squeeze3A_580 : f32 to vector<16xf32>
        %mul3A_589 = arith.mulf %get3A_587, %mul3A_588 : vector<16xf32>
        %swap3A_590 = arith.index_cast %add3A_584 : i32 to index
        %swap3A_591 = arith.constant 0 : index
        %swap3A_592 = tpu.vector_load %arg13[%swap3A_590, %swap3A_591] {strides = array<i32>} : memref<80x80xf32, #tpu.memory_space<vmem>>, vector<16xf32>,
        tpu.vector_store %arg13[%swap3A_590, %swap3A_591], %mul3A_589 {strides = array<i32>} : memref<80x80xf32, #tpu.memory_space<vmem>>, vector<16xf32>,
        %get3A_593 = arith.index_cast %add3A_584 : i32 to index
        %get3A_594 = arith.constant 16 : index
        %get3A_595 = tpu.vector_load %arg13[%get3A_593, %get3A_594] {strides = array<i32>} : memref<80x80xf32, #tpu.memory_space<vmem>>, vector<16xf32>,
        %mul3A_596 = vector.broadcast %squeeze3A_580 : f32 to vector<16xf32>
        %mul3A_597 = arith.mulf %get3A_595, %mul3A_596 : vector<16xf32>
        %swap3A_598 = arith.index_cast %add3A_584 : i32 to index
        %swap3A_599 = arith.constant 16 : index
        %swap3A_600 = tpu.vector_load %arg13[%swap3A_598, %swap3A_599] {strides = array<i32>} : memref<80x80xf32, #tpu.memory_space<vmem>>, vector<16xf32>,
        tpu.vector_store %arg13[%swap3A_598, %swap3A_599], %mul3A_597 {strides = array<i32>} : memref<80x80xf32, #tpu.memory_space<vmem>>, vector<16xf32>,
        %get3A_601 = arith.index_cast %add3A_584 : i32 to index
        %get3A_602 = arith.constant 32 : index
        %get3A_603 = tpu.vector_load %arg13[%get3A_601, %get3A_602] {strides = array<i32>} : memref<80x80xf32, #tpu.memory_space<vmem>>, vector<16xf32>,
        %mul3A_604 = vector.broadcast %squeeze3A_580 : f32 to vector<16xf32>
        %mul3A_605 = arith.mulf %get3A_603, %mul3A_604 : vector<16xf32>
        %swap3A_606 = arith.index_cast %add3A_584 : i32 to index
        %swap3A_607 = arith.constant 32 : index
        %swap3A_608 = tpu.vector_load %arg13[%swap3A_606, %swap3A_607] {strides = array<i32>} : memref<80x80xf32, #tpu.memory_space<vmem>>, vector<16xf32>,
        tpu.vector_store %arg13[%swap3A_606, %swap3A_607], %mul3A_605 {strides = array<i32>} : memref<80x80xf32, #tpu.memory_space<vmem>>, vector<16xf32>,
        %get3A_609 = arith.index_cast %add3A_584 : i32 to index
        %get3A_610 = arith.constant 48 : index
        %get3A_611 = tpu.vector_load %arg13[%get3A_609, %get3A_610] {strides = array<i32>} : memref<80x80xf32, #tpu.memory_space<vmem>>, vector<16xf32>,
        %mul3A_612 = vector.broadcast %squeeze3A_580 : f32 to vector<16xf32>
        %mul3A_613 = arith.mulf %get3A_611, %mul3A_612 : vector<16xf32>
        %swap3A_614 = arith.index_cast %add3A_584 : i32 to index
        %swap3A_615 = arith.constant 48 : index
        %swap3A_616 = tpu.vector_load %arg13[%swap3A_614, %swap3A_615] {strides = array<i32>} : memref<80x80xf32, #tpu.memory_space<vmem>>, vector<16xf32>,
        tpu.vector_store %arg13[%swap3A_614, %swap3A_615], %mul3A_613 {strides = array<i32>} : memref<80x80xf32, #tpu.memory_space<vmem>>, vector<16xf32>,
        %get3A_617 = arith.index_cast %add3A_584 : i32 to index
        %get3A_618 = arith.constant 64 : index
        %get3A_619 = tpu.vector_load %arg13[%get3A_617, %get3A_618] {strides = array<i32>} : memref<80x80xf32, #tpu.memory_space<vmem>>, vector<16xf32>,
        %mul3A_620 = vector.broadcast %squeeze3A_582 : f32 to vector<16xf32>
        %mul3A_621 = arith.mulf %get3A_619, %mul3A_620 : vector<16xf32>
        %swap3A_622 = arith.index_cast %add3A_584 : i32 to index
        %swap3A_623 = arith.constant 64 : index
        %swap3A_624 = tpu.vector_load %arg13[%swap3A_622, %swap3A_623] {strides = array<i32>} : memref<80x80xf32, #tpu.memory_space<vmem>>, vector<16xf32>,
        tpu.vector_store %arg13[%swap3A_622, %swap3A_623], %mul3A_621 {strides = array<i32>} : memref<80x80xf32, #tpu.memory_space<vmem>>, vector<16xf32>,
        %slice3A_625 = vector.extract_strided_slice %mul3A_75 {offsets = [12], sizes = [1], strides = [1]} : vector<16xf32> to vector<1xf32>
        %squeeze3A_626 = vector.extract %slice3A_625[0] : f32 from vector<1xf32>
        %slice3A_627 = vector.extract_strided_slice %exp3A {offsets = [12], sizes = [1], strides = [1]} : vector<16xf32> to vector<1xf32>
        %squeeze3A_628 = vector.extract %slice3A_627[0] : f32 from vector<1xf32>
        %add3A_629 = arith.constant 12 : i32
        %add3A_630 = arith.addi %add3A_50, %add3A_629 : i32
        %get3A_631 = arith.index_cast %add3A_630 : i32 to index
        %get3A_632 = arith.constant 0 : index
        %get3A_633 = tpu.vector_load %arg13[%get3A_631, %get3A_632] {strides = array<i32>} : memref<80x80xf32, #tpu.memory_space<vmem>>, vector<16xf32>,
        %mul3A_634 = vector.broadcast %squeeze3A_626 : f32 to vector<16xf32>
        %mul3A_635 = arith.mulf %get3A_633, %mul3A_634 : vector<16xf32>
        %swap3A_636 = arith.index_cast %add3A_630 : i32 to index
        %swap3A_637 = arith.constant 0 : index
        %swap3A_638 = tpu.vector_load %arg13[%swap3A_636, %swap3A_637] {strides = array<i32>} : memref<80x80xf32, #tpu.memory_space<vmem>>, vector<16xf32>,
        tpu.vector_store %arg13[%swap3A_636, %swap3A_637], %mul3A_635 {strides = array<i32>} : memref<80x80xf32, #tpu.memory_space<vmem>>, vector<16xf32>,
        %get3A_639 = arith.index_cast %add3A_630 : i32 to index
        %get3A_640 = arith.constant 16 : index
        %get3A_641 = tpu.vector_load %arg13[%get3A_639, %get3A_640] {strides = array<i32>} : memref<80x80xf32, #tpu.memory_space<vmem>>, vector<16xf32>,
        %mul3A_642 = vector.broadcast %squeeze3A_626 : f32 to vector<16xf32>
        %mul3A_643 = arith.mulf %get3A_641, %mul3A_642 : vector<16xf32>
        %swap3A_644 = arith.index_cast %add3A_630 : i32 to index
        %swap3A_645 = arith.constant 16 : index
        %swap3A_646 = tpu.vector_load %arg13[%swap3A_644, %swap3A_645] {strides = array<i32>} : memref<80x80xf32, #tpu.memory_space<vmem>>, vector<16xf32>,
        tpu.vector_store %arg13[%swap3A_644, %swap3A_645], %mul3A_643 {strides = array<i32>} : memref<80x80xf32, #tpu.memory_space<vmem>>, vector<16xf32>,
        %get3A_647 = arith.index_cast %add3A_630 : i32 to index
        %get3A_648 = arith.constant 32 : index
        %get3A_649 = tpu.vector_load %arg13[%get3A_647, %get3A_648] {strides = array<i32>} : memref<80x80xf32, #tpu.memory_space<vmem>>, vector<16xf32>,
        %mul3A_650 = vector.broadcast %squeeze3A_626 : f32 to vector<16xf32>
        %mul3A_651 = arith.mulf %get3A_649, %mul3A_650 : vector<16xf32>
        %swap3A_652 = arith.index_cast %add3A_630 : i32 to index
        %swap3A_653 = arith.constant 32 : index
        %swap3A_654 = tpu.vector_load %arg13[%swap3A_652, %swap3A_653] {strides = array<i32>} : memref<80x80xf32, #tpu.memory_space<vmem>>, vector<16xf32>,
        tpu.vector_store %arg13[%swap3A_652, %swap3A_653], %mul3A_651 {strides = array<i32>} : memref<80x80xf32, #tpu.memory_space<vmem>>, vector<16xf32>,
        %get3A_655 = arith.index_cast %add3A_630 : i32 to index
        %get3A_656 = arith.constant 48 : index
        %get3A_657 = tpu.vector_load %arg13[%get3A_655, %get3A_656] {strides = array<i32>} : memref<80x80xf32, #tpu.memory_space<vmem>>, vector<16xf32>,
        %mul3A_658 = vector.broadcast %squeeze3A_626 : f32 to vector<16xf32>
        %mul3A_659 = arith.mulf %get3A_657, %mul3A_658 : vector<16xf32>
        %swap3A_660 = arith.index_cast %add3A_630 : i32 to index
        %swap3A_661 = arith.constant 48 : index
        %swap3A_662 = tpu.vector_load %arg13[%swap3A_660, %swap3A_661] {strides = array<i32>} : memref<80x80xf32, #tpu.memory_space<vmem>>, vector<16xf32>,
        tpu.vector_store %arg13[%swap3A_660, %swap3A_661], %mul3A_659 {strides = array<i32>} : memref<80x80xf32, #tpu.memory_space<vmem>>, vector<16xf32>,
        %get3A_663 = arith.index_cast %add3A_630 : i32 to index
        %get3A_664 = arith.constant 64 : index
        %get3A_665 = tpu.vector_load %arg13[%get3A_663, %get3A_664] {strides = array<i32>} : memref<80x80xf32, #tpu.memory_space<vmem>>, vector<16xf32>,
        %mul3A_666 = vector.broadcast %squeeze3A_628 : f32 to vector<16xf32>
        %mul3A_667 = arith.mulf %get3A_665, %mul3A_666 : vector<16xf32>
        %swap3A_668 = arith.index_cast %add3A_630 : i32 to index
        %swap3A_669 = arith.constant 64 : index
        %swap3A_670 = tpu.vector_load %arg13[%swap3A_668, %swap3A_669] {strides = array<i32>} : memref<80x80xf32, #tpu.memory_space<vmem>>, vector<16xf32>,
        tpu.vector_store %arg13[%swap3A_668, %swap3A_669], %mul3A_667 {strides = array<i32>} : memref<80x80xf32, #tpu.memory_space<vmem>>, vector<16xf32>,
        %slice3A_671 = vector.extract_strided_slice %mul3A_75 {offsets = [13], sizes = [1], strides = [1]} : vector<16xf32> to vector<1xf32>
        %squeeze3A_672 = vector.extract %slice3A_671[0] : f32 from vector<1xf32>
        %slice3A_673 = vector.extract_strided_slice %exp3A {offsets = [13], sizes = [1], strides = [1]} : vector<16xf32> to vector<1xf32>
        %squeeze3A_674 = vector.extract %slice3A_673[0] : f32 from vector<1xf32>
        %add3A_675 = arith.constant 13 : i32
        %add3A_676 = arith.addi %add3A_50, %add3A_675 : i32
        %get3A_677 = arith.index_cast %add3A_676 : i32 to index
        %get3A_678 = arith.constant 0 : index
        %get3A_679 = tpu.vector_load %arg13[%get3A_677, %get3A_678] {strides = array<i32>} : memref<80x80xf32, #tpu.memory_space<vmem>>, vector<16xf32>,
        %mul3A_680 = vector.broadcast %squeeze3A_672 : f32 to vector<16xf32>
        %mul3A_681 = arith.mulf %get3A_679, %mul3A_680 : vector<16xf32>
        %swap3A_682 = arith.index_cast %add3A_676 : i32 to index
        %swap3A_683 = arith.constant 0 : index
        %swap3A_684 = tpu.vector_load %arg13[%swap3A_682, %swap3A_683] {strides = array<i32>} : memref<80x80xf32, #tpu.memory_space<vmem>>, vector<16xf32>,
        tpu.vector_store %arg13[%swap3A_682, %swap3A_683], %mul3A_681 {strides = array<i32>} : memref<80x80xf32, #tpu.memory_space<vmem>>, vector<16xf32>,
        %get3A_685 = arith.index_cast %add3A_676 : i32 to index
        %get3A_686 = arith.constant 16 : index
        %get3A_687 = tpu.vector_load %arg13[%get3A_685, %get3A_686] {strides = array<i32>} : memref<80x80xf32, #tpu.memory_space<vmem>>, vector<16xf32>,
        %mul3A_688 = vector.broadcast %squeeze3A_672 : f32 to vector<16xf32>
        %mul3A_689 = arith.mulf %get3A_687, %mul3A_688 : vector<16xf32>
        %swap3A_690 = arith.index_cast %add3A_676 : i32 to index
        %swap3A_691 = arith.constant 16 : index
        %swap3A_692 = tpu.vector_load %arg13[%swap3A_690, %swap3A_691] {strides = array<i32>} : memref<80x80xf32, #tpu.memory_space<vmem>>, vector<16xf32>,
        tpu.vector_store %arg13[%swap3A_690, %swap3A_691], %mul3A_689 {strides = array<i32>} : memref<80x80xf32, #tpu.memory_space<vmem>>, vector<16xf32>,
        %get3A_693 = arith.index_cast %add3A_676 : i32 to index
        %get3A_694 = arith.constant 32 : index
        %get3A_695 = tpu.vector_load %arg13[%get3A_693, %get3A_694] {strides = array<i32>} : memref<80x80xf32, #tpu.memory_space<vmem>>, vector<16xf32>,
        %mul3A_696 = vector.broadcast %squeeze3A_672 : f32 to vector<16xf32>
        %mul3A_697 = arith.mulf %get3A_695, %mul3A_696 : vector<16xf32>
        %swap3A_698 = arith.index_cast %add3A_676 : i32 to index
        %swap3A_699 = arith.constant 32 : index
        %swap3A_700 = tpu.vector_load %arg13[%swap3A_698, %swap3A_699] {strides = array<i32>} : memref<80x80xf32, #tpu.memory_space<vmem>>, vector<16xf32>,
        tpu.vector_store %arg13[%swap3A_698, %swap3A_699], %mul3A_697 {strides = array<i32>} : memref<80x80xf32, #tpu.memory_space<vmem>>, vector<16xf32>,
        %get3A_701 = arith.index_cast %add3A_676 : i32 to index
        %get3A_702 = arith.constant 48 : index
        %get3A_703 = tpu.vector_load %arg13[%get3A_701, %get3A_702] {strides = array<i32>} : memref<80x80xf32, #tpu.memory_space<vmem>>, vector<16xf32>,
        %mul3A_704 = vector.broadcast %squeeze3A_672 : f32 to vector<16xf32>
        %mul3A_705 = arith.mulf %get3A_703, %mul3A_704 : vector<16xf32>
        %swap3A_706 = arith.index_cast %add3A_676 : i32 to index
        %swap3A_707 = arith.constant 48 : index
        %swap3A_708 = tpu.vector_load %arg13[%swap3A_706, %swap3A_707] {strides = array<i32>} : memref<80x80xf32, #tpu.memory_space<vmem>>, vector<16xf32>,
        tpu.vector_store %arg13[%swap3A_706, %swap3A_707], %mul3A_705 {strides = array<i32>} : memref<80x80xf32, #tpu.memory_space<vmem>>, vector<16xf32>,
        %get3A_709 = arith.index_cast %add3A_676 : i32 to index
        %get3A_710 = arith.constant 64 : index
        %get3A_711 = tpu.vector_load %arg13[%get3A_709, %get3A_710] {strides = array<i32>} : memref<80x80xf32, #tpu.memory_space<vmem>>, vector<16xf32>,
        %mul3A_712 = vector.broadcast %squeeze3A_674 : f32 to vector<16xf32>
        %mul3A_713 = arith.mulf %get3A_711, %mul3A_712 : vector<16xf32>
        %swap3A_714 = arith.index_cast %add3A_676 : i32 to index
        %swap3A_715 = arith.constant 64 : index
        %swap3A_716 = tpu.vector_load %arg13[%swap3A_714, %swap3A_715] {strides = array<i32>} : memref<80x80xf32, #tpu.memory_space<vmem>>, vector<16xf32>,
        tpu.vector_store %arg13[%swap3A_714, %swap3A_715], %mul3A_713 {strides = array<i32>} : memref<80x80xf32, #tpu.memory_space<vmem>>, vector<16xf32>,
        %slice3A_717 = vector.extract_strided_slice %mul3A_75 {offsets = [14], sizes = [1], strides = [1]} : vector<16xf32> to vector<1xf32>
        %squeeze3A_718 = vector.extract %slice3A_717[0] : f32 from vector<1xf32>
        %slice3A_719 = vector.extract_strided_slice %exp3A {offsets = [14], sizes = [1], strides = [1]} : vector<16xf32> to vector<1xf32>
        %squeeze3A_720 = vector.extract %slice3A_719[0] : f32 from vector<1xf32>
        %add3A_721 = arith.constant 14 : i32
        %add3A_722 = arith.addi %add3A_50, %add3A_721 : i32
        %get3A_723 = arith.index_cast %add3A_722 : i32 to index
        %get3A_724 = arith.constant 0 : index
        %get3A_725 = tpu.vector_load %arg13[%get3A_723, %get3A_724] {strides = array<i32>} : memref<80x80xf32, #tpu.memory_space<vmem>>, vector<16xf32>,
        %mul3A_726 = vector.broadcast %squeeze3A_718 : f32 to vector<16xf32>
        %mul3A_727 = arith.mulf %get3A_725, %mul3A_726 : vector<16xf32>
        %swap3A_728 = arith.index_cast %add3A_722 : i32 to index
        %swap3A_729 = arith.constant 0 : index
        %swap3A_730 = tpu.vector_load %arg13[%swap3A_728, %swap3A_729] {strides = array<i32>} : memref<80x80xf32, #tpu.memory_space<vmem>>, vector<16xf32>,
        tpu.vector_store %arg13[%swap3A_728, %swap3A_729], %mul3A_727 {strides = array<i32>} : memref<80x80xf32, #tpu.memory_space<vmem>>, vector<16xf32>,
        %get3A_731 = arith.index_cast %add3A_722 : i32 to index
        %get3A_732 = arith.constant 16 : index
        %get3A_733 = tpu.vector_load %arg13[%get3A_731, %get3A_732] {strides = array<i32>} : memref<80x80xf32, #tpu.memory_space<vmem>>, vector<16xf32>,
        %mul3A_734 = vector.broadcast %squeeze3A_718 : f32 to vector<16xf32>
        %mul3A_735 = arith.mulf %get3A_733, %mul3A_734 : vector<16xf32>
        %swap3A_736 = arith.index_cast %add3A_722 : i32 to index
        %swap3A_737 = arith.constant 16 : index
        %swap3A_738 = tpu.vector_load %arg13[%swap3A_736, %swap3A_737] {strides = array<i32>} : memref<80x80xf32, #tpu.memory_space<vmem>>, vector<16xf32>,
        tpu.vector_store %arg13[%swap3A_736, %swap3A_737], %mul3A_735 {strides = array<i32>} : memref<80x80xf32, #tpu.memory_space<vmem>>, vector<16xf32>,
        %get3A_739 = arith.index_cast %add3A_722 : i32 to index
        %get3A_740 = arith.constant 32 : index
        %get3A_741 = tpu.vector_load %arg13[%get3A_739, %get3A_740] {strides = array<i32>} : memref<80x80xf32, #tpu.memory_space<vmem>>, vector<16xf32>,
        %mul3A_742 = vector.broadcast %squeeze3A_718 : f32 to vector<16xf32>
        %mul3A_743 = arith.mulf %get3A_741, %mul3A_742 : vector<16xf32>
        %swap3A_744 = arith.index_cast %add3A_722 : i32 to index
        %swap3A_745 = arith.constant 32 : index
        %swap3A_746 = tpu.vector_load %arg13[%swap3A_744, %swap3A_745] {strides = array<i32>} : memref<80x80xf32, #tpu.memory_space<vmem>>, vector<16xf32>,
        tpu.vector_store %arg13[%swap3A_744, %swap3A_745], %mul3A_743 {strides = array<i32>} : memref<80x80xf32, #tpu.memory_space<vmem>>, vector<16xf32>,
        %get3A_747 = arith.index_cast %add3A_722 : i32 to index
        %get3A_748 = arith.constant 48 : index
        %get3A_749 = tpu.vector_load %arg13[%get3A_747, %get3A_748] {strides = array<i32>} : memref<80x80xf32, #tpu.memory_space<vmem>>, vector<16xf32>,
        %mul3A_750 = vector.broadcast %squeeze3A_718 : f32 to vector<16xf32>
        %mul3A_751 = arith.mulf %get3A_749, %mul3A_750 : vector<16xf32>
        %swap3A_752 = arith.index_cast %add3A_722 : i32 to index
        %swap3A_753 = arith.constant 48 : index
        %swap3A_754 = tpu.vector_load %arg13[%swap3A_752, %swap3A_753] {strides = array<i32>} : memref<80x80xf32, #tpu.memory_space<vmem>>, vector<16xf32>,
        tpu.vector_store %arg13[%swap3A_752, %swap3A_753], %mul3A_751 {strides = array<i32>} : memref<80x80xf32, #tpu.memory_space<vmem>>, vector<16xf32>,
        %get3A_755 = arith.index_cast %add3A_722 : i32 to index
        %get3A_756 = arith.constant 64 : index
        %get3A_757 = tpu.vector_load %arg13[%get3A_755, %get3A_756] {strides = array<i32>} : memref<80x80xf32, #tpu.memory_space<vmem>>, vector<16xf32>,
        %mul3A_758 = vector.broadcast %squeeze3A_720 : f32 to vector<16xf32>
        %mul3A_759 = arith.mulf %get3A_757, %mul3A_758 : vector<16xf32>
        %swap3A_760 = arith.index_cast %add3A_722 : i32 to index
        %swap3A_761 = arith.constant 64 : index
        %swap3A_762 = tpu.vector_load %arg13[%swap3A_760, %swap3A_761] {strides = array<i32>} : memref<80x80xf32, #tpu.memory_space<vmem>>, vector<16xf32>,
        tpu.vector_store %arg13[%swap3A_760, %swap3A_761], %mul3A_759 {strides = array<i32>} : memref<80x80xf32, #tpu.memory_space<vmem>>, vector<16xf32>,
        %slice3A_763 = vector.extract_strided_slice %mul3A_75 {offsets = [15], sizes = [1], strides = [1]} : vector<16xf32> to vector<1xf32>
        %squeeze3A_764 = vector.extract %slice3A_763[0] : f32 from vector<1xf32>
        %slice3A_765 = vector.extract_strided_slice %exp3A {offsets = [15], sizes = [1], strides = [1]} : vector<16xf32> to vector<1xf32>
        %squeeze3A_766 = vector.extract %slice3A_765[0] : f32 from vector<1xf32>
        %add3A_767 = arith.constant 15 : i32
        %add3A_768 = arith.addi %add3A_50, %add3A_767 : i32
        %get3A_769 = arith.index_cast %add3A_768 : i32 to index
        %get3A_770 = arith.constant 0 : index
        %get3A_771 = tpu.vector_load %arg13[%get3A_769, %get3A_770] {strides = array<i32>} : memref<80x80xf32, #tpu.memory_space<vmem>>, vector<16xf32>,
        %mul3A_772 = vector.broadcast %squeeze3A_764 : f32 to vector<16xf32>
        %mul3A_773 = arith.mulf %get3A_771, %mul3A_772 : vector<16xf32>
        %swap3A_774 = arith.index_cast %add3A_768 : i32 to index
        %swap3A_775 = arith.constant 0 : index
        %swap3A_776 = tpu.vector_load %arg13[%swap3A_774, %swap3A_775] {strides = array<i32>} : memref<80x80xf32, #tpu.memory_space<vmem>>, vector<16xf32>,
        tpu.vector_store %arg13[%swap3A_774, %swap3A_775], %mul3A_773 {strides = array<i32>} : memref<80x80xf32, #tpu.memory_space<vmem>>, vector<16xf32>,
        %get3A_777 = arith.index_cast %add3A_768 : i32 to index
        %get3A_778 = arith.constant 16 : index
        %get3A_779 = tpu.vector_load %arg13[%get3A_777, %get3A_778] {strides = array<i32>} : memref<80x80xf32, #tpu.memory_space<vmem>>, vector<16xf32>,
        %mul3A_780 = vector.broadcast %squeeze3A_764 : f32 to vector<16xf32>
        %mul3A_781 = arith.mulf %get3A_779, %mul3A_780 : vector<16xf32>
        %swap3A_782 = arith.index_cast %add3A_768 : i32 to index
        %swap3A_783 = arith.constant 16 : index
        %swap3A_784 = tpu.vector_load %arg13[%swap3A_782, %swap3A_783] {strides = array<i32>} : memref<80x80xf32, #tpu.memory_space<vmem>>, vector<16xf32>,
        tpu.vector_store %arg13[%swap3A_782, %swap3A_783], %mul3A_781 {strides = array<i32>} : memref<80x80xf32, #tpu.memory_space<vmem>>, vector<16xf32>,
        %get3A_785 = arith.index_cast %add3A_768 : i32 to index
        %get3A_786 = arith.constant 32 : index
        %get3A_787 = tpu.vector_load %arg13[%get3A_785, %get3A_786] {strides = array<i32>} : memref<80x80xf32, #tpu.memory_space<vmem>>, vector<16xf32>,
        %mul3A_788 = vector.broadcast %squeeze3A_764 : f32 to vector<16xf32>
        %mul3A_789 = arith.mulf %get3A_787, %mul3A_788 : vector<16xf32>
        %swap3A_790 = arith.index_cast %add3A_768 : i32 to index
        %swap3A_791 = arith.constant 32 : index
        %swap3A_792 = tpu.vector_load %arg13[%swap3A_790, %swap3A_791] {strides = array<i32>} : memref<80x80xf32, #tpu.memory_space<vmem>>, vector<16xf32>,
        tpu.vector_store %arg13[%swap3A_790, %swap3A_791], %mul3A_789 {strides = array<i32>} : memref<80x80xf32, #tpu.memory_space<vmem>>, vector<16xf32>,
        %get3A_793 = arith.index_cast %add3A_768 : i32 to index
        %get3A_794 = arith.constant 48 : index
        %get3A_795 = tpu.vector_load %arg13[%get3A_793, %get3A_794] {strides = array<i32>} : memref<80x80xf32, #tpu.memory_space<vmem>>, vector<16xf32>,
        %mul3A_796 = vector.broadcast %squeeze3A_764 : f32 to vector<16xf32>
        %mul3A_797 = arith.mulf %get3A_795, %mul3A_796 : vector<16xf32>
        %swap3A_798 = arith.index_cast %add3A_768 : i32 to index
        %swap3A_799 = arith.constant 48 : index
        %swap3A_800 = tpu.vector_load %arg13[%swap3A_798, %swap3A_799] {strides = array<i32>} : memref<80x80xf32, #tpu.memory_space<vmem>>, vector<16xf32>,
        tpu.vector_store %arg13[%swap3A_798, %swap3A_799], %mul3A_797 {strides = array<i32>} : memref<80x80xf32, #tpu.memory_space<vmem>>, vector<16xf32>,
        %get3A_801 = arith.index_cast %add3A_768 : i32 to index
        %get3A_802 = arith.constant 64 : index
        %get3A_803 = tpu.vector_load %arg13[%get3A_801, %get3A_802] {strides = array<i32>} : memref<80x80xf32, #tpu.memory_space<vmem>>, vector<16xf32>,
        %mul3A_804 = vector.broadcast %squeeze3A_766 : f32 to vector<16xf32>
        %mul3A_805 = arith.mulf %get3A_803, %mul3A_804 : vector<16xf32>
        %swap3A_806 = arith.index_cast %add3A_768 : i32 to index
        %swap3A_807 = arith.constant 64 : index
        %swap3A_808 = tpu.vector_load %arg13[%swap3A_806, %swap3A_807] {strides = array<i32>} : memref<80x80xf32, #tpu.memory_space<vmem>>, vector<16xf32>,
        tpu.vector_store %arg13[%swap3A_806, %swap3A_807], %mul3A_805 {strides = array<i32>} : memref<80x80xf32, #tpu.memory_space<vmem>>, vector<16xf32>,
      }
      %scan3A_44 = arith.constant 5 : i32
      "tpu.region"() ({
        %run_scoped3A = tpu.sem_alloc : memref<!tpu.dma_semaphore, #tpu.memory_space<semaphore_mem>>
        %dma_start3A_46 = arith.constant 0 : i32
        %dma_start3A_47 = tpu.memref_slice %arg11[%add3A_29, %dma_start3A_46] : memref<1x80xi32, #tpu.memory_space<vmem>> -> memref<1x80xi32, #tpu.memory_space<vmem>>
        %dma_start3A_48 = tpu.memref_squeeze %dma_start3A_47 : memref<1x80xi32, #tpu.memory_space<vmem>> -> memref<80xi32, #tpu.memory_space<vmem>>
        %dma_start3A_49 = arith.constant 0 : i32
        %dma_start3A_50 = arith.constant 0 : i32
        %dma_start3A_51 = tpu.memref_slice %arg8[%dma_start3A_49, %dma_start3A_50] : memref<10000x80xf32, #tpu.memory_space<vmem_shared>> -> memref<10000x80xf32, #tpu.memory_space<vmem_shared>>
        tpu.enqueue_indirect_dma source(%arg13 : memref<80x80xf32, #tpu.memory_space<vmem>>) target(%dma_start3A_51 : memref<10000x80xf32, #tpu.memory_space<vmem_shared>>) offsets(%dma_start3A_48 : memref<80xi32, #tpu.memory_space<vmem>>) semaphore(%run_scoped3A : memref<!tpu.dma_semaphore, #tpu.memory_space<semaphore_mem>>) {add = true}
        %dma_wait3A_52 = arith.constant 0 : i32
        %dma_wait3A_53 = tpu.memref_slice %arg11[%add3A_29, %dma_wait3A_52] : memref<1x80xi32, #tpu.memory_space<vmem>> -> memref<1x80xi32, #tpu.memory_space<vmem>>
        %dma_wait3A_54 = tpu.memref_squeeze %dma_wait3A_53 : memref<1x80xi32, #tpu.memory_space<vmem>> -> memref<80xi32, #tpu.memory_space<vmem>>
        %dma_wait3A_55 = arith.constant 0 : i32
        %dma_wait3A_56 = arith.constant 0 : i32
        %dma_wait3A_57 = tpu.memref_slice %arg8[%dma_wait3A_55, %dma_wait3A_56] : memref<10000x80xf32, #tpu.memory_space<vmem_shared>> -> memref<10000x80xf32, #tpu.memory_space<vmem_shared>>
        tpu.wait_indirect_dma semaphore(%run_scoped3A : memref<!tpu.dma_semaphore, #tpu.memory_space<semaphore_mem>>) src(%arg13 : memref<80x80xf32, #tpu.memory_space<vmem>>) dst(%dma_wait3A_57 : memref<10000x80xf32, #tpu.memory_space<vmem_shared>>)
        tpu.yield
      }) : () -> ()
      %scan3A_45 = arith.constant 1 : i32
    }
    %scan3A_14 = arith.constant 125 : i32
    %barrier3A_15 = arith.constant 0 : index
    tpu.barrier barrier_id(%barrier3A_15)
    %mul3A_16 = arith.constant 625 : i32
    %mul3A_17 = arith.muli %arg1, %mul3A_16 : i32
    %mul3A_18 = arith.constant 625 : i32
    %mul3A_19 = arith.muli %arg1, %mul3A_18 : i32
    "tpu.region"() ({
      %run_scoped3A = tpu.sem_alloc : memref<!tpu.dma_semaphore, #tpu.memory_space<semaphore_mem>>
      %dma_start3A = arith.constant 0 : i32
      %dma_start3A_20 = tpu.memref_slice %arg7[%arg0, %mul3A_19, %dma_start3A] : memref<2x10000x80xf32, #tpu.memory_space<hbm>> -> memref<1x625x80xf32, #tpu.memory_space<hbm>>
      %dma_start3A_21 = tpu.memref_squeeze %dma_start3A_20 : memref<1x625x80xf32, #tpu.memory_space<hbm>> -> memref<625x80xf32, #tpu.memory_space<hbm>>
      %dma_start3A_22 = arith.constant 0 : i32
      %dma_start3A_23 = tpu.memref_slice %arg8[%mul3A_17, %dma_start3A_22] : memref<10000x80xf32, #tpu.memory_space<vmem_shared>> -> memref<625x80xf32, #tpu.memory_space<vmem_shared>>
      tpu.enqueue_dma source(%dma_start3A_23 : memref<625x80xf32, #tpu.memory_space<vmem_shared>>) target(%dma_start3A_21 : memref<625x80xf32, #tpu.memory_space<hbm>>) target_semaphore(%run_scoped3A : memref<!tpu.dma_semaphore, #tpu.memory_space<semaphore_mem>>)
      %dma_wait3A = arith.constant 0 : i32
      %dma_wait3A_24 = tpu.memref_slice %arg7[%arg0, %mul3A_19, %dma_wait3A] : memref<2x10000x80xf32, #tpu.memory_space<hbm>> -> memref<1x625x80xf32, #tpu.memory_space<hbm>>
      %dma_wait3A_25 = tpu.memref_squeeze %dma_wait3A_24 : memref<1x625x80xf32, #tpu.memory_space<hbm>> -> memref<625x80xf32, #tpu.memory_space<hbm>>
      %dma_wait3A_26 = arith.constant 0 : i32
      %dma_wait3A_27 = tpu.memref_slice %arg8[%mul3A_17, %dma_wait3A_26] : memref<10000x80xf32, #tpu.memory_space<vmem_shared>> -> memref<625x80xf32, #tpu.memory_space<vmem_shared>>
      tpu.wait_dma2 semaphore(%run_scoped3A : memref<!tpu.dma_semaphore, #tpu.memory_space<semaphore_mem>>) src(%dma_wait3A_27 : memref<625x80xf32, #tpu.memory_space<vmem_shared>>) dst(%dma_wait3A_25 : memref<625x80xf32, #tpu.memory_space<hbm>>)
      tpu.yield
    }) : () -> ()
    return
  }
}

#map = affine_map<(d0, d1) -> (0, 0)>
#map1 = affine_map<(d0, d1) -> (0)>
#map2 = affine_map<(d0, d1) -> (0, 0, 0)>
module attributes {stable_mosaic.version = 14 : i64} {
  func.func @_sc_edge_body(%arg0: i32, %arg1: i32, %arg2: memref<10000x80xf32, #tpu.memory_space<hbm>>, %arg3: memref<20000xf32, #tpu.memory_space<hbm>>, %arg4: memref<32x125x80xi32, #tpu.memory_space<hbm>>, %arg5: memref<32x125x80xi32, #tpu.memory_space<hbm>>, %arg6: memref<32x125x80xf32, #tpu.memory_space<hbm>>, %arg7: memref<2x10000x80xf32, #tpu.memory_space<hbm>>, %arg8: memref<10000x80xf32, #tpu.memory_space<vmem_shared>>, %arg9: memref<20000xf32, #tpu.memory_space<vmem>>, %arg10: memref<1x80xi32, #tpu.memory_space<vmem>>, %arg11: memref<1x80xi32, #tpu.memory_space<vmem>>, %arg12: memref<1x80xf32, #tpu.memory_space<vmem>>, %arg13: memref<80x80xf32, #tpu.memory_space<vmem>>, %arg14: memref<!tpu.dma_semaphore, #tpu.memory_space<semaphore_mem>>, %arg15: memref<!tpu.dma_semaphore, #tpu.memory_space<semaphore_mem>>) attributes {dimension_semantics = [#tpu.dimension_semantics<core_parallel>, #tpu.dimension_semantics<subcore_parallel>], iteration_bounds = array<i64: 2, 16>, scalar_prefetch = 0 : i64, scratch_operands = 8 : i64, tpu.core_type = #tpu.core_type<sc_vector_subcore>, window_params = [{transform_indices = #map}, {transform_indices = #map1}, {transform_indices = #map2}, {transform_indices = #map2}, {transform_indices = #map2}, {transform_indices = #map2}]} {
    %mul3A = arith.constant 2 : i32
    %mul3A_0 = arith.muli %arg1, %mul3A : i32
    %add3A = arith.addi %mul3A_0, %arg0 : i32
    "tpu.region"() ({
      %run_scoped3A = tpu.sem_alloc : memref<!tpu.dma_semaphore, #tpu.memory_space<semaphore_mem>>
      tpu.enqueue_dma source(%arg3 : memref<20000xf32, #tpu.memory_space<hbm>>) target(%arg9 : memref<20000xf32, #tpu.memory_space<vmem>>) target_semaphore(%run_scoped3A : memref<!tpu.dma_semaphore, #tpu.memory_space<semaphore_mem>>)
      tpu.wait_dma2 semaphore(%run_scoped3A : memref<!tpu.dma_semaphore, #tpu.memory_space<semaphore_mem>>) src(%arg3 : memref<20000xf32, #tpu.memory_space<hbm>>) dst(%arg9 : memref<20000xf32, #tpu.memory_space<vmem>>)
      tpu.yield
    }) : () -> ()
    %scan3A = arith.constant 0 : i32
    %scan3A_1 = arith.constant 80 : i32
    %scan3A_2 = arith.addi %scan3A, %scan3A_1 : i32
    %scan3A_3 = arith.constant 1 : i32
    scf.for %scan3A_20 = %scan3A to %scan3A_2 step %scan3A_3  : i32 {
      %mul3A_21 = arith.constant 1 : i32
      %mul3A_22 = arith.muli %scan3A_20, %mul3A_21 : i32
      %add3A_23 = arith.constant 0 : i32
      %add3A_24 = arith.addi %add3A_23, %mul3A_22 : i32
      %scan3A_25 = arith.constant 0 : i32
      %scan3A_26 = arith.constant 5 : i32
      %scan3A_27 = arith.addi %scan3A_25, %scan3A_26 : i32
      %scan3A_28 = arith.constant 1 : i32
      scf.for %scan3A_30 = %scan3A_25 to %scan3A_27 step %scan3A_28  : i32 {
        %mul3A_31 = arith.constant 16 : i32
        %mul3A_32 = arith.muli %scan3A_30, %mul3A_31 : i32
        %add3A_33 = arith.constant 0 : i32
        %add3A_34 = arith.addi %add3A_33, %mul3A_32 : i32
        %broadcast_in_dim3A = arith.constant 0.000000e+00 : f32
        %broadcast_in_dim3A_35 = vector.broadcast %broadcast_in_dim3A : f32 to vector<16xf32>
        %swap3A = arith.index_cast %add3A_24 : i32 to index
        %swap3A_36 = arith.index_cast %add3A_34 : i32 to index
        %swap3A_37 = tpu.vector_load %arg13[%swap3A, %swap3A_36] {strides = array<i32>} : memref<80x80xf32, #tpu.memory_space<vmem>>, vector<16xf32>,
        tpu.vector_store %arg13[%swap3A, %swap3A_36], %broadcast_in_dim3A_35 {strides = array<i32>} : memref<80x80xf32, #tpu.memory_space<vmem>>, vector<16xf32>,
      }
      %scan3A_29 = arith.constant 5 : i32
    }
    %scan3A_4 = arith.constant 80 : i32
    %scan3A_5 = arith.constant 0 : i32
    %scan3A_6 = arith.constant 25 : i32
    %scan3A_7 = arith.addi %scan3A_5, %scan3A_6 : i32
    %scan3A_8 = arith.constant 1 : i32
    scf.for %scan3A_20 = %scan3A_5 to %scan3A_7 step %scan3A_8  : i32 {
      %mul3A_21 = arith.constant 1 : i32
      %mul3A_22 = arith.muli %scan3A_20, %mul3A_21 : i32
      %add3A_23 = arith.constant 0 : i32
      %add3A_24 = arith.addi %add3A_23, %mul3A_22 : i32
      %mul3A_25 = arith.constant 625 : i32
      %mul3A_26 = arith.muli %arg1, %mul3A_25 : i32
      %mul3A_27 = arith.constant 25 : i32
      %mul3A_28 = arith.muli %add3A_24, %mul3A_27 : i32
      %add3A_29 = arith.addi %mul3A_26, %mul3A_28 : i32
      "tpu.region"() ({
        %run_scoped3A = tpu.sem_alloc : memref<!tpu.dma_semaphore, #tpu.memory_space<semaphore_mem>>
        %dma_start3A = arith.constant 0 : i32
        %dma_start3A_30 = arith.constant 0 : i32
        %dma_start3A_31 = tpu.memref_slice %arg13[%dma_start3A, %dma_start3A_30] : memref<80x80xf32, #tpu.memory_space<vmem>> -> memref<25x80xf32, #tpu.memory_space<vmem>>
        %dma_start3A_32 = arith.constant 0 : i32
        %dma_start3A_33 = tpu.memref_slice %arg8[%add3A_29, %dma_start3A_32] : memref<10000x80xf32, #tpu.memory_space<vmem_shared>> -> memref<25x80xf32, #tpu.memory_space<vmem_shared>>
        %dma_start3A_34 = arith.constant 0 : i32
        %dma_start3A_35 = tpu.memref_slice %arg8[%add3A_29, %dma_start3A_34] : memref<10000x80xf32, #tpu.memory_space<vmem_shared>> -> memref<25x80xf32, #tpu.memory_space<vmem_shared>>
        %dma_start3A_36 = arith.constant 0 : i32
        %dma_start3A_37 = arith.constant 0 : i32
        %dma_start3A_38 = tpu.memref_slice %arg13[%dma_start3A_36, %dma_start3A_37] : memref<80x80xf32, #tpu.memory_space<vmem>> -> memref<25x80xf32, #tpu.memory_space<vmem>>
        tpu.enqueue_dma source(%dma_start3A_38 : memref<25x80xf32, #tpu.memory_space<vmem>>) target(%dma_start3A_35 : memref<25x80xf32, #tpu.memory_space<vmem_shared>>) target_semaphore(%run_scoped3A : memref<!tpu.dma_semaphore, #tpu.memory_space<semaphore_mem>>)
        %dma_wait3A = arith.constant 0 : i32
        %dma_wait3A_39 = arith.constant 0 : i32
        %dma_wait3A_40 = tpu.memref_slice %arg13[%dma_wait3A, %dma_wait3A_39] : memref<80x80xf32, #tpu.memory_space<vmem>> -> memref<25x80xf32, #tpu.memory_space<vmem>>
        %dma_wait3A_41 = arith.constant 0 : i32
        %dma_wait3A_42 = tpu.memref_slice %arg8[%add3A_29, %dma_wait3A_41] : memref<10000x80xf32, #tpu.memory_space<vmem_shared>> -> memref<25x80xf32, #tpu.memory_space<vmem_shared>>
        %dma_wait3A_43 = arith.constant 0 : i32
        %dma_wait3A_44 = tpu.memref_slice %arg8[%add3A_29, %dma_wait3A_43] : memref<10000x80xf32, #tpu.memory_space<vmem_shared>> -> memref<25x80xf32, #tpu.memory_space<vmem_shared>>
        %dma_wait3A_45 = arith.constant 0 : i32
        %dma_wait3A_46 = arith.constant 0 : i32
        %dma_wait3A_47 = tpu.memref_slice %arg13[%dma_wait3A_45, %dma_wait3A_46] : memref<80x80xf32, #tpu.memory_space<vmem>> -> memref<25x80xf32, #tpu.memory_space<vmem>>
        tpu.wait_dma2 semaphore(%run_scoped3A : memref<!tpu.dma_semaphore, #tpu.memory_space<semaphore_mem>>) src(%dma_wait3A_47 : memref<25x80xf32, #tpu.memory_space<vmem>>) dst(%dma_wait3A_44 : memref<25x80xf32, #tpu.memory_space<vmem_shared>>)
        tpu.yield
      }) : () -> ()
    }
    %scan3A_9 = arith.constant 25 : i32
    %barrier3A = arith.constant 0 : index
    tpu.barrier barrier_id(%barrier3A)
    %scan3A_10 = arith.constant 0 : i32
    %scan3A_11 = arith.constant 125 : i32
    %scan3A_12 = arith.addi %scan3A_10, %scan3A_11 : i32
    %scan3A_13 = arith.constant 1 : i32
    scf.for %scan3A_20 = %scan3A_10 to %scan3A_12 step %scan3A_13  : i32 {
      %mul3A_21 = arith.constant 1 : i32
      %mul3A_22 = arith.muli %scan3A_20, %mul3A_21 : i32
      %add3A_23 = arith.constant 0 : i32
      %add3A_24 = arith.addi %add3A_23, %mul3A_22 : i32
      "tpu.region"() ({
        %run_scoped3A = tpu.sem_alloc : memref<!tpu.dma_semaphore, #tpu.memory_space<semaphore_mem>>
        %dma_start3A_46 = arith.constant 0 : i32
        %dma_start3A_47 = tpu.memref_slice %arg4[%add3A, %add3A_24, %dma_start3A_46] : memref<32x125x80xi32, #tpu.memory_space<hbm>> -> memref<1x1x80xi32, #tpu.memory_space<hbm>>
        %dma_start3A_48 = tpu.memref_squeeze %dma_start3A_47 : memref<1x1x80xi32, #tpu.memory_space<hbm>> -> memref<1x80xi32, #tpu.memory_space<hbm>>
        %dma_start3A_49 = arith.constant 0 : i32
        %dma_start3A_50 = tpu.memref_slice %arg4[%add3A, %add3A_24, %dma_start3A_49] : memref<32x125x80xi32, #tpu.memory_space<hbm>> -> memref<1x1x80xi32, #tpu.memory_space<hbm>>
        %dma_start3A_51 = tpu.memref_squeeze %dma_start3A_50 : memref<1x1x80xi32, #tpu.memory_space<hbm>> -> memref<1x80xi32, #tpu.memory_space<hbm>>
        tpu.enqueue_dma source(%dma_start3A_51 : memref<1x80xi32, #tpu.memory_space<hbm>>) target(%arg10 : memref<1x80xi32, #tpu.memory_space<vmem>>) target_semaphore(%run_scoped3A : memref<!tpu.dma_semaphore, #tpu.memory_space<semaphore_mem>>)
        %dma_wait3A_52 = arith.constant 0 : i32
        %dma_wait3A_53 = tpu.memref_slice %arg4[%add3A, %add3A_24, %dma_wait3A_52] : memref<32x125x80xi32, #tpu.memory_space<hbm>> -> memref<1x1x80xi32, #tpu.memory_space<hbm>>
        %dma_wait3A_54 = tpu.memref_squeeze %dma_wait3A_53 : memref<1x1x80xi32, #tpu.memory_space<hbm>> -> memref<1x80xi32, #tpu.memory_space<hbm>>
        %dma_wait3A_55 = arith.constant 0 : i32
        %dma_wait3A_56 = tpu.memref_slice %arg4[%add3A, %add3A_24, %dma_wait3A_55] : memref<32x125x80xi32, #tpu.memory_space<hbm>> -> memref<1x1x80xi32, #tpu.memory_space<hbm>>
        %dma_wait3A_57 = tpu.memref_squeeze %dma_wait3A_56 : memref<1x1x80xi32, #tpu.memory_space<hbm>> -> memref<1x80xi32, #tpu.memory_space<hbm>>
        tpu.wait_dma2 semaphore(%run_scoped3A : memref<!tpu.dma_semaphore, #tpu.memory_space<semaphore_mem>>) src(%dma_wait3A_57 : memref<1x80xi32, #tpu.memory_space<hbm>>) dst(%arg10 : memref<1x80xi32, #tpu.memory_space<vmem>>)
        tpu.yield
      }) : () -> ()
      "tpu.region"() ({
        %run_scoped3A = tpu.sem_alloc : memref<!tpu.dma_semaphore, #tpu.memory_space<semaphore_mem>>
        %dma_start3A_46 = arith.constant 0 : i32
        %dma_start3A_47 = tpu.memref_slice %arg5[%add3A, %add3A_24, %dma_start3A_46] : memref<32x125x80xi32, #tpu.memory_space<hbm>> -> memref<1x1x80xi32, #tpu.memory_space<hbm>>
        %dma_start3A_48 = tpu.memref_squeeze %dma_start3A_47 : memref<1x1x80xi32, #tpu.memory_space<hbm>> -> memref<1x80xi32, #tpu.memory_space<hbm>>
        %dma_start3A_49 = arith.constant 0 : i32
        %dma_start3A_50 = tpu.memref_slice %arg5[%add3A, %add3A_24, %dma_start3A_49] : memref<32x125x80xi32, #tpu.memory_space<hbm>> -> memref<1x1x80xi32, #tpu.memory_space<hbm>>
        %dma_start3A_51 = tpu.memref_squeeze %dma_start3A_50 : memref<1x1x80xi32, #tpu.memory_space<hbm>> -> memref<1x80xi32, #tpu.memory_space<hbm>>
        tpu.enqueue_dma source(%dma_start3A_51 : memref<1x80xi32, #tpu.memory_space<hbm>>) target(%arg11 : memref<1x80xi32, #tpu.memory_space<vmem>>) target_semaphore(%run_scoped3A : memref<!tpu.dma_semaphore, #tpu.memory_space<semaphore_mem>>)
        %dma_wait3A_52 = arith.constant 0 : i32
        %dma_wait3A_53 = tpu.memref_slice %arg5[%add3A, %add3A_24, %dma_wait3A_52] : memref<32x125x80xi32, #tpu.memory_space<hbm>> -> memref<1x1x80xi32, #tpu.memory_space<hbm>>
        %dma_wait3A_54 = tpu.memref_squeeze %dma_wait3A_53 : memref<1x1x80xi32, #tpu.memory_space<hbm>> -> memref<1x80xi32, #tpu.memory_space<hbm>>
        %dma_wait3A_55 = arith.constant 0 : i32
        %dma_wait3A_56 = tpu.memref_slice %arg5[%add3A, %add3A_24, %dma_wait3A_55] : memref<32x125x80xi32, #tpu.memory_space<hbm>> -> memref<1x1x80xi32, #tpu.memory_space<hbm>>
        %dma_wait3A_57 = tpu.memref_squeeze %dma_wait3A_56 : memref<1x1x80xi32, #tpu.memory_space<hbm>> -> memref<1x80xi32, #tpu.memory_space<hbm>>
        tpu.wait_dma2 semaphore(%run_scoped3A : memref<!tpu.dma_semaphore, #tpu.memory_space<semaphore_mem>>) src(%dma_wait3A_57 : memref<1x80xi32, #tpu.memory_space<hbm>>) dst(%arg11 : memref<1x80xi32, #tpu.memory_space<vmem>>)
        tpu.yield
      }) : () -> ()
      "tpu.region"() ({
        %run_scoped3A = tpu.sem_alloc : memref<!tpu.dma_semaphore, #tpu.memory_space<semaphore_mem>>
        %dma_start3A_46 = arith.constant 0 : i32
        %dma_start3A_47 = tpu.memref_slice %arg6[%add3A, %add3A_24, %dma_start3A_46] : memref<32x125x80xf32, #tpu.memory_space<hbm>> -> memref<1x1x80xf32, #tpu.memory_space<hbm>>
        %dma_start3A_48 = tpu.memref_squeeze %dma_start3A_47 : memref<1x1x80xf32, #tpu.memory_space<hbm>> -> memref<1x80xf32, #tpu.memory_space<hbm>>
        %dma_start3A_49 = arith.constant 0 : i32
        %dma_start3A_50 = tpu.memref_slice %arg6[%add3A, %add3A_24, %dma_start3A_49] : memref<32x125x80xf32, #tpu.memory_space<hbm>> -> memref<1x1x80xf32, #tpu.memory_space<hbm>>
        %dma_start3A_51 = tpu.memref_squeeze %dma_start3A_50 : memref<1x1x80xf32, #tpu.memory_space<hbm>> -> memref<1x80xf32, #tpu.memory_space<hbm>>
        tpu.enqueue_dma source(%dma_start3A_51 : memref<1x80xf32, #tpu.memory_space<hbm>>) target(%arg12 : memref<1x80xf32, #tpu.memory_space<vmem>>) target_semaphore(%run_scoped3A : memref<!tpu.dma_semaphore, #tpu.memory_space<semaphore_mem>>)
        %dma_wait3A_52 = arith.constant 0 : i32
        %dma_wait3A_53 = tpu.memref_slice %arg6[%add3A, %add3A_24, %dma_wait3A_52] : memref<32x125x80xf32, #tpu.memory_space<hbm>> -> memref<1x1x80xf32, #tpu.memory_space<hbm>>
        %dma_wait3A_54 = tpu.memref_squeeze %dma_wait3A_53 : memref<1x1x80xf32, #tpu.memory_space<hbm>> -> memref<1x80xf32, #tpu.memory_space<hbm>>
        %dma_wait3A_55 = arith.constant 0 : i32
        %dma_wait3A_56 = tpu.memref_slice %arg6[%add3A, %add3A_24, %dma_wait3A_55] : memref<32x125x80xf32, #tpu.memory_space<hbm>> -> memref<1x1x80xf32, #tpu.memory_space<hbm>>
        %dma_wait3A_57 = tpu.memref_squeeze %dma_wait3A_56 : memref<1x1x80xf32, #tpu.memory_space<hbm>> -> memref<1x80xf32, #tpu.memory_space<hbm>>
        tpu.wait_dma2 semaphore(%run_scoped3A : memref<!tpu.dma_semaphore, #tpu.memory_space<semaphore_mem>>) src(%dma_wait3A_57 : memref<1x80xf32, #tpu.memory_space<hbm>>) dst(%arg12 : memref<1x80xf32, #tpu.memory_space<vmem>>)
        tpu.yield
      }) : () -> ()
      %scan3A_25 = arith.constant 0 : i32
      %mul3A_26 = arith.constant 1 : i32
      %mul3A_27 = arith.muli %scan3A_25, %mul3A_26 : i32
      %add3A_28 = arith.constant 0 : i32
      %add3A_29 = arith.addi %add3A_28, %mul3A_27 : i32
      %dma_start3A = arith.constant 0 : i32
      %dma_start3A_30 = tpu.memref_slice %arg10[%add3A_29, %dma_start3A] : memref<1x80xi32, #tpu.memory_space<vmem>> -> memref<1x80xi32, #tpu.memory_space<vmem>>
      %dma_start3A_31 = tpu.memref_squeeze %dma_start3A_30 : memref<1x80xi32, #tpu.memory_space<vmem>> -> memref<80xi32, #tpu.memory_space<vmem>>
      %dma_start3A_32 = arith.constant 0 : i32
      %dma_start3A_33 = arith.constant 0 : i32
      %dma_start3A_34 = tpu.memref_slice %arg2[%dma_start3A_32, %dma_start3A_33] : memref<10000x80xf32, #tpu.memory_space<hbm>> -> memref<10000x80xf32, #tpu.memory_space<hbm>>
      tpu.enqueue_indirect_dma source(%dma_start3A_34 : memref<10000x80xf32, #tpu.memory_space<hbm>>) target(%arg13 : memref<80x80xf32, #tpu.memory_space<vmem>>) offsets(%dma_start3A_31 : memref<80xi32, #tpu.memory_space<vmem>>) semaphore(%arg15 : memref<!tpu.dma_semaphore, #tpu.memory_space<semaphore_mem>>)
      %dma_wait3A = arith.constant 0 : i32
      %dma_wait3A_35 = tpu.memref_slice %arg10[%add3A_29, %dma_wait3A] : memref<1x80xi32, #tpu.memory_space<vmem>> -> memref<1x80xi32, #tpu.memory_space<vmem>>
      %dma_wait3A_36 = tpu.memref_squeeze %dma_wait3A_35 : memref<1x80xi32, #tpu.memory_space<vmem>> -> memref<80xi32, #tpu.memory_space<vmem>>
      %dma_wait3A_37 = arith.constant 0 : i32
      %dma_wait3A_38 = arith.constant 0 : i32
      %dma_wait3A_39 = tpu.memref_slice %arg2[%dma_wait3A_37, %dma_wait3A_38] : memref<10000x80xf32, #tpu.memory_space<hbm>> -> memref<10000x80xf32, #tpu.memory_space<hbm>>
      tpu.wait_indirect_dma semaphore(%arg15 : memref<!tpu.dma_semaphore, #tpu.memory_space<semaphore_mem>>) src(%dma_wait3A_39 : memref<10000x80xf32, #tpu.memory_space<hbm>>) dst(%arg13 : memref<80x80xf32, #tpu.memory_space<vmem>>)
      %scan3A_40 = arith.constant 0 : i32
      %scan3A_41 = arith.constant 5 : i32
      %scan3A_42 = arith.addi %scan3A_40, %scan3A_41 : i32
      %scan3A_43 = arith.constant 1 : i32
      scf.for %scan3A_46 = %scan3A_40 to %scan3A_42 step %scan3A_43  : i32 {
        %mul3A_47 = arith.constant 16 : i32
        %mul3A_48 = arith.muli %scan3A_46, %mul3A_47 : i32
        %add3A_49 = arith.constant 0 : i32
        %add3A_50 = arith.addi %add3A_49, %mul3A_48 : i32
        %get3A = arith.index_cast %add3A_29 : i32 to index
        %get3A_51 = arith.index_cast %add3A_50 : i32 to index
        %get3A_52 = tpu.vector_load %arg10[%get3A, %get3A_51] {strides = array<i32>} : memref<1x80xi32, #tpu.memory_space<vmem>>, vector<16xi32>,
        %get3A_53 = arith.index_cast %add3A_29 : i32 to index
        %get3A_54 = arith.index_cast %add3A_50 : i32 to index
        %get3A_55 = tpu.vector_load %arg11[%get3A_53, %get3A_54] {strides = array<i32>} : memref<1x80xi32, #tpu.memory_space<vmem>>, vector<16xi32>,
        %mul3A_56 = arith.constant 2 : i32
        %mul3A_57 = vector.broadcast %mul3A_56 : i32 to vector<16xi32>
        %mul3A_58 = arith.muli %get3A_52, %mul3A_57 : vector<16xi32>
        %gather3A = tpu.vector_load_idx %arg9[%mul3A_58] : memref<20000xf32, #tpu.memory_space<vmem>>[vector<16xi32>], vector<16xf32>,
        %mul3A_59 = arith.constant 2 : i32
        %mul3A_60 = vector.broadcast %mul3A_59 : i32 to vector<16xi32>
        %mul3A_61 = arith.muli %get3A_55, %mul3A_60 : vector<16xi32>
        %add3A_62 = arith.constant 1 : i32
        %add3A_63 = vector.broadcast %add3A_62 : i32 to vector<16xi32>
        %add3A_64 = arith.addi %mul3A_61, %add3A_63 : vector<16xi32>
        %gather3A_65 = tpu.vector_load_idx %arg9[%add3A_64] : memref<20000xf32, #tpu.memory_space<vmem>>[vector<16xi32>], vector<16xf32>,
        %add3A_66 = arith.addf %gather3A, %gather3A_65 : vector<16xf32>
        %ge3A = arith.constant 0.000000e+00 : f32
        %ge3A_67 = vector.broadcast %ge3A : f32 to vector<16xf32>
        %ge3A_68 = arith.cmpf oge, %add3A_66, %ge3A_67 : vector<16xf32>
        %mul3A_69 = arith.constant 2.000000e-01 : f32
        %mul3A_70 = vector.broadcast %mul3A_69 : f32 to vector<16xf32>
        %mul3A_71 = arith.mulf %add3A_66, %mul3A_70 : vector<16xf32>
        %select_n3A = arith.select %ge3A_68, %add3A_66, %mul3A_71 : vector<16xi1>, vector<16xf32>
        %exp3A = math.exp %select_n3A : vector<16xf32>
        %get3A_72 = arith.index_cast %add3A_29 : i32 to index
        %get3A_73 = arith.index_cast %add3A_50 : i32 to index
        %get3A_74 = tpu.vector_load %arg12[%get3A_72, %get3A_73] {strides = array<i32>} : memref<1x80xf32, #tpu.memory_space<vmem>>, vector<16xf32>,
        %mul3A_75 = arith.mulf %exp3A, %get3A_74 : vector<16xf32>
        %slice3A = vector.extract_strided_slice %mul3A_75 {offsets = [0], sizes = [1], strides = [1]} : vector<16xf32> to vector<1xf32>
        %squeeze3A = vector.extract %slice3A[0] : f32 from vector<1xf32>
        %slice3A_76 = vector.extract_strided_slice %exp3A {offsets = [0], sizes = [1], strides = [1]} : vector<16xf32> to vector<1xf32>
        %squeeze3A_77 = vector.extract %slice3A_76[0] : f32 from vector<1xf32>
        %add3A_78 = arith.constant 0 : i32
        %add3A_79 = arith.addi %add3A_50, %add3A_78 : i32
        %get3A_80 = arith.index_cast %add3A_79 : i32 to index
        %get3A_81 = arith.constant 0 : index
        %get3A_82 = tpu.vector_load %arg13[%get3A_80, %get3A_81] {strides = array<i32>} : memref<80x80xf32, #tpu.memory_space<vmem>>, vector<16xf32>,
        %mul3A_83 = vector.broadcast %squeeze3A : f32 to vector<16xf32>
        %mul3A_84 = arith.mulf %get3A_82, %mul3A_83 : vector<16xf32>
        %swap3A = arith.index_cast %add3A_79 : i32 to index
        %swap3A_85 = arith.constant 0 : index
        %swap3A_86 = tpu.vector_load %arg13[%swap3A, %swap3A_85] {strides = array<i32>} : memref<80x80xf32, #tpu.memory_space<vmem>>, vector<16xf32>,
        tpu.vector_store %arg13[%swap3A, %swap3A_85], %mul3A_84 {strides = array<i32>} : memref<80x80xf32, #tpu.memory_space<vmem>>, vector<16xf32>,
        %get3A_87 = arith.index_cast %add3A_79 : i32 to index
        %get3A_88 = arith.constant 16 : index
        %get3A_89 = tpu.vector_load %arg13[%get3A_87, %get3A_88] {strides = array<i32>} : memref<80x80xf32, #tpu.memory_space<vmem>>, vector<16xf32>,
        %mul3A_90 = vector.broadcast %squeeze3A : f32 to vector<16xf32>
        %mul3A_91 = arith.mulf %get3A_89, %mul3A_90 : vector<16xf32>
        %swap3A_92 = arith.index_cast %add3A_79 : i32 to index
        %swap3A_93 = arith.constant 16 : index
        %swap3A_94 = tpu.vector_load %arg13[%swap3A_92, %swap3A_93] {strides = array<i32>} : memref<80x80xf32, #tpu.memory_space<vmem>>, vector<16xf32>,
        tpu.vector_store %arg13[%swap3A_92, %swap3A_93], %mul3A_91 {strides = array<i32>} : memref<80x80xf32, #tpu.memory_space<vmem>>, vector<16xf32>,
        %get3A_95 = arith.index_cast %add3A_79 : i32 to index
        %get3A_96 = arith.constant 32 : index
        %get3A_97 = tpu.vector_load %arg13[%get3A_95, %get3A_96] {strides = array<i32>} : memref<80x80xf32, #tpu.memory_space<vmem>>, vector<16xf32>,
        %mul3A_98 = vector.broadcast %squeeze3A : f32 to vector<16xf32>
        %mul3A_99 = arith.mulf %get3A_97, %mul3A_98 : vector<16xf32>
        %swap3A_100 = arith.index_cast %add3A_79 : i32 to index
        %swap3A_101 = arith.constant 32 : index
        %swap3A_102 = tpu.vector_load %arg13[%swap3A_100, %swap3A_101] {strides = array<i32>} : memref<80x80xf32, #tpu.memory_space<vmem>>, vector<16xf32>,
        tpu.vector_store %arg13[%swap3A_100, %swap3A_101], %mul3A_99 {strides = array<i32>} : memref<80x80xf32, #tpu.memory_space<vmem>>, vector<16xf32>,
        %get3A_103 = arith.index_cast %add3A_79 : i32 to index
        %get3A_104 = arith.constant 48 : index
        %get3A_105 = tpu.vector_load %arg13[%get3A_103, %get3A_104] {strides = array<i32>} : memref<80x80xf32, #tpu.memory_space<vmem>>, vector<16xf32>,
        %mul3A_106 = vector.broadcast %squeeze3A : f32 to vector<16xf32>
        %mul3A_107 = arith.mulf %get3A_105, %mul3A_106 : vector<16xf32>
        %swap3A_108 = arith.index_cast %add3A_79 : i32 to index
        %swap3A_109 = arith.constant 48 : index
        %swap3A_110 = tpu.vector_load %arg13[%swap3A_108, %swap3A_109] {strides = array<i32>} : memref<80x80xf32, #tpu.memory_space<vmem>>, vector<16xf32>,
        tpu.vector_store %arg13[%swap3A_108, %swap3A_109], %mul3A_107 {strides = array<i32>} : memref<80x80xf32, #tpu.memory_space<vmem>>, vector<16xf32>,
        %get3A_111 = arith.index_cast %add3A_79 : i32 to index
        %get3A_112 = arith.constant 64 : index
        %get3A_113 = tpu.vector_load %arg13[%get3A_111, %get3A_112] {strides = array<i32>} : memref<80x80xf32, #tpu.memory_space<vmem>>, vector<16xf32>,
        %mul3A_114 = vector.broadcast %squeeze3A_77 : f32 to vector<16xf32>
        %mul3A_115 = arith.mulf %get3A_113, %mul3A_114 : vector<16xf32>
        %swap3A_116 = arith.index_cast %add3A_79 : i32 to index
        %swap3A_117 = arith.constant 64 : index
        %swap3A_118 = tpu.vector_load %arg13[%swap3A_116, %swap3A_117] {strides = array<i32>} : memref<80x80xf32, #tpu.memory_space<vmem>>, vector<16xf32>,
        tpu.vector_store %arg13[%swap3A_116, %swap3A_117], %mul3A_115 {strides = array<i32>} : memref<80x80xf32, #tpu.memory_space<vmem>>, vector<16xf32>,
        %slice3A_119 = vector.extract_strided_slice %mul3A_75 {offsets = [1], sizes = [1], strides = [1]} : vector<16xf32> to vector<1xf32>
        %squeeze3A_120 = vector.extract %slice3A_119[0] : f32 from vector<1xf32>
        %slice3A_121 = vector.extract_strided_slice %exp3A {offsets = [1], sizes = [1], strides = [1]} : vector<16xf32> to vector<1xf32>
        %squeeze3A_122 = vector.extract %slice3A_121[0] : f32 from vector<1xf32>
        %add3A_123 = arith.constant 1 : i32
        %add3A_124 = arith.addi %add3A_50, %add3A_123 : i32
        %get3A_125 = arith.index_cast %add3A_124 : i32 to index
        %get3A_126 = arith.constant 0 : index
        %get3A_127 = tpu.vector_load %arg13[%get3A_125, %get3A_126] {strides = array<i32>} : memref<80x80xf32, #tpu.memory_space<vmem>>, vector<16xf32>,
        %mul3A_128 = vector.broadcast %squeeze3A_120 : f32 to vector<16xf32>
        %mul3A_129 = arith.mulf %get3A_127, %mul3A_128 : vector<16xf32>
        %swap3A_130 = arith.index_cast %add3A_124 : i32 to index
        %swap3A_131 = arith.constant 0 : index
        %swap3A_132 = tpu.vector_load %arg13[%swap3A_130, %swap3A_131] {strides = array<i32>} : memref<80x80xf32, #tpu.memory_space<vmem>>, vector<16xf32>,
        tpu.vector_store %arg13[%swap3A_130, %swap3A_131], %mul3A_129 {strides = array<i32>} : memref<80x80xf32, #tpu.memory_space<vmem>>, vector<16xf32>,
        %get3A_133 = arith.index_cast %add3A_124 : i32 to index
        %get3A_134 = arith.constant 16 : index
        %get3A_135 = tpu.vector_load %arg13[%get3A_133, %get3A_134] {strides = array<i32>} : memref<80x80xf32, #tpu.memory_space<vmem>>, vector<16xf32>,
        %mul3A_136 = vector.broadcast %squeeze3A_120 : f32 to vector<16xf32>
        %mul3A_137 = arith.mulf %get3A_135, %mul3A_136 : vector<16xf32>
        %swap3A_138 = arith.index_cast %add3A_124 : i32 to index
        %swap3A_139 = arith.constant 16 : index
        %swap3A_140 = tpu.vector_load %arg13[%swap3A_138, %swap3A_139] {strides = array<i32>} : memref<80x80xf32, #tpu.memory_space<vmem>>, vector<16xf32>,
        tpu.vector_store %arg13[%swap3A_138, %swap3A_139], %mul3A_137 {strides = array<i32>} : memref<80x80xf32, #tpu.memory_space<vmem>>, vector<16xf32>,
        %get3A_141 = arith.index_cast %add3A_124 : i32 to index
        %get3A_142 = arith.constant 32 : index
        %get3A_143 = tpu.vector_load %arg13[%get3A_141, %get3A_142] {strides = array<i32>} : memref<80x80xf32, #tpu.memory_space<vmem>>, vector<16xf32>,
        %mul3A_144 = vector.broadcast %squeeze3A_120 : f32 to vector<16xf32>
        %mul3A_145 = arith.mulf %get3A_143, %mul3A_144 : vector<16xf32>
        %swap3A_146 = arith.index_cast %add3A_124 : i32 to index
        %swap3A_147 = arith.constant 32 : index
        %swap3A_148 = tpu.vector_load %arg13[%swap3A_146, %swap3A_147] {strides = array<i32>} : memref<80x80xf32, #tpu.memory_space<vmem>>, vector<16xf32>,
        tpu.vector_store %arg13[%swap3A_146, %swap3A_147], %mul3A_145 {strides = array<i32>} : memref<80x80xf32, #tpu.memory_space<vmem>>, vector<16xf32>,
        %get3A_149 = arith.index_cast %add3A_124 : i32 to index
        %get3A_150 = arith.constant 48 : index
        %get3A_151 = tpu.vector_load %arg13[%get3A_149, %get3A_150] {strides = array<i32>} : memref<80x80xf32, #tpu.memory_space<vmem>>, vector<16xf32>,
        %mul3A_152 = vector.broadcast %squeeze3A_120 : f32 to vector<16xf32>
        %mul3A_153 = arith.mulf %get3A_151, %mul3A_152 : vector<16xf32>
        %swap3A_154 = arith.index_cast %add3A_124 : i32 to index
        %swap3A_155 = arith.constant 48 : index
        %swap3A_156 = tpu.vector_load %arg13[%swap3A_154, %swap3A_155] {strides = array<i32>} : memref<80x80xf32, #tpu.memory_space<vmem>>, vector<16xf32>,
        tpu.vector_store %arg13[%swap3A_154, %swap3A_155], %mul3A_153 {strides = array<i32>} : memref<80x80xf32, #tpu.memory_space<vmem>>, vector<16xf32>,
        %get3A_157 = arith.index_cast %add3A_124 : i32 to index
        %get3A_158 = arith.constant 64 : index
        %get3A_159 = tpu.vector_load %arg13[%get3A_157, %get3A_158] {strides = array<i32>} : memref<80x80xf32, #tpu.memory_space<vmem>>, vector<16xf32>,
        %mul3A_160 = vector.broadcast %squeeze3A_122 : f32 to vector<16xf32>
        %mul3A_161 = arith.mulf %get3A_159, %mul3A_160 : vector<16xf32>
        %swap3A_162 = arith.index_cast %add3A_124 : i32 to index
        %swap3A_163 = arith.constant 64 : index
        %swap3A_164 = tpu.vector_load %arg13[%swap3A_162, %swap3A_163] {strides = array<i32>} : memref<80x80xf32, #tpu.memory_space<vmem>>, vector<16xf32>,
        tpu.vector_store %arg13[%swap3A_162, %swap3A_163], %mul3A_161 {strides = array<i32>} : memref<80x80xf32, #tpu.memory_space<vmem>>, vector<16xf32>,
        %slice3A_165 = vector.extract_strided_slice %mul3A_75 {offsets = [2], sizes = [1], strides = [1]} : vector<16xf32> to vector<1xf32>
        %squeeze3A_166 = vector.extract %slice3A_165[0] : f32 from vector<1xf32>
        %slice3A_167 = vector.extract_strided_slice %exp3A {offsets = [2], sizes = [1], strides = [1]} : vector<16xf32> to vector<1xf32>
        %squeeze3A_168 = vector.extract %slice3A_167[0] : f32 from vector<1xf32>
        %add3A_169 = arith.constant 2 : i32
        %add3A_170 = arith.addi %add3A_50, %add3A_169 : i32
        %get3A_171 = arith.index_cast %add3A_170 : i32 to index
        %get3A_172 = arith.constant 0 : index
        %get3A_173 = tpu.vector_load %arg13[%get3A_171, %get3A_172] {strides = array<i32>} : memref<80x80xf32, #tpu.memory_space<vmem>>, vector<16xf32>,
        %mul3A_174 = vector.broadcast %squeeze3A_166 : f32 to vector<16xf32>
        %mul3A_175 = arith.mulf %get3A_173, %mul3A_174 : vector<16xf32>
        %swap3A_176 = arith.index_cast %add3A_170 : i32 to index
        %swap3A_177 = arith.constant 0 : index
        %swap3A_178 = tpu.vector_load %arg13[%swap3A_176, %swap3A_177] {strides = array<i32>} : memref<80x80xf32, #tpu.memory_space<vmem>>, vector<16xf32>,
        tpu.vector_store %arg13[%swap3A_176, %swap3A_177], %mul3A_175 {strides = array<i32>} : memref<80x80xf32, #tpu.memory_space<vmem>>, vector<16xf32>,
        %get3A_179 = arith.index_cast %add3A_170 : i32 to index
        %get3A_180 = arith.constant 16 : index
        %get3A_181 = tpu.vector_load %arg13[%get3A_179, %get3A_180] {strides = array<i32>} : memref<80x80xf32, #tpu.memory_space<vmem>>, vector<16xf32>,
        %mul3A_182 = vector.broadcast %squeeze3A_166 : f32 to vector<16xf32>
        %mul3A_183 = arith.mulf %get3A_181, %mul3A_182 : vector<16xf32>
        %swap3A_184 = arith.index_cast %add3A_170 : i32 to index
        %swap3A_185 = arith.constant 16 : index
        %swap3A_186 = tpu.vector_load %arg13[%swap3A_184, %swap3A_185] {strides = array<i32>} : memref<80x80xf32, #tpu.memory_space<vmem>>, vector<16xf32>,
        tpu.vector_store %arg13[%swap3A_184, %swap3A_185], %mul3A_183 {strides = array<i32>} : memref<80x80xf32, #tpu.memory_space<vmem>>, vector<16xf32>,
        %get3A_187 = arith.index_cast %add3A_170 : i32 to index
        %get3A_188 = arith.constant 32 : index
        %get3A_189 = tpu.vector_load %arg13[%get3A_187, %get3A_188] {strides = array<i32>} : memref<80x80xf32, #tpu.memory_space<vmem>>, vector<16xf32>,
        %mul3A_190 = vector.broadcast %squeeze3A_166 : f32 to vector<16xf32>
        %mul3A_191 = arith.mulf %get3A_189, %mul3A_190 : vector<16xf32>
        %swap3A_192 = arith.index_cast %add3A_170 : i32 to index
        %swap3A_193 = arith.constant 32 : index
        %swap3A_194 = tpu.vector_load %arg13[%swap3A_192, %swap3A_193] {strides = array<i32>} : memref<80x80xf32, #tpu.memory_space<vmem>>, vector<16xf32>,
        tpu.vector_store %arg13[%swap3A_192, %swap3A_193], %mul3A_191 {strides = array<i32>} : memref<80x80xf32, #tpu.memory_space<vmem>>, vector<16xf32>,
        %get3A_195 = arith.index_cast %add3A_170 : i32 to index
        %get3A_196 = arith.constant 48 : index
        %get3A_197 = tpu.vector_load %arg13[%get3A_195, %get3A_196] {strides = array<i32>} : memref<80x80xf32, #tpu.memory_space<vmem>>, vector<16xf32>,
        %mul3A_198 = vector.broadcast %squeeze3A_166 : f32 to vector<16xf32>
        %mul3A_199 = arith.mulf %get3A_197, %mul3A_198 : vector<16xf32>
        %swap3A_200 = arith.index_cast %add3A_170 : i32 to index
        %swap3A_201 = arith.constant 48 : index
        %swap3A_202 = tpu.vector_load %arg13[%swap3A_200, %swap3A_201] {strides = array<i32>} : memref<80x80xf32, #tpu.memory_space<vmem>>, vector<16xf32>,
        tpu.vector_store %arg13[%swap3A_200, %swap3A_201], %mul3A_199 {strides = array<i32>} : memref<80x80xf32, #tpu.memory_space<vmem>>, vector<16xf32>,
        %get3A_203 = arith.index_cast %add3A_170 : i32 to index
        %get3A_204 = arith.constant 64 : index
        %get3A_205 = tpu.vector_load %arg13[%get3A_203, %get3A_204] {strides = array<i32>} : memref<80x80xf32, #tpu.memory_space<vmem>>, vector<16xf32>,
        %mul3A_206 = vector.broadcast %squeeze3A_168 : f32 to vector<16xf32>
        %mul3A_207 = arith.mulf %get3A_205, %mul3A_206 : vector<16xf32>
        %swap3A_208 = arith.index_cast %add3A_170 : i32 to index
        %swap3A_209 = arith.constant 64 : index
        %swap3A_210 = tpu.vector_load %arg13[%swap3A_208, %swap3A_209] {strides = array<i32>} : memref<80x80xf32, #tpu.memory_space<vmem>>, vector<16xf32>,
        tpu.vector_store %arg13[%swap3A_208, %swap3A_209], %mul3A_207 {strides = array<i32>} : memref<80x80xf32, #tpu.memory_space<vmem>>, vector<16xf32>,
        %slice3A_211 = vector.extract_strided_slice %mul3A_75 {offsets = [3], sizes = [1], strides = [1]} : vector<16xf32> to vector<1xf32>
        %squeeze3A_212 = vector.extract %slice3A_211[0] : f32 from vector<1xf32>
        %slice3A_213 = vector.extract_strided_slice %exp3A {offsets = [3], sizes = [1], strides = [1]} : vector<16xf32> to vector<1xf32>
        %squeeze3A_214 = vector.extract %slice3A_213[0] : f32 from vector<1xf32>
        %add3A_215 = arith.constant 3 : i32
        %add3A_216 = arith.addi %add3A_50, %add3A_215 : i32
        %get3A_217 = arith.index_cast %add3A_216 : i32 to index
        %get3A_218 = arith.constant 0 : index
        %get3A_219 = tpu.vector_load %arg13[%get3A_217, %get3A_218] {strides = array<i32>} : memref<80x80xf32, #tpu.memory_space<vmem>>, vector<16xf32>,
        %mul3A_220 = vector.broadcast %squeeze3A_212 : f32 to vector<16xf32>
        %mul3A_221 = arith.mulf %get3A_219, %mul3A_220 : vector<16xf32>
        %swap3A_222 = arith.index_cast %add3A_216 : i32 to index
        %swap3A_223 = arith.constant 0 : index
        %swap3A_224 = tpu.vector_load %arg13[%swap3A_222, %swap3A_223] {strides = array<i32>} : memref<80x80xf32, #tpu.memory_space<vmem>>, vector<16xf32>,
        tpu.vector_store %arg13[%swap3A_222, %swap3A_223], %mul3A_221 {strides = array<i32>} : memref<80x80xf32, #tpu.memory_space<vmem>>, vector<16xf32>,
        %get3A_225 = arith.index_cast %add3A_216 : i32 to index
        %get3A_226 = arith.constant 16 : index
        %get3A_227 = tpu.vector_load %arg13[%get3A_225, %get3A_226] {strides = array<i32>} : memref<80x80xf32, #tpu.memory_space<vmem>>, vector<16xf32>,
        %mul3A_228 = vector.broadcast %squeeze3A_212 : f32 to vector<16xf32>
        %mul3A_229 = arith.mulf %get3A_227, %mul3A_228 : vector<16xf32>
        %swap3A_230 = arith.index_cast %add3A_216 : i32 to index
        %swap3A_231 = arith.constant 16 : index
        %swap3A_232 = tpu.vector_load %arg13[%swap3A_230, %swap3A_231] {strides = array<i32>} : memref<80x80xf32, #tpu.memory_space<vmem>>, vector<16xf32>,
        tpu.vector_store %arg13[%swap3A_230, %swap3A_231], %mul3A_229 {strides = array<i32>} : memref<80x80xf32, #tpu.memory_space<vmem>>, vector<16xf32>,
        %get3A_233 = arith.index_cast %add3A_216 : i32 to index
        %get3A_234 = arith.constant 32 : index
        %get3A_235 = tpu.vector_load %arg13[%get3A_233, %get3A_234] {strides = array<i32>} : memref<80x80xf32, #tpu.memory_space<vmem>>, vector<16xf32>,
        %mul3A_236 = vector.broadcast %squeeze3A_212 : f32 to vector<16xf32>
        %mul3A_237 = arith.mulf %get3A_235, %mul3A_236 : vector<16xf32>
        %swap3A_238 = arith.index_cast %add3A_216 : i32 to index
        %swap3A_239 = arith.constant 32 : index
        %swap3A_240 = tpu.vector_load %arg13[%swap3A_238, %swap3A_239] {strides = array<i32>} : memref<80x80xf32, #tpu.memory_space<vmem>>, vector<16xf32>,
        tpu.vector_store %arg13[%swap3A_238, %swap3A_239], %mul3A_237 {strides = array<i32>} : memref<80x80xf32, #tpu.memory_space<vmem>>, vector<16xf32>,
        %get3A_241 = arith.index_cast %add3A_216 : i32 to index
        %get3A_242 = arith.constant 48 : index
        %get3A_243 = tpu.vector_load %arg13[%get3A_241, %get3A_242] {strides = array<i32>} : memref<80x80xf32, #tpu.memory_space<vmem>>, vector<16xf32>,
        %mul3A_244 = vector.broadcast %squeeze3A_212 : f32 to vector<16xf32>
        %mul3A_245 = arith.mulf %get3A_243, %mul3A_244 : vector<16xf32>
        %swap3A_246 = arith.index_cast %add3A_216 : i32 to index
        %swap3A_247 = arith.constant 48 : index
        %swap3A_248 = tpu.vector_load %arg13[%swap3A_246, %swap3A_247] {strides = array<i32>} : memref<80x80xf32, #tpu.memory_space<vmem>>, vector<16xf32>,
        tpu.vector_store %arg13[%swap3A_246, %swap3A_247], %mul3A_245 {strides = array<i32>} : memref<80x80xf32, #tpu.memory_space<vmem>>, vector<16xf32>,
        %get3A_249 = arith.index_cast %add3A_216 : i32 to index
        %get3A_250 = arith.constant 64 : index
        %get3A_251 = tpu.vector_load %arg13[%get3A_249, %get3A_250] {strides = array<i32>} : memref<80x80xf32, #tpu.memory_space<vmem>>, vector<16xf32>,
        %mul3A_252 = vector.broadcast %squeeze3A_214 : f32 to vector<16xf32>
        %mul3A_253 = arith.mulf %get3A_251, %mul3A_252 : vector<16xf32>
        %swap3A_254 = arith.index_cast %add3A_216 : i32 to index
        %swap3A_255 = arith.constant 64 : index
        %swap3A_256 = tpu.vector_load %arg13[%swap3A_254, %swap3A_255] {strides = array<i32>} : memref<80x80xf32, #tpu.memory_space<vmem>>, vector<16xf32>,
        tpu.vector_store %arg13[%swap3A_254, %swap3A_255], %mul3A_253 {strides = array<i32>} : memref<80x80xf32, #tpu.memory_space<vmem>>, vector<16xf32>,
        %slice3A_257 = vector.extract_strided_slice %mul3A_75 {offsets = [4], sizes = [1], strides = [1]} : vector<16xf32> to vector<1xf32>
        %squeeze3A_258 = vector.extract %slice3A_257[0] : f32 from vector<1xf32>
        %slice3A_259 = vector.extract_strided_slice %exp3A {offsets = [4], sizes = [1], strides = [1]} : vector<16xf32> to vector<1xf32>
        %squeeze3A_260 = vector.extract %slice3A_259[0] : f32 from vector<1xf32>
        %add3A_261 = arith.constant 4 : i32
        %add3A_262 = arith.addi %add3A_50, %add3A_261 : i32
        %get3A_263 = arith.index_cast %add3A_262 : i32 to index
        %get3A_264 = arith.constant 0 : index
        %get3A_265 = tpu.vector_load %arg13[%get3A_263, %get3A_264] {strides = array<i32>} : memref<80x80xf32, #tpu.memory_space<vmem>>, vector<16xf32>,
        %mul3A_266 = vector.broadcast %squeeze3A_258 : f32 to vector<16xf32>
        %mul3A_267 = arith.mulf %get3A_265, %mul3A_266 : vector<16xf32>
        %swap3A_268 = arith.index_cast %add3A_262 : i32 to index
        %swap3A_269 = arith.constant 0 : index
        %swap3A_270 = tpu.vector_load %arg13[%swap3A_268, %swap3A_269] {strides = array<i32>} : memref<80x80xf32, #tpu.memory_space<vmem>>, vector<16xf32>,
        tpu.vector_store %arg13[%swap3A_268, %swap3A_269], %mul3A_267 {strides = array<i32>} : memref<80x80xf32, #tpu.memory_space<vmem>>, vector<16xf32>,
        %get3A_271 = arith.index_cast %add3A_262 : i32 to index
        %get3A_272 = arith.constant 16 : index
        %get3A_273 = tpu.vector_load %arg13[%get3A_271, %get3A_272] {strides = array<i32>} : memref<80x80xf32, #tpu.memory_space<vmem>>, vector<16xf32>,
        %mul3A_274 = vector.broadcast %squeeze3A_258 : f32 to vector<16xf32>
        %mul3A_275 = arith.mulf %get3A_273, %mul3A_274 : vector<16xf32>
        %swap3A_276 = arith.index_cast %add3A_262 : i32 to index
        %swap3A_277 = arith.constant 16 : index
        %swap3A_278 = tpu.vector_load %arg13[%swap3A_276, %swap3A_277] {strides = array<i32>} : memref<80x80xf32, #tpu.memory_space<vmem>>, vector<16xf32>,
        tpu.vector_store %arg13[%swap3A_276, %swap3A_277], %mul3A_275 {strides = array<i32>} : memref<80x80xf32, #tpu.memory_space<vmem>>, vector<16xf32>,
        %get3A_279 = arith.index_cast %add3A_262 : i32 to index
        %get3A_280 = arith.constant 32 : index
        %get3A_281 = tpu.vector_load %arg13[%get3A_279, %get3A_280] {strides = array<i32>} : memref<80x80xf32, #tpu.memory_space<vmem>>, vector<16xf32>,
        %mul3A_282 = vector.broadcast %squeeze3A_258 : f32 to vector<16xf32>
        %mul3A_283 = arith.mulf %get3A_281, %mul3A_282 : vector<16xf32>
        %swap3A_284 = arith.index_cast %add3A_262 : i32 to index
        %swap3A_285 = arith.constant 32 : index
        %swap3A_286 = tpu.vector_load %arg13[%swap3A_284, %swap3A_285] {strides = array<i32>} : memref<80x80xf32, #tpu.memory_space<vmem>>, vector<16xf32>,
        tpu.vector_store %arg13[%swap3A_284, %swap3A_285], %mul3A_283 {strides = array<i32>} : memref<80x80xf32, #tpu.memory_space<vmem>>, vector<16xf32>,
        %get3A_287 = arith.index_cast %add3A_262 : i32 to index
        %get3A_288 = arith.constant 48 : index
        %get3A_289 = tpu.vector_load %arg13[%get3A_287, %get3A_288] {strides = array<i32>} : memref<80x80xf32, #tpu.memory_space<vmem>>, vector<16xf32>,
        %mul3A_290 = vector.broadcast %squeeze3A_258 : f32 to vector<16xf32>
        %mul3A_291 = arith.mulf %get3A_289, %mul3A_290 : vector<16xf32>
        %swap3A_292 = arith.index_cast %add3A_262 : i32 to index
        %swap3A_293 = arith.constant 48 : index
        %swap3A_294 = tpu.vector_load %arg13[%swap3A_292, %swap3A_293] {strides = array<i32>} : memref<80x80xf32, #tpu.memory_space<vmem>>, vector<16xf32>,
        tpu.vector_store %arg13[%swap3A_292, %swap3A_293], %mul3A_291 {strides = array<i32>} : memref<80x80xf32, #tpu.memory_space<vmem>>, vector<16xf32>,
        %get3A_295 = arith.index_cast %add3A_262 : i32 to index
        %get3A_296 = arith.constant 64 : index
        %get3A_297 = tpu.vector_load %arg13[%get3A_295, %get3A_296] {strides = array<i32>} : memref<80x80xf32, #tpu.memory_space<vmem>>, vector<16xf32>,
        %mul3A_298 = vector.broadcast %squeeze3A_260 : f32 to vector<16xf32>
        %mul3A_299 = arith.mulf %get3A_297, %mul3A_298 : vector<16xf32>
        %swap3A_300 = arith.index_cast %add3A_262 : i32 to index
        %swap3A_301 = arith.constant 64 : index
        %swap3A_302 = tpu.vector_load %arg13[%swap3A_300, %swap3A_301] {strides = array<i32>} : memref<80x80xf32, #tpu.memory_space<vmem>>, vector<16xf32>,
        tpu.vector_store %arg13[%swap3A_300, %swap3A_301], %mul3A_299 {strides = array<i32>} : memref<80x80xf32, #tpu.memory_space<vmem>>, vector<16xf32>,
        %slice3A_303 = vector.extract_strided_slice %mul3A_75 {offsets = [5], sizes = [1], strides = [1]} : vector<16xf32> to vector<1xf32>
        %squeeze3A_304 = vector.extract %slice3A_303[0] : f32 from vector<1xf32>
        %slice3A_305 = vector.extract_strided_slice %exp3A {offsets = [5], sizes = [1], strides = [1]} : vector<16xf32> to vector<1xf32>
        %squeeze3A_306 = vector.extract %slice3A_305[0] : f32 from vector<1xf32>
        %add3A_307 = arith.constant 5 : i32
        %add3A_308 = arith.addi %add3A_50, %add3A_307 : i32
        %get3A_309 = arith.index_cast %add3A_308 : i32 to index
        %get3A_310 = arith.constant 0 : index
        %get3A_311 = tpu.vector_load %arg13[%get3A_309, %get3A_310] {strides = array<i32>} : memref<80x80xf32, #tpu.memory_space<vmem>>, vector<16xf32>,
        %mul3A_312 = vector.broadcast %squeeze3A_304 : f32 to vector<16xf32>
        %mul3A_313 = arith.mulf %get3A_311, %mul3A_312 : vector<16xf32>
        %swap3A_314 = arith.index_cast %add3A_308 : i32 to index
        %swap3A_315 = arith.constant 0 : index
        %swap3A_316 = tpu.vector_load %arg13[%swap3A_314, %swap3A_315] {strides = array<i32>} : memref<80x80xf32, #tpu.memory_space<vmem>>, vector<16xf32>,
        tpu.vector_store %arg13[%swap3A_314, %swap3A_315], %mul3A_313 {strides = array<i32>} : memref<80x80xf32, #tpu.memory_space<vmem>>, vector<16xf32>,
        %get3A_317 = arith.index_cast %add3A_308 : i32 to index
        %get3A_318 = arith.constant 16 : index
        %get3A_319 = tpu.vector_load %arg13[%get3A_317, %get3A_318] {strides = array<i32>} : memref<80x80xf32, #tpu.memory_space<vmem>>, vector<16xf32>,
        %mul3A_320 = vector.broadcast %squeeze3A_304 : f32 to vector<16xf32>
        %mul3A_321 = arith.mulf %get3A_319, %mul3A_320 : vector<16xf32>
        %swap3A_322 = arith.index_cast %add3A_308 : i32 to index
        %swap3A_323 = arith.constant 16 : index
        %swap3A_324 = tpu.vector_load %arg13[%swap3A_322, %swap3A_323] {strides = array<i32>} : memref<80x80xf32, #tpu.memory_space<vmem>>, vector<16xf32>,
        tpu.vector_store %arg13[%swap3A_322, %swap3A_323], %mul3A_321 {strides = array<i32>} : memref<80x80xf32, #tpu.memory_space<vmem>>, vector<16xf32>,
        %get3A_325 = arith.index_cast %add3A_308 : i32 to index
        %get3A_326 = arith.constant 32 : index
        %get3A_327 = tpu.vector_load %arg13[%get3A_325, %get3A_326] {strides = array<i32>} : memref<80x80xf32, #tpu.memory_space<vmem>>, vector<16xf32>,
        %mul3A_328 = vector.broadcast %squeeze3A_304 : f32 to vector<16xf32>
        %mul3A_329 = arith.mulf %get3A_327, %mul3A_328 : vector<16xf32>
        %swap3A_330 = arith.index_cast %add3A_308 : i32 to index
        %swap3A_331 = arith.constant 32 : index
        %swap3A_332 = tpu.vector_load %arg13[%swap3A_330, %swap3A_331] {strides = array<i32>} : memref<80x80xf32, #tpu.memory_space<vmem>>, vector<16xf32>,
        tpu.vector_store %arg13[%swap3A_330, %swap3A_331], %mul3A_329 {strides = array<i32>} : memref<80x80xf32, #tpu.memory_space<vmem>>, vector<16xf32>,
        %get3A_333 = arith.index_cast %add3A_308 : i32 to index
        %get3A_334 = arith.constant 48 : index
        %get3A_335 = tpu.vector_load %arg13[%get3A_333, %get3A_334] {strides = array<i32>} : memref<80x80xf32, #tpu.memory_space<vmem>>, vector<16xf32>,
        %mul3A_336 = vector.broadcast %squeeze3A_304 : f32 to vector<16xf32>
        %mul3A_337 = arith.mulf %get3A_335, %mul3A_336 : vector<16xf32>
        %swap3A_338 = arith.index_cast %add3A_308 : i32 to index
        %swap3A_339 = arith.constant 48 : index
        %swap3A_340 = tpu.vector_load %arg13[%swap3A_338, %swap3A_339] {strides = array<i32>} : memref<80x80xf32, #tpu.memory_space<vmem>>, vector<16xf32>,
        tpu.vector_store %arg13[%swap3A_338, %swap3A_339], %mul3A_337 {strides = array<i32>} : memref<80x80xf32, #tpu.memory_space<vmem>>, vector<16xf32>,
        %get3A_341 = arith.index_cast %add3A_308 : i32 to index
        %get3A_342 = arith.constant 64 : index
        %get3A_343 = tpu.vector_load %arg13[%get3A_341, %get3A_342] {strides = array<i32>} : memref<80x80xf32, #tpu.memory_space<vmem>>, vector<16xf32>,
        %mul3A_344 = vector.broadcast %squeeze3A_306 : f32 to vector<16xf32>
        %mul3A_345 = arith.mulf %get3A_343, %mul3A_344 : vector<16xf32>
        %swap3A_346 = arith.index_cast %add3A_308 : i32 to index
        %swap3A_347 = arith.constant 64 : index
        %swap3A_348 = tpu.vector_load %arg13[%swap3A_346, %swap3A_347] {strides = array<i32>} : memref<80x80xf32, #tpu.memory_space<vmem>>, vector<16xf32>,
        tpu.vector_store %arg13[%swap3A_346, %swap3A_347], %mul3A_345 {strides = array<i32>} : memref<80x80xf32, #tpu.memory_space<vmem>>, vector<16xf32>,
        %slice3A_349 = vector.extract_strided_slice %mul3A_75 {offsets = [6], sizes = [1], strides = [1]} : vector<16xf32> to vector<1xf32>
        %squeeze3A_350 = vector.extract %slice3A_349[0] : f32 from vector<1xf32>
        %slice3A_351 = vector.extract_strided_slice %exp3A {offsets = [6], sizes = [1], strides = [1]} : vector<16xf32> to vector<1xf32>
        %squeeze3A_352 = vector.extract %slice3A_351[0] : f32 from vector<1xf32>
        %add3A_353 = arith.constant 6 : i32
        %add3A_354 = arith.addi %add3A_50, %add3A_353 : i32
        %get3A_355 = arith.index_cast %add3A_354 : i32 to index
        %get3A_356 = arith.constant 0 : index
        %get3A_357 = tpu.vector_load %arg13[%get3A_355, %get3A_356] {strides = array<i32>} : memref<80x80xf32, #tpu.memory_space<vmem>>, vector<16xf32>,
        %mul3A_358 = vector.broadcast %squeeze3A_350 : f32 to vector<16xf32>
        %mul3A_359 = arith.mulf %get3A_357, %mul3A_358 : vector<16xf32>
        %swap3A_360 = arith.index_cast %add3A_354 : i32 to index
        %swap3A_361 = arith.constant 0 : index
        %swap3A_362 = tpu.vector_load %arg13[%swap3A_360, %swap3A_361] {strides = array<i32>} : memref<80x80xf32, #tpu.memory_space<vmem>>, vector<16xf32>,
        tpu.vector_store %arg13[%swap3A_360, %swap3A_361], %mul3A_359 {strides = array<i32>} : memref<80x80xf32, #tpu.memory_space<vmem>>, vector<16xf32>,
        %get3A_363 = arith.index_cast %add3A_354 : i32 to index
        %get3A_364 = arith.constant 16 : index
        %get3A_365 = tpu.vector_load %arg13[%get3A_363, %get3A_364] {strides = array<i32>} : memref<80x80xf32, #tpu.memory_space<vmem>>, vector<16xf32>,
        %mul3A_366 = vector.broadcast %squeeze3A_350 : f32 to vector<16xf32>
        %mul3A_367 = arith.mulf %get3A_365, %mul3A_366 : vector<16xf32>
        %swap3A_368 = arith.index_cast %add3A_354 : i32 to index
        %swap3A_369 = arith.constant 16 : index
        %swap3A_370 = tpu.vector_load %arg13[%swap3A_368, %swap3A_369] {strides = array<i32>} : memref<80x80xf32, #tpu.memory_space<vmem>>, vector<16xf32>,
        tpu.vector_store %arg13[%swap3A_368, %swap3A_369], %mul3A_367 {strides = array<i32>} : memref<80x80xf32, #tpu.memory_space<vmem>>, vector<16xf32>,
        %get3A_371 = arith.index_cast %add3A_354 : i32 to index
        %get3A_372 = arith.constant 32 : index
        %get3A_373 = tpu.vector_load %arg13[%get3A_371, %get3A_372] {strides = array<i32>} : memref<80x80xf32, #tpu.memory_space<vmem>>, vector<16xf32>,
        %mul3A_374 = vector.broadcast %squeeze3A_350 : f32 to vector<16xf32>
        %mul3A_375 = arith.mulf %get3A_373, %mul3A_374 : vector<16xf32>
        %swap3A_376 = arith.index_cast %add3A_354 : i32 to index
        %swap3A_377 = arith.constant 32 : index
        %swap3A_378 = tpu.vector_load %arg13[%swap3A_376, %swap3A_377] {strides = array<i32>} : memref<80x80xf32, #tpu.memory_space<vmem>>, vector<16xf32>,
        tpu.vector_store %arg13[%swap3A_376, %swap3A_377], %mul3A_375 {strides = array<i32>} : memref<80x80xf32, #tpu.memory_space<vmem>>, vector<16xf32>,
        %get3A_379 = arith.index_cast %add3A_354 : i32 to index
        %get3A_380 = arith.constant 48 : index
        %get3A_381 = tpu.vector_load %arg13[%get3A_379, %get3A_380] {strides = array<i32>} : memref<80x80xf32, #tpu.memory_space<vmem>>, vector<16xf32>,
        %mul3A_382 = vector.broadcast %squeeze3A_350 : f32 to vector<16xf32>
        %mul3A_383 = arith.mulf %get3A_381, %mul3A_382 : vector<16xf32>
        %swap3A_384 = arith.index_cast %add3A_354 : i32 to index
        %swap3A_385 = arith.constant 48 : index
        %swap3A_386 = tpu.vector_load %arg13[%swap3A_384, %swap3A_385] {strides = array<i32>} : memref<80x80xf32, #tpu.memory_space<vmem>>, vector<16xf32>,
        tpu.vector_store %arg13[%swap3A_384, %swap3A_385], %mul3A_383 {strides = array<i32>} : memref<80x80xf32, #tpu.memory_space<vmem>>, vector<16xf32>,
        %get3A_387 = arith.index_cast %add3A_354 : i32 to index
        %get3A_388 = arith.constant 64 : index
        %get3A_389 = tpu.vector_load %arg13[%get3A_387, %get3A_388] {strides = array<i32>} : memref<80x80xf32, #tpu.memory_space<vmem>>, vector<16xf32>,
        %mul3A_390 = vector.broadcast %squeeze3A_352 : f32 to vector<16xf32>
        %mul3A_391 = arith.mulf %get3A_389, %mul3A_390 : vector<16xf32>
        %swap3A_392 = arith.index_cast %add3A_354 : i32 to index
        %swap3A_393 = arith.constant 64 : index
        %swap3A_394 = tpu.vector_load %arg13[%swap3A_392, %swap3A_393] {strides = array<i32>} : memref<80x80xf32, #tpu.memory_space<vmem>>, vector<16xf32>,
        tpu.vector_store %arg13[%swap3A_392, %swap3A_393], %mul3A_391 {strides = array<i32>} : memref<80x80xf32, #tpu.memory_space<vmem>>, vector<16xf32>,
        %slice3A_395 = vector.extract_strided_slice %mul3A_75 {offsets = [7], sizes = [1], strides = [1]} : vector<16xf32> to vector<1xf32>
        %squeeze3A_396 = vector.extract %slice3A_395[0] : f32 from vector<1xf32>
        %slice3A_397 = vector.extract_strided_slice %exp3A {offsets = [7], sizes = [1], strides = [1]} : vector<16xf32> to vector<1xf32>
        %squeeze3A_398 = vector.extract %slice3A_397[0] : f32 from vector<1xf32>
        %add3A_399 = arith.constant 7 : i32
        %add3A_400 = arith.addi %add3A_50, %add3A_399 : i32
        %get3A_401 = arith.index_cast %add3A_400 : i32 to index
        %get3A_402 = arith.constant 0 : index
        %get3A_403 = tpu.vector_load %arg13[%get3A_401, %get3A_402] {strides = array<i32>} : memref<80x80xf32, #tpu.memory_space<vmem>>, vector<16xf32>,
        %mul3A_404 = vector.broadcast %squeeze3A_396 : f32 to vector<16xf32>
        %mul3A_405 = arith.mulf %get3A_403, %mul3A_404 : vector<16xf32>
        %swap3A_406 = arith.index_cast %add3A_400 : i32 to index
        %swap3A_407 = arith.constant 0 : index
        %swap3A_408 = tpu.vector_load %arg13[%swap3A_406, %swap3A_407] {strides = array<i32>} : memref<80x80xf32, #tpu.memory_space<vmem>>, vector<16xf32>,
        tpu.vector_store %arg13[%swap3A_406, %swap3A_407], %mul3A_405 {strides = array<i32>} : memref<80x80xf32, #tpu.memory_space<vmem>>, vector<16xf32>,
        %get3A_409 = arith.index_cast %add3A_400 : i32 to index
        %get3A_410 = arith.constant 16 : index
        %get3A_411 = tpu.vector_load %arg13[%get3A_409, %get3A_410] {strides = array<i32>} : memref<80x80xf32, #tpu.memory_space<vmem>>, vector<16xf32>,
        %mul3A_412 = vector.broadcast %squeeze3A_396 : f32 to vector<16xf32>
        %mul3A_413 = arith.mulf %get3A_411, %mul3A_412 : vector<16xf32>
        %swap3A_414 = arith.index_cast %add3A_400 : i32 to index
        %swap3A_415 = arith.constant 16 : index
        %swap3A_416 = tpu.vector_load %arg13[%swap3A_414, %swap3A_415] {strides = array<i32>} : memref<80x80xf32, #tpu.memory_space<vmem>>, vector<16xf32>,
        tpu.vector_store %arg13[%swap3A_414, %swap3A_415], %mul3A_413 {strides = array<i32>} : memref<80x80xf32, #tpu.memory_space<vmem>>, vector<16xf32>,
        %get3A_417 = arith.index_cast %add3A_400 : i32 to index
        %get3A_418 = arith.constant 32 : index
        %get3A_419 = tpu.vector_load %arg13[%get3A_417, %get3A_418] {strides = array<i32>} : memref<80x80xf32, #tpu.memory_space<vmem>>, vector<16xf32>,
        %mul3A_420 = vector.broadcast %squeeze3A_396 : f32 to vector<16xf32>
        %mul3A_421 = arith.mulf %get3A_419, %mul3A_420 : vector<16xf32>
        %swap3A_422 = arith.index_cast %add3A_400 : i32 to index
        %swap3A_423 = arith.constant 32 : index
        %swap3A_424 = tpu.vector_load %arg13[%swap3A_422, %swap3A_423] {strides = array<i32>} : memref<80x80xf32, #tpu.memory_space<vmem>>, vector<16xf32>,
        tpu.vector_store %arg13[%swap3A_422, %swap3A_423], %mul3A_421 {strides = array<i32>} : memref<80x80xf32, #tpu.memory_space<vmem>>, vector<16xf32>,
        %get3A_425 = arith.index_cast %add3A_400 : i32 to index
        %get3A_426 = arith.constant 48 : index
        %get3A_427 = tpu.vector_load %arg13[%get3A_425, %get3A_426] {strides = array<i32>} : memref<80x80xf32, #tpu.memory_space<vmem>>, vector<16xf32>,
        %mul3A_428 = vector.broadcast %squeeze3A_396 : f32 to vector<16xf32>
        %mul3A_429 = arith.mulf %get3A_427, %mul3A_428 : vector<16xf32>
        %swap3A_430 = arith.index_cast %add3A_400 : i32 to index
        %swap3A_431 = arith.constant 48 : index
        %swap3A_432 = tpu.vector_load %arg13[%swap3A_430, %swap3A_431] {strides = array<i32>} : memref<80x80xf32, #tpu.memory_space<vmem>>, vector<16xf32>,
        tpu.vector_store %arg13[%swap3A_430, %swap3A_431], %mul3A_429 {strides = array<i32>} : memref<80x80xf32, #tpu.memory_space<vmem>>, vector<16xf32>,
        %get3A_433 = arith.index_cast %add3A_400 : i32 to index
        %get3A_434 = arith.constant 64 : index
        %get3A_435 = tpu.vector_load %arg13[%get3A_433, %get3A_434] {strides = array<i32>} : memref<80x80xf32, #tpu.memory_space<vmem>>, vector<16xf32>,
        %mul3A_436 = vector.broadcast %squeeze3A_398 : f32 to vector<16xf32>
        %mul3A_437 = arith.mulf %get3A_435, %mul3A_436 : vector<16xf32>
        %swap3A_438 = arith.index_cast %add3A_400 : i32 to index
        %swap3A_439 = arith.constant 64 : index
        %swap3A_440 = tpu.vector_load %arg13[%swap3A_438, %swap3A_439] {strides = array<i32>} : memref<80x80xf32, #tpu.memory_space<vmem>>, vector<16xf32>,
        tpu.vector_store %arg13[%swap3A_438, %swap3A_439], %mul3A_437 {strides = array<i32>} : memref<80x80xf32, #tpu.memory_space<vmem>>, vector<16xf32>,
        %slice3A_441 = vector.extract_strided_slice %mul3A_75 {offsets = [8], sizes = [1], strides = [1]} : vector<16xf32> to vector<1xf32>
        %squeeze3A_442 = vector.extract %slice3A_441[0] : f32 from vector<1xf32>
        %slice3A_443 = vector.extract_strided_slice %exp3A {offsets = [8], sizes = [1], strides = [1]} : vector<16xf32> to vector<1xf32>
        %squeeze3A_444 = vector.extract %slice3A_443[0] : f32 from vector<1xf32>
        %add3A_445 = arith.constant 8 : i32
        %add3A_446 = arith.addi %add3A_50, %add3A_445 : i32
        %get3A_447 = arith.index_cast %add3A_446 : i32 to index
        %get3A_448 = arith.constant 0 : index
        %get3A_449 = tpu.vector_load %arg13[%get3A_447, %get3A_448] {strides = array<i32>} : memref<80x80xf32, #tpu.memory_space<vmem>>, vector<16xf32>,
        %mul3A_450 = vector.broadcast %squeeze3A_442 : f32 to vector<16xf32>
        %mul3A_451 = arith.mulf %get3A_449, %mul3A_450 : vector<16xf32>
        %swap3A_452 = arith.index_cast %add3A_446 : i32 to index
        %swap3A_453 = arith.constant 0 : index
        %swap3A_454 = tpu.vector_load %arg13[%swap3A_452, %swap3A_453] {strides = array<i32>} : memref<80x80xf32, #tpu.memory_space<vmem>>, vector<16xf32>,
        tpu.vector_store %arg13[%swap3A_452, %swap3A_453], %mul3A_451 {strides = array<i32>} : memref<80x80xf32, #tpu.memory_space<vmem>>, vector<16xf32>,
        %get3A_455 = arith.index_cast %add3A_446 : i32 to index
        %get3A_456 = arith.constant 16 : index
        %get3A_457 = tpu.vector_load %arg13[%get3A_455, %get3A_456] {strides = array<i32>} : memref<80x80xf32, #tpu.memory_space<vmem>>, vector<16xf32>,
        %mul3A_458 = vector.broadcast %squeeze3A_442 : f32 to vector<16xf32>
        %mul3A_459 = arith.mulf %get3A_457, %mul3A_458 : vector<16xf32>
        %swap3A_460 = arith.index_cast %add3A_446 : i32 to index
        %swap3A_461 = arith.constant 16 : index
        %swap3A_462 = tpu.vector_load %arg13[%swap3A_460, %swap3A_461] {strides = array<i32>} : memref<80x80xf32, #tpu.memory_space<vmem>>, vector<16xf32>,
        tpu.vector_store %arg13[%swap3A_460, %swap3A_461], %mul3A_459 {strides = array<i32>} : memref<80x80xf32, #tpu.memory_space<vmem>>, vector<16xf32>,
        %get3A_463 = arith.index_cast %add3A_446 : i32 to index
        %get3A_464 = arith.constant 32 : index
        %get3A_465 = tpu.vector_load %arg13[%get3A_463, %get3A_464] {strides = array<i32>} : memref<80x80xf32, #tpu.memory_space<vmem>>, vector<16xf32>,
        %mul3A_466 = vector.broadcast %squeeze3A_442 : f32 to vector<16xf32>
        %mul3A_467 = arith.mulf %get3A_465, %mul3A_466 : vector<16xf32>
        %swap3A_468 = arith.index_cast %add3A_446 : i32 to index
        %swap3A_469 = arith.constant 32 : index
        %swap3A_470 = tpu.vector_load %arg13[%swap3A_468, %swap3A_469] {strides = array<i32>} : memref<80x80xf32, #tpu.memory_space<vmem>>, vector<16xf32>,
        tpu.vector_store %arg13[%swap3A_468, %swap3A_469], %mul3A_467 {strides = array<i32>} : memref<80x80xf32, #tpu.memory_space<vmem>>, vector<16xf32>,
        %get3A_471 = arith.index_cast %add3A_446 : i32 to index
        %get3A_472 = arith.constant 48 : index
        %get3A_473 = tpu.vector_load %arg13[%get3A_471, %get3A_472] {strides = array<i32>} : memref<80x80xf32, #tpu.memory_space<vmem>>, vector<16xf32>,
        %mul3A_474 = vector.broadcast %squeeze3A_442 : f32 to vector<16xf32>
        %mul3A_475 = arith.mulf %get3A_473, %mul3A_474 : vector<16xf32>
        %swap3A_476 = arith.index_cast %add3A_446 : i32 to index
        %swap3A_477 = arith.constant 48 : index
        %swap3A_478 = tpu.vector_load %arg13[%swap3A_476, %swap3A_477] {strides = array<i32>} : memref<80x80xf32, #tpu.memory_space<vmem>>, vector<16xf32>,
        tpu.vector_store %arg13[%swap3A_476, %swap3A_477], %mul3A_475 {strides = array<i32>} : memref<80x80xf32, #tpu.memory_space<vmem>>, vector<16xf32>,
        %get3A_479 = arith.index_cast %add3A_446 : i32 to index
        %get3A_480 = arith.constant 64 : index
        %get3A_481 = tpu.vector_load %arg13[%get3A_479, %get3A_480] {strides = array<i32>} : memref<80x80xf32, #tpu.memory_space<vmem>>, vector<16xf32>,
        %mul3A_482 = vector.broadcast %squeeze3A_444 : f32 to vector<16xf32>
        %mul3A_483 = arith.mulf %get3A_481, %mul3A_482 : vector<16xf32>
        %swap3A_484 = arith.index_cast %add3A_446 : i32 to index
        %swap3A_485 = arith.constant 64 : index
        %swap3A_486 = tpu.vector_load %arg13[%swap3A_484, %swap3A_485] {strides = array<i32>} : memref<80x80xf32, #tpu.memory_space<vmem>>, vector<16xf32>,
        tpu.vector_store %arg13[%swap3A_484, %swap3A_485], %mul3A_483 {strides = array<i32>} : memref<80x80xf32, #tpu.memory_space<vmem>>, vector<16xf32>,
        %slice3A_487 = vector.extract_strided_slice %mul3A_75 {offsets = [9], sizes = [1], strides = [1]} : vector<16xf32> to vector<1xf32>
        %squeeze3A_488 = vector.extract %slice3A_487[0] : f32 from vector<1xf32>
        %slice3A_489 = vector.extract_strided_slice %exp3A {offsets = [9], sizes = [1], strides = [1]} : vector<16xf32> to vector<1xf32>
        %squeeze3A_490 = vector.extract %slice3A_489[0] : f32 from vector<1xf32>
        %add3A_491 = arith.constant 9 : i32
        %add3A_492 = arith.addi %add3A_50, %add3A_491 : i32
        %get3A_493 = arith.index_cast %add3A_492 : i32 to index
        %get3A_494 = arith.constant 0 : index
        %get3A_495 = tpu.vector_load %arg13[%get3A_493, %get3A_494] {strides = array<i32>} : memref<80x80xf32, #tpu.memory_space<vmem>>, vector<16xf32>,
        %mul3A_496 = vector.broadcast %squeeze3A_488 : f32 to vector<16xf32>
        %mul3A_497 = arith.mulf %get3A_495, %mul3A_496 : vector<16xf32>
        %swap3A_498 = arith.index_cast %add3A_492 : i32 to index
        %swap3A_499 = arith.constant 0 : index
        %swap3A_500 = tpu.vector_load %arg13[%swap3A_498, %swap3A_499] {strides = array<i32>} : memref<80x80xf32, #tpu.memory_space<vmem>>, vector<16xf32>,
        tpu.vector_store %arg13[%swap3A_498, %swap3A_499], %mul3A_497 {strides = array<i32>} : memref<80x80xf32, #tpu.memory_space<vmem>>, vector<16xf32>,
        %get3A_501 = arith.index_cast %add3A_492 : i32 to index
        %get3A_502 = arith.constant 16 : index
        %get3A_503 = tpu.vector_load %arg13[%get3A_501, %get3A_502] {strides = array<i32>} : memref<80x80xf32, #tpu.memory_space<vmem>>, vector<16xf32>,
        %mul3A_504 = vector.broadcast %squeeze3A_488 : f32 to vector<16xf32>
        %mul3A_505 = arith.mulf %get3A_503, %mul3A_504 : vector<16xf32>
        %swap3A_506 = arith.index_cast %add3A_492 : i32 to index
        %swap3A_507 = arith.constant 16 : index
        %swap3A_508 = tpu.vector_load %arg13[%swap3A_506, %swap3A_507] {strides = array<i32>} : memref<80x80xf32, #tpu.memory_space<vmem>>, vector<16xf32>,
        tpu.vector_store %arg13[%swap3A_506, %swap3A_507], %mul3A_505 {strides = array<i32>} : memref<80x80xf32, #tpu.memory_space<vmem>>, vector<16xf32>,
        %get3A_509 = arith.index_cast %add3A_492 : i32 to index
        %get3A_510 = arith.constant 32 : index
        %get3A_511 = tpu.vector_load %arg13[%get3A_509, %get3A_510] {strides = array<i32>} : memref<80x80xf32, #tpu.memory_space<vmem>>, vector<16xf32>,
        %mul3A_512 = vector.broadcast %squeeze3A_488 : f32 to vector<16xf32>
        %mul3A_513 = arith.mulf %get3A_511, %mul3A_512 : vector<16xf32>
        %swap3A_514 = arith.index_cast %add3A_492 : i32 to index
        %swap3A_515 = arith.constant 32 : index
        %swap3A_516 = tpu.vector_load %arg13[%swap3A_514, %swap3A_515] {strides = array<i32>} : memref<80x80xf32, #tpu.memory_space<vmem>>, vector<16xf32>,
        tpu.vector_store %arg13[%swap3A_514, %swap3A_515], %mul3A_513 {strides = array<i32>} : memref<80x80xf32, #tpu.memory_space<vmem>>, vector<16xf32>,
        %get3A_517 = arith.index_cast %add3A_492 : i32 to index
        %get3A_518 = arith.constant 48 : index
        %get3A_519 = tpu.vector_load %arg13[%get3A_517, %get3A_518] {strides = array<i32>} : memref<80x80xf32, #tpu.memory_space<vmem>>, vector<16xf32>,
        %mul3A_520 = vector.broadcast %squeeze3A_488 : f32 to vector<16xf32>
        %mul3A_521 = arith.mulf %get3A_519, %mul3A_520 : vector<16xf32>
        %swap3A_522 = arith.index_cast %add3A_492 : i32 to index
        %swap3A_523 = arith.constant 48 : index
        %swap3A_524 = tpu.vector_load %arg13[%swap3A_522, %swap3A_523] {strides = array<i32>} : memref<80x80xf32, #tpu.memory_space<vmem>>, vector<16xf32>,
        tpu.vector_store %arg13[%swap3A_522, %swap3A_523], %mul3A_521 {strides = array<i32>} : memref<80x80xf32, #tpu.memory_space<vmem>>, vector<16xf32>,
        %get3A_525 = arith.index_cast %add3A_492 : i32 to index
        %get3A_526 = arith.constant 64 : index
        %get3A_527 = tpu.vector_load %arg13[%get3A_525, %get3A_526] {strides = array<i32>} : memref<80x80xf32, #tpu.memory_space<vmem>>, vector<16xf32>,
        %mul3A_528 = vector.broadcast %squeeze3A_490 : f32 to vector<16xf32>
        %mul3A_529 = arith.mulf %get3A_527, %mul3A_528 : vector<16xf32>
        %swap3A_530 = arith.index_cast %add3A_492 : i32 to index
        %swap3A_531 = arith.constant 64 : index
        %swap3A_532 = tpu.vector_load %arg13[%swap3A_530, %swap3A_531] {strides = array<i32>} : memref<80x80xf32, #tpu.memory_space<vmem>>, vector<16xf32>,
        tpu.vector_store %arg13[%swap3A_530, %swap3A_531], %mul3A_529 {strides = array<i32>} : memref<80x80xf32, #tpu.memory_space<vmem>>, vector<16xf32>,
        %slice3A_533 = vector.extract_strided_slice %mul3A_75 {offsets = [10], sizes = [1], strides = [1]} : vector<16xf32> to vector<1xf32>
        %squeeze3A_534 = vector.extract %slice3A_533[0] : f32 from vector<1xf32>
        %slice3A_535 = vector.extract_strided_slice %exp3A {offsets = [10], sizes = [1], strides = [1]} : vector<16xf32> to vector<1xf32>
        %squeeze3A_536 = vector.extract %slice3A_535[0] : f32 from vector<1xf32>
        %add3A_537 = arith.constant 10 : i32
        %add3A_538 = arith.addi %add3A_50, %add3A_537 : i32
        %get3A_539 = arith.index_cast %add3A_538 : i32 to index
        %get3A_540 = arith.constant 0 : index
        %get3A_541 = tpu.vector_load %arg13[%get3A_539, %get3A_540] {strides = array<i32>} : memref<80x80xf32, #tpu.memory_space<vmem>>, vector<16xf32>,
        %mul3A_542 = vector.broadcast %squeeze3A_534 : f32 to vector<16xf32>
        %mul3A_543 = arith.mulf %get3A_541, %mul3A_542 : vector<16xf32>
        %swap3A_544 = arith.index_cast %add3A_538 : i32 to index
        %swap3A_545 = arith.constant 0 : index
        %swap3A_546 = tpu.vector_load %arg13[%swap3A_544, %swap3A_545] {strides = array<i32>} : memref<80x80xf32, #tpu.memory_space<vmem>>, vector<16xf32>,
        tpu.vector_store %arg13[%swap3A_544, %swap3A_545], %mul3A_543 {strides = array<i32>} : memref<80x80xf32, #tpu.memory_space<vmem>>, vector<16xf32>,
        %get3A_547 = arith.index_cast %add3A_538 : i32 to index
        %get3A_548 = arith.constant 16 : index
        %get3A_549 = tpu.vector_load %arg13[%get3A_547, %get3A_548] {strides = array<i32>} : memref<80x80xf32, #tpu.memory_space<vmem>>, vector<16xf32>,
        %mul3A_550 = vector.broadcast %squeeze3A_534 : f32 to vector<16xf32>
        %mul3A_551 = arith.mulf %get3A_549, %mul3A_550 : vector<16xf32>
        %swap3A_552 = arith.index_cast %add3A_538 : i32 to index
        %swap3A_553 = arith.constant 16 : index
        %swap3A_554 = tpu.vector_load %arg13[%swap3A_552, %swap3A_553] {strides = array<i32>} : memref<80x80xf32, #tpu.memory_space<vmem>>, vector<16xf32>,
        tpu.vector_store %arg13[%swap3A_552, %swap3A_553], %mul3A_551 {strides = array<i32>} : memref<80x80xf32, #tpu.memory_space<vmem>>, vector<16xf32>,
        %get3A_555 = arith.index_cast %add3A_538 : i32 to index
        %get3A_556 = arith.constant 32 : index
        %get3A_557 = tpu.vector_load %arg13[%get3A_555, %get3A_556] {strides = array<i32>} : memref<80x80xf32, #tpu.memory_space<vmem>>, vector<16xf32>,
        %mul3A_558 = vector.broadcast %squeeze3A_534 : f32 to vector<16xf32>
        %mul3A_559 = arith.mulf %get3A_557, %mul3A_558 : vector<16xf32>
        %swap3A_560 = arith.index_cast %add3A_538 : i32 to index
        %swap3A_561 = arith.constant 32 : index
        %swap3A_562 = tpu.vector_load %arg13[%swap3A_560, %swap3A_561] {strides = array<i32>} : memref<80x80xf32, #tpu.memory_space<vmem>>, vector<16xf32>,
        tpu.vector_store %arg13[%swap3A_560, %swap3A_561], %mul3A_559 {strides = array<i32>} : memref<80x80xf32, #tpu.memory_space<vmem>>, vector<16xf32>,
        %get3A_563 = arith.index_cast %add3A_538 : i32 to index
        %get3A_564 = arith.constant 48 : index
        %get3A_565 = tpu.vector_load %arg13[%get3A_563, %get3A_564] {strides = array<i32>} : memref<80x80xf32, #tpu.memory_space<vmem>>, vector<16xf32>,
        %mul3A_566 = vector.broadcast %squeeze3A_534 : f32 to vector<16xf32>
        %mul3A_567 = arith.mulf %get3A_565, %mul3A_566 : vector<16xf32>
        %swap3A_568 = arith.index_cast %add3A_538 : i32 to index
        %swap3A_569 = arith.constant 48 : index
        %swap3A_570 = tpu.vector_load %arg13[%swap3A_568, %swap3A_569] {strides = array<i32>} : memref<80x80xf32, #tpu.memory_space<vmem>>, vector<16xf32>,
        tpu.vector_store %arg13[%swap3A_568, %swap3A_569], %mul3A_567 {strides = array<i32>} : memref<80x80xf32, #tpu.memory_space<vmem>>, vector<16xf32>,
        %get3A_571 = arith.index_cast %add3A_538 : i32 to index
        %get3A_572 = arith.constant 64 : index
        %get3A_573 = tpu.vector_load %arg13[%get3A_571, %get3A_572] {strides = array<i32>} : memref<80x80xf32, #tpu.memory_space<vmem>>, vector<16xf32>,
        %mul3A_574 = vector.broadcast %squeeze3A_536 : f32 to vector<16xf32>
        %mul3A_575 = arith.mulf %get3A_573, %mul3A_574 : vector<16xf32>
        %swap3A_576 = arith.index_cast %add3A_538 : i32 to index
        %swap3A_577 = arith.constant 64 : index
        %swap3A_578 = tpu.vector_load %arg13[%swap3A_576, %swap3A_577] {strides = array<i32>} : memref<80x80xf32, #tpu.memory_space<vmem>>, vector<16xf32>,
        tpu.vector_store %arg13[%swap3A_576, %swap3A_577], %mul3A_575 {strides = array<i32>} : memref<80x80xf32, #tpu.memory_space<vmem>>, vector<16xf32>,
        %slice3A_579 = vector.extract_strided_slice %mul3A_75 {offsets = [11], sizes = [1], strides = [1]} : vector<16xf32> to vector<1xf32>
        %squeeze3A_580 = vector.extract %slice3A_579[0] : f32 from vector<1xf32>
        %slice3A_581 = vector.extract_strided_slice %exp3A {offsets = [11], sizes = [1], strides = [1]} : vector<16xf32> to vector<1xf32>
        %squeeze3A_582 = vector.extract %slice3A_581[0] : f32 from vector<1xf32>
        %add3A_583 = arith.constant 11 : i32
        %add3A_584 = arith.addi %add3A_50, %add3A_583 : i32
        %get3A_585 = arith.index_cast %add3A_584 : i32 to index
        %get3A_586 = arith.constant 0 : index
        %get3A_587 = tpu.vector_load %arg13[%get3A_585, %get3A_586] {strides = array<i32>} : memref<80x80xf32, #tpu.memory_space<vmem>>, vector<16xf32>,
        %mul3A_588 = vector.broadcast %squeeze3A_580 : f32 to vector<16xf32>
        %mul3A_589 = arith.mulf %get3A_587, %mul3A_588 : vector<16xf32>
        %swap3A_590 = arith.index_cast %add3A_584 : i32 to index
        %swap3A_591 = arith.constant 0 : index
        %swap3A_592 = tpu.vector_load %arg13[%swap3A_590, %swap3A_591] {strides = array<i32>} : memref<80x80xf32, #tpu.memory_space<vmem>>, vector<16xf32>,
        tpu.vector_store %arg13[%swap3A_590, %swap3A_591], %mul3A_589 {strides = array<i32>} : memref<80x80xf32, #tpu.memory_space<vmem>>, vector<16xf32>,
        %get3A_593 = arith.index_cast %add3A_584 : i32 to index
        %get3A_594 = arith.constant 16 : index
        %get3A_595 = tpu.vector_load %arg13[%get3A_593, %get3A_594] {strides = array<i32>} : memref<80x80xf32, #tpu.memory_space<vmem>>, vector<16xf32>,
        %mul3A_596 = vector.broadcast %squeeze3A_580 : f32 to vector<16xf32>
        %mul3A_597 = arith.mulf %get3A_595, %mul3A_596 : vector<16xf32>
        %swap3A_598 = arith.index_cast %add3A_584 : i32 to index
        %swap3A_599 = arith.constant 16 : index
        %swap3A_600 = tpu.vector_load %arg13[%swap3A_598, %swap3A_599] {strides = array<i32>} : memref<80x80xf32, #tpu.memory_space<vmem>>, vector<16xf32>,
        tpu.vector_store %arg13[%swap3A_598, %swap3A_599], %mul3A_597 {strides = array<i32>} : memref<80x80xf32, #tpu.memory_space<vmem>>, vector<16xf32>,
        %get3A_601 = arith.index_cast %add3A_584 : i32 to index
        %get3A_602 = arith.constant 32 : index
        %get3A_603 = tpu.vector_load %arg13[%get3A_601, %get3A_602] {strides = array<i32>} : memref<80x80xf32, #tpu.memory_space<vmem>>, vector<16xf32>,
        %mul3A_604 = vector.broadcast %squeeze3A_580 : f32 to vector<16xf32>
        %mul3A_605 = arith.mulf %get3A_603, %mul3A_604 : vector<16xf32>
        %swap3A_606 = arith.index_cast %add3A_584 : i32 to index
        %swap3A_607 = arith.constant 32 : index
        %swap3A_608 = tpu.vector_load %arg13[%swap3A_606, %swap3A_607] {strides = array<i32>} : memref<80x80xf32, #tpu.memory_space<vmem>>, vector<16xf32>,
        tpu.vector_store %arg13[%swap3A_606, %swap3A_607], %mul3A_605 {strides = array<i32>} : memref<80x80xf32, #tpu.memory_space<vmem>>, vector<16xf32>,
        %get3A_609 = arith.index_cast %add3A_584 : i32 to index
        %get3A_610 = arith.constant 48 : index
        %get3A_611 = tpu.vector_load %arg13[%get3A_609, %get3A_610] {strides = array<i32>} : memref<80x80xf32, #tpu.memory_space<vmem>>, vector<16xf32>,
        %mul3A_612 = vector.broadcast %squeeze3A_580 : f32 to vector<16xf32>
        %mul3A_613 = arith.mulf %get3A_611, %mul3A_612 : vector<16xf32>
        %swap3A_614 = arith.index_cast %add3A_584 : i32 to index
        %swap3A_615 = arith.constant 48 : index
        %swap3A_616 = tpu.vector_load %arg13[%swap3A_614, %swap3A_615] {strides = array<i32>} : memref<80x80xf32, #tpu.memory_space<vmem>>, vector<16xf32>,
        tpu.vector_store %arg13[%swap3A_614, %swap3A_615], %mul3A_613 {strides = array<i32>} : memref<80x80xf32, #tpu.memory_space<vmem>>, vector<16xf32>,
        %get3A_617 = arith.index_cast %add3A_584 : i32 to index
        %get3A_618 = arith.constant 64 : index
        %get3A_619 = tpu.vector_load %arg13[%get3A_617, %get3A_618] {strides = array<i32>} : memref<80x80xf32, #tpu.memory_space<vmem>>, vector<16xf32>,
        %mul3A_620 = vector.broadcast %squeeze3A_582 : f32 to vector<16xf32>
        %mul3A_621 = arith.mulf %get3A_619, %mul3A_620 : vector<16xf32>
        %swap3A_622 = arith.index_cast %add3A_584 : i32 to index
        %swap3A_623 = arith.constant 64 : index
        %swap3A_624 = tpu.vector_load %arg13[%swap3A_622, %swap3A_623] {strides = array<i32>} : memref<80x80xf32, #tpu.memory_space<vmem>>, vector<16xf32>,
        tpu.vector_store %arg13[%swap3A_622, %swap3A_623], %mul3A_621 {strides = array<i32>} : memref<80x80xf32, #tpu.memory_space<vmem>>, vector<16xf32>,
        %slice3A_625 = vector.extract_strided_slice %mul3A_75 {offsets = [12], sizes = [1], strides = [1]} : vector<16xf32> to vector<1xf32>
        %squeeze3A_626 = vector.extract %slice3A_625[0] : f32 from vector<1xf32>
        %slice3A_627 = vector.extract_strided_slice %exp3A {offsets = [12], sizes = [1], strides = [1]} : vector<16xf32> to vector<1xf32>
        %squeeze3A_628 = vector.extract %slice3A_627[0] : f32 from vector<1xf32>
        %add3A_629 = arith.constant 12 : i32
        %add3A_630 = arith.addi %add3A_50, %add3A_629 : i32
        %get3A_631 = arith.index_cast %add3A_630 : i32 to index
        %get3A_632 = arith.constant 0 : index
        %get3A_633 = tpu.vector_load %arg13[%get3A_631, %get3A_632] {strides = array<i32>} : memref<80x80xf32, #tpu.memory_space<vmem>>, vector<16xf32>,
        %mul3A_634 = vector.broadcast %squeeze3A_626 : f32 to vector<16xf32>
        %mul3A_635 = arith.mulf %get3A_633, %mul3A_634 : vector<16xf32>
        %swap3A_636 = arith.index_cast %add3A_630 : i32 to index
        %swap3A_637 = arith.constant 0 : index
        %swap3A_638 = tpu.vector_load %arg13[%swap3A_636, %swap3A_637] {strides = array<i32>} : memref<80x80xf32, #tpu.memory_space<vmem>>, vector<16xf32>,
        tpu.vector_store %arg13[%swap3A_636, %swap3A_637], %mul3A_635 {strides = array<i32>} : memref<80x80xf32, #tpu.memory_space<vmem>>, vector<16xf32>,
        %get3A_639 = arith.index_cast %add3A_630 : i32 to index
        %get3A_640 = arith.constant 16 : index
        %get3A_641 = tpu.vector_load %arg13[%get3A_639, %get3A_640] {strides = array<i32>} : memref<80x80xf32, #tpu.memory_space<vmem>>, vector<16xf32>,
        %mul3A_642 = vector.broadcast %squeeze3A_626 : f32 to vector<16xf32>
        %mul3A_643 = arith.mulf %get3A_641, %mul3A_642 : vector<16xf32>
        %swap3A_644 = arith.index_cast %add3A_630 : i32 to index
        %swap3A_645 = arith.constant 16 : index
        %swap3A_646 = tpu.vector_load %arg13[%swap3A_644, %swap3A_645] {strides = array<i32>} : memref<80x80xf32, #tpu.memory_space<vmem>>, vector<16xf32>,
        tpu.vector_store %arg13[%swap3A_644, %swap3A_645], %mul3A_643 {strides = array<i32>} : memref<80x80xf32, #tpu.memory_space<vmem>>, vector<16xf32>,
        %get3A_647 = arith.index_cast %add3A_630 : i32 to index
        %get3A_648 = arith.constant 32 : index
        %get3A_649 = tpu.vector_load %arg13[%get3A_647, %get3A_648] {strides = array<i32>} : memref<80x80xf32, #tpu.memory_space<vmem>>, vector<16xf32>,
        %mul3A_650 = vector.broadcast %squeeze3A_626 : f32 to vector<16xf32>
        %mul3A_651 = arith.mulf %get3A_649, %mul3A_650 : vector<16xf32>
        %swap3A_652 = arith.index_cast %add3A_630 : i32 to index
        %swap3A_653 = arith.constant 32 : index
        %swap3A_654 = tpu.vector_load %arg13[%swap3A_652, %swap3A_653] {strides = array<i32>} : memref<80x80xf32, #tpu.memory_space<vmem>>, vector<16xf32>,
        tpu.vector_store %arg13[%swap3A_652, %swap3A_653], %mul3A_651 {strides = array<i32>} : memref<80x80xf32, #tpu.memory_space<vmem>>, vector<16xf32>,
        %get3A_655 = arith.index_cast %add3A_630 : i32 to index
        %get3A_656 = arith.constant 48 : index
        %get3A_657 = tpu.vector_load %arg13[%get3A_655, %get3A_656] {strides = array<i32>} : memref<80x80xf32, #tpu.memory_space<vmem>>, vector<16xf32>,
        %mul3A_658 = vector.broadcast %squeeze3A_626 : f32 to vector<16xf32>
        %mul3A_659 = arith.mulf %get3A_657, %mul3A_658 : vector<16xf32>
        %swap3A_660 = arith.index_cast %add3A_630 : i32 to index
        %swap3A_661 = arith.constant 48 : index
        %swap3A_662 = tpu.vector_load %arg13[%swap3A_660, %swap3A_661] {strides = array<i32>} : memref<80x80xf32, #tpu.memory_space<vmem>>, vector<16xf32>,
        tpu.vector_store %arg13[%swap3A_660, %swap3A_661], %mul3A_659 {strides = array<i32>} : memref<80x80xf32, #tpu.memory_space<vmem>>, vector<16xf32>,
        %get3A_663 = arith.index_cast %add3A_630 : i32 to index
        %get3A_664 = arith.constant 64 : index
        %get3A_665 = tpu.vector_load %arg13[%get3A_663, %get3A_664] {strides = array<i32>} : memref<80x80xf32, #tpu.memory_space<vmem>>, vector<16xf32>,
        %mul3A_666 = vector.broadcast %squeeze3A_628 : f32 to vector<16xf32>
        %mul3A_667 = arith.mulf %get3A_665, %mul3A_666 : vector<16xf32>
        %swap3A_668 = arith.index_cast %add3A_630 : i32 to index
        %swap3A_669 = arith.constant 64 : index
        %swap3A_670 = tpu.vector_load %arg13[%swap3A_668, %swap3A_669] {strides = array<i32>} : memref<80x80xf32, #tpu.memory_space<vmem>>, vector<16xf32>,
        tpu.vector_store %arg13[%swap3A_668, %swap3A_669], %mul3A_667 {strides = array<i32>} : memref<80x80xf32, #tpu.memory_space<vmem>>, vector<16xf32>,
        %slice3A_671 = vector.extract_strided_slice %mul3A_75 {offsets = [13], sizes = [1], strides = [1]} : vector<16xf32> to vector<1xf32>
        %squeeze3A_672 = vector.extract %slice3A_671[0] : f32 from vector<1xf32>
        %slice3A_673 = vector.extract_strided_slice %exp3A {offsets = [13], sizes = [1], strides = [1]} : vector<16xf32> to vector<1xf32>
        %squeeze3A_674 = vector.extract %slice3A_673[0] : f32 from vector<1xf32>
        %add3A_675 = arith.constant 13 : i32
        %add3A_676 = arith.addi %add3A_50, %add3A_675 : i32
        %get3A_677 = arith.index_cast %add3A_676 : i32 to index
        %get3A_678 = arith.constant 0 : index
        %get3A_679 = tpu.vector_load %arg13[%get3A_677, %get3A_678] {strides = array<i32>} : memref<80x80xf32, #tpu.memory_space<vmem>>, vector<16xf32>,
        %mul3A_680 = vector.broadcast %squeeze3A_672 : f32 to vector<16xf32>
        %mul3A_681 = arith.mulf %get3A_679, %mul3A_680 : vector<16xf32>
        %swap3A_682 = arith.index_cast %add3A_676 : i32 to index
        %swap3A_683 = arith.constant 0 : index
        %swap3A_684 = tpu.vector_load %arg13[%swap3A_682, %swap3A_683] {strides = array<i32>} : memref<80x80xf32, #tpu.memory_space<vmem>>, vector<16xf32>,
        tpu.vector_store %arg13[%swap3A_682, %swap3A_683], %mul3A_681 {strides = array<i32>} : memref<80x80xf32, #tpu.memory_space<vmem>>, vector<16xf32>,
        %get3A_685 = arith.index_cast %add3A_676 : i32 to index
        %get3A_686 = arith.constant 16 : index
        %get3A_687 = tpu.vector_load %arg13[%get3A_685, %get3A_686] {strides = array<i32>} : memref<80x80xf32, #tpu.memory_space<vmem>>, vector<16xf32>,
        %mul3A_688 = vector.broadcast %squeeze3A_672 : f32 to vector<16xf32>
        %mul3A_689 = arith.mulf %get3A_687, %mul3A_688 : vector<16xf32>
        %swap3A_690 = arith.index_cast %add3A_676 : i32 to index
        %swap3A_691 = arith.constant 16 : index
        %swap3A_692 = tpu.vector_load %arg13[%swap3A_690, %swap3A_691] {strides = array<i32>} : memref<80x80xf32, #tpu.memory_space<vmem>>, vector<16xf32>,
        tpu.vector_store %arg13[%swap3A_690, %swap3A_691], %mul3A_689 {strides = array<i32>} : memref<80x80xf32, #tpu.memory_space<vmem>>, vector<16xf32>,
        %get3A_693 = arith.index_cast %add3A_676 : i32 to index
        %get3A_694 = arith.constant 32 : index
        %get3A_695 = tpu.vector_load %arg13[%get3A_693, %get3A_694] {strides = array<i32>} : memref<80x80xf32, #tpu.memory_space<vmem>>, vector<16xf32>,
        %mul3A_696 = vector.broadcast %squeeze3A_672 : f32 to vector<16xf32>
        %mul3A_697 = arith.mulf %get3A_695, %mul3A_696 : vector<16xf32>
        %swap3A_698 = arith.index_cast %add3A_676 : i32 to index
        %swap3A_699 = arith.constant 32 : index
        %swap3A_700 = tpu.vector_load %arg13[%swap3A_698, %swap3A_699] {strides = array<i32>} : memref<80x80xf32, #tpu.memory_space<vmem>>, vector<16xf32>,
        tpu.vector_store %arg13[%swap3A_698, %swap3A_699], %mul3A_697 {strides = array<i32>} : memref<80x80xf32, #tpu.memory_space<vmem>>, vector<16xf32>,
        %get3A_701 = arith.index_cast %add3A_676 : i32 to index
        %get3A_702 = arith.constant 48 : index
        %get3A_703 = tpu.vector_load %arg13[%get3A_701, %get3A_702] {strides = array<i32>} : memref<80x80xf32, #tpu.memory_space<vmem>>, vector<16xf32>,
        %mul3A_704 = vector.broadcast %squeeze3A_672 : f32 to vector<16xf32>
        %mul3A_705 = arith.mulf %get3A_703, %mul3A_704 : vector<16xf32>
        %swap3A_706 = arith.index_cast %add3A_676 : i32 to index
        %swap3A_707 = arith.constant 48 : index
        %swap3A_708 = tpu.vector_load %arg13[%swap3A_706, %swap3A_707] {strides = array<i32>} : memref<80x80xf32, #tpu.memory_space<vmem>>, vector<16xf32>,
        tpu.vector_store %arg13[%swap3A_706, %swap3A_707], %mul3A_705 {strides = array<i32>} : memref<80x80xf32, #tpu.memory_space<vmem>>, vector<16xf32>,
        %get3A_709 = arith.index_cast %add3A_676 : i32 to index
        %get3A_710 = arith.constant 64 : index
        %get3A_711 = tpu.vector_load %arg13[%get3A_709, %get3A_710] {strides = array<i32>} : memref<80x80xf32, #tpu.memory_space<vmem>>, vector<16xf32>,
        %mul3A_712 = vector.broadcast %squeeze3A_674 : f32 to vector<16xf32>
        %mul3A_713 = arith.mulf %get3A_711, %mul3A_712 : vector<16xf32>
        %swap3A_714 = arith.index_cast %add3A_676 : i32 to index
        %swap3A_715 = arith.constant 64 : index
        %swap3A_716 = tpu.vector_load %arg13[%swap3A_714, %swap3A_715] {strides = array<i32>} : memref<80x80xf32, #tpu.memory_space<vmem>>, vector<16xf32>,
        tpu.vector_store %arg13[%swap3A_714, %swap3A_715], %mul3A_713 {strides = array<i32>} : memref<80x80xf32, #tpu.memory_space<vmem>>, vector<16xf32>,
        %slice3A_717 = vector.extract_strided_slice %mul3A_75 {offsets = [14], sizes = [1], strides = [1]} : vector<16xf32> to vector<1xf32>
        %squeeze3A_718 = vector.extract %slice3A_717[0] : f32 from vector<1xf32>
        %slice3A_719 = vector.extract_strided_slice %exp3A {offsets = [14], sizes = [1], strides = [1]} : vector<16xf32> to vector<1xf32>
        %squeeze3A_720 = vector.extract %slice3A_719[0] : f32 from vector<1xf32>
        %add3A_721 = arith.constant 14 : i32
        %add3A_722 = arith.addi %add3A_50, %add3A_721 : i32
        %get3A_723 = arith.index_cast %add3A_722 : i32 to index
        %get3A_724 = arith.constant 0 : index
        %get3A_725 = tpu.vector_load %arg13[%get3A_723, %get3A_724] {strides = array<i32>} : memref<80x80xf32, #tpu.memory_space<vmem>>, vector<16xf32>,
        %mul3A_726 = vector.broadcast %squeeze3A_718 : f32 to vector<16xf32>
        %mul3A_727 = arith.mulf %get3A_725, %mul3A_726 : vector<16xf32>
        %swap3A_728 = arith.index_cast %add3A_722 : i32 to index
        %swap3A_729 = arith.constant 0 : index
        %swap3A_730 = tpu.vector_load %arg13[%swap3A_728, %swap3A_729] {strides = array<i32>} : memref<80x80xf32, #tpu.memory_space<vmem>>, vector<16xf32>,
        tpu.vector_store %arg13[%swap3A_728, %swap3A_729], %mul3A_727 {strides = array<i32>} : memref<80x80xf32, #tpu.memory_space<vmem>>, vector<16xf32>,
        %get3A_731 = arith.index_cast %add3A_722 : i32 to index
        %get3A_732 = arith.constant 16 : index
        %get3A_733 = tpu.vector_load %arg13[%get3A_731, %get3A_732] {strides = array<i32>} : memref<80x80xf32, #tpu.memory_space<vmem>>, vector<16xf32>,
        %mul3A_734 = vector.broadcast %squeeze3A_718 : f32 to vector<16xf32>
        %mul3A_735 = arith.mulf %get3A_733, %mul3A_734 : vector<16xf32>
        %swap3A_736 = arith.index_cast %add3A_722 : i32 to index
        %swap3A_737 = arith.constant 16 : index
        %swap3A_738 = tpu.vector_load %arg13[%swap3A_736, %swap3A_737] {strides = array<i32>} : memref<80x80xf32, #tpu.memory_space<vmem>>, vector<16xf32>,
        tpu.vector_store %arg13[%swap3A_736, %swap3A_737], %mul3A_735 {strides = array<i32>} : memref<80x80xf32, #tpu.memory_space<vmem>>, vector<16xf32>,
        %get3A_739 = arith.index_cast %add3A_722 : i32 to index
        %get3A_740 = arith.constant 32 : index
        %get3A_741 = tpu.vector_load %arg13[%get3A_739, %get3A_740] {strides = array<i32>} : memref<80x80xf32, #tpu.memory_space<vmem>>, vector<16xf32>,
        %mul3A_742 = vector.broadcast %squeeze3A_718 : f32 to vector<16xf32>
        %mul3A_743 = arith.mulf %get3A_741, %mul3A_742 : vector<16xf32>
        %swap3A_744 = arith.index_cast %add3A_722 : i32 to index
        %swap3A_745 = arith.constant 32 : index
        %swap3A_746 = tpu.vector_load %arg13[%swap3A_744, %swap3A_745] {strides = array<i32>} : memref<80x80xf32, #tpu.memory_space<vmem>>, vector<16xf32>,
        tpu.vector_store %arg13[%swap3A_744, %swap3A_745], %mul3A_743 {strides = array<i32>} : memref<80x80xf32, #tpu.memory_space<vmem>>, vector<16xf32>,
        %get3A_747 = arith.index_cast %add3A_722 : i32 to index
        %get3A_748 = arith.constant 48 : index
        %get3A_749 = tpu.vector_load %arg13[%get3A_747, %get3A_748] {strides = array<i32>} : memref<80x80xf32, #tpu.memory_space<vmem>>, vector<16xf32>,
        %mul3A_750 = vector.broadcast %squeeze3A_718 : f32 to vector<16xf32>
        %mul3A_751 = arith.mulf %get3A_749, %mul3A_750 : vector<16xf32>
        %swap3A_752 = arith.index_cast %add3A_722 : i32 to index
        %swap3A_753 = arith.constant 48 : index
        %swap3A_754 = tpu.vector_load %arg13[%swap3A_752, %swap3A_753] {strides = array<i32>} : memref<80x80xf32, #tpu.memory_space<vmem>>, vector<16xf32>,
        tpu.vector_store %arg13[%swap3A_752, %swap3A_753], %mul3A_751 {strides = array<i32>} : memref<80x80xf32, #tpu.memory_space<vmem>>, vector<16xf32>,
        %get3A_755 = arith.index_cast %add3A_722 : i32 to index
        %get3A_756 = arith.constant 64 : index
        %get3A_757 = tpu.vector_load %arg13[%get3A_755, %get3A_756] {strides = array<i32>} : memref<80x80xf32, #tpu.memory_space<vmem>>, vector<16xf32>,
        %mul3A_758 = vector.broadcast %squeeze3A_720 : f32 to vector<16xf32>
        %mul3A_759 = arith.mulf %get3A_757, %mul3A_758 : vector<16xf32>
        %swap3A_760 = arith.index_cast %add3A_722 : i32 to index
        %swap3A_761 = arith.constant 64 : index
        %swap3A_762 = tpu.vector_load %arg13[%swap3A_760, %swap3A_761] {strides = array<i32>} : memref<80x80xf32, #tpu.memory_space<vmem>>, vector<16xf32>,
        tpu.vector_store %arg13[%swap3A_760, %swap3A_761], %mul3A_759 {strides = array<i32>} : memref<80x80xf32, #tpu.memory_space<vmem>>, vector<16xf32>,
        %slice3A_763 = vector.extract_strided_slice %mul3A_75 {offsets = [15], sizes = [1], strides = [1]} : vector<16xf32> to vector<1xf32>
        %squeeze3A_764 = vector.extract %slice3A_763[0] : f32 from vector<1xf32>
        %slice3A_765 = vector.extract_strided_slice %exp3A {offsets = [15], sizes = [1], strides = [1]} : vector<16xf32> to vector<1xf32>
        %squeeze3A_766 = vector.extract %slice3A_765[0] : f32 from vector<1xf32>
        %add3A_767 = arith.constant 15 : i32
        %add3A_768 = arith.addi %add3A_50, %add3A_767 : i32
        %get3A_769 = arith.index_cast %add3A_768 : i32 to index
        %get3A_770 = arith.constant 0 : index
        %get3A_771 = tpu.vector_load %arg13[%get3A_769, %get3A_770] {strides = array<i32>} : memref<80x80xf32, #tpu.memory_space<vmem>>, vector<16xf32>,
        %mul3A_772 = vector.broadcast %squeeze3A_764 : f32 to vector<16xf32>
        %mul3A_773 = arith.mulf %get3A_771, %mul3A_772 : vector<16xf32>
        %swap3A_774 = arith.index_cast %add3A_768 : i32 to index
        %swap3A_775 = arith.constant 0 : index
        %swap3A_776 = tpu.vector_load %arg13[%swap3A_774, %swap3A_775] {strides = array<i32>} : memref<80x80xf32, #tpu.memory_space<vmem>>, vector<16xf32>,
        tpu.vector_store %arg13[%swap3A_774, %swap3A_775], %mul3A_773 {strides = array<i32>} : memref<80x80xf32, #tpu.memory_space<vmem>>, vector<16xf32>,
        %get3A_777 = arith.index_cast %add3A_768 : i32 to index
        %get3A_778 = arith.constant 16 : index
        %get3A_779 = tpu.vector_load %arg13[%get3A_777, %get3A_778] {strides = array<i32>} : memref<80x80xf32, #tpu.memory_space<vmem>>, vector<16xf32>,
        %mul3A_780 = vector.broadcast %squeeze3A_764 : f32 to vector<16xf32>
        %mul3A_781 = arith.mulf %get3A_779, %mul3A_780 : vector<16xf32>
        %swap3A_782 = arith.index_cast %add3A_768 : i32 to index
        %swap3A_783 = arith.constant 16 : index
        %swap3A_784 = tpu.vector_load %arg13[%swap3A_782, %swap3A_783] {strides = array<i32>} : memref<80x80xf32, #tpu.memory_space<vmem>>, vector<16xf32>,
        tpu.vector_store %arg13[%swap3A_782, %swap3A_783], %mul3A_781 {strides = array<i32>} : memref<80x80xf32, #tpu.memory_space<vmem>>, vector<16xf32>,
        %get3A_785 = arith.index_cast %add3A_768 : i32 to index
        %get3A_786 = arith.constant 32 : index
        %get3A_787 = tpu.vector_load %arg13[%get3A_785, %get3A_786] {strides = array<i32>} : memref<80x80xf32, #tpu.memory_space<vmem>>, vector<16xf32>,
        %mul3A_788 = vector.broadcast %squeeze3A_764 : f32 to vector<16xf32>
        %mul3A_789 = arith.mulf %get3A_787, %mul3A_788 : vector<16xf32>
        %swap3A_790 = arith.index_cast %add3A_768 : i32 to index
        %swap3A_791 = arith.constant 32 : index
        %swap3A_792 = tpu.vector_load %arg13[%swap3A_790, %swap3A_791] {strides = array<i32>} : memref<80x80xf32, #tpu.memory_space<vmem>>, vector<16xf32>,
        tpu.vector_store %arg13[%swap3A_790, %swap3A_791], %mul3A_789 {strides = array<i32>} : memref<80x80xf32, #tpu.memory_space<vmem>>, vector<16xf32>,
        %get3A_793 = arith.index_cast %add3A_768 : i32 to index
        %get3A_794 = arith.constant 48 : index
        %get3A_795 = tpu.vector_load %arg13[%get3A_793, %get3A_794] {strides = array<i32>} : memref<80x80xf32, #tpu.memory_space<vmem>>, vector<16xf32>,
        %mul3A_796 = vector.broadcast %squeeze3A_764 : f32 to vector<16xf32>
        %mul3A_797 = arith.mulf %get3A_795, %mul3A_796 : vector<16xf32>
        %swap3A_798 = arith.index_cast %add3A_768 : i32 to index
        %swap3A_799 = arith.constant 48 : index
        %swap3A_800 = tpu.vector_load %arg13[%swap3A_798, %swap3A_799] {strides = array<i32>} : memref<80x80xf32, #tpu.memory_space<vmem>>, vector<16xf32>,
        tpu.vector_store %arg13[%swap3A_798, %swap3A_799], %mul3A_797 {strides = array<i32>} : memref<80x80xf32, #tpu.memory_space<vmem>>, vector<16xf32>,
        %get3A_801 = arith.index_cast %add3A_768 : i32 to index
        %get3A_802 = arith.constant 64 : index
        %get3A_803 = tpu.vector_load %arg13[%get3A_801, %get3A_802] {strides = array<i32>} : memref<80x80xf32, #tpu.memory_space<vmem>>, vector<16xf32>,
        %mul3A_804 = vector.broadcast %squeeze3A_766 : f32 to vector<16xf32>
        %mul3A_805 = arith.mulf %get3A_803, %mul3A_804 : vector<16xf32>
        %swap3A_806 = arith.index_cast %add3A_768 : i32 to index
        %swap3A_807 = arith.constant 64 : index
        %swap3A_808 = tpu.vector_load %arg13[%swap3A_806, %swap3A_807] {strides = array<i32>} : memref<80x80xf32, #tpu.memory_space<vmem>>, vector<16xf32>,
        tpu.vector_store %arg13[%swap3A_806, %swap3A_807], %mul3A_805 {strides = array<i32>} : memref<80x80xf32, #tpu.memory_space<vmem>>, vector<16xf32>,
      }
      %scan3A_44 = arith.constant 5 : i32
      "tpu.region"() ({
        %run_scoped3A = tpu.sem_alloc : memref<!tpu.dma_semaphore, #tpu.memory_space<semaphore_mem>>
        %dma_start3A_46 = arith.constant 0 : i32
        %dma_start3A_47 = tpu.memref_slice %arg11[%add3A_29, %dma_start3A_46] : memref<1x80xi32, #tpu.memory_space<vmem>> -> memref<1x80xi32, #tpu.memory_space<vmem>>
        %dma_start3A_48 = tpu.memref_squeeze %dma_start3A_47 : memref<1x80xi32, #tpu.memory_space<vmem>> -> memref<80xi32, #tpu.memory_space<vmem>>
        %dma_start3A_49 = arith.constant 0 : i32
        %dma_start3A_50 = arith.constant 0 : i32
        %dma_start3A_51 = tpu.memref_slice %arg8[%dma_start3A_49, %dma_start3A_50] : memref<10000x80xf32, #tpu.memory_space<vmem_shared>> -> memref<10000x80xf32, #tpu.memory_space<vmem_shared>>
        tpu.enqueue_indirect_dma source(%arg13 : memref<80x80xf32, #tpu.memory_space<vmem>>) target(%dma_start3A_51 : memref<10000x80xf32, #tpu.memory_space<vmem_shared>>) offsets(%dma_start3A_48 : memref<80xi32, #tpu.memory_space<vmem>>) semaphore(%run_scoped3A : memref<!tpu.dma_semaphore, #tpu.memory_space<semaphore_mem>>) {add = true}
        %dma_wait3A_52 = arith.constant 0 : i32
        %dma_wait3A_53 = tpu.memref_slice %arg11[%add3A_29, %dma_wait3A_52] : memref<1x80xi32, #tpu.memory_space<vmem>> -> memref<1x80xi32, #tpu.memory_space<vmem>>
        %dma_wait3A_54 = tpu.memref_squeeze %dma_wait3A_53 : memref<1x80xi32, #tpu.memory_space<vmem>> -> memref<80xi32, #tpu.memory_space<vmem>>
        %dma_wait3A_55 = arith.constant 0 : i32
        %dma_wait3A_56 = arith.constant 0 : i32
        %dma_wait3A_57 = tpu.memref_slice %arg8[%dma_wait3A_55, %dma_wait3A_56] : memref<10000x80xf32, #tpu.memory_space<vmem_shared>> -> memref<10000x80xf32, #tpu.memory_space<vmem_shared>>
        tpu.wait_indirect_dma semaphore(%run_scoped3A : memref<!tpu.dma_semaphore, #tpu.memory_space<semaphore_mem>>) src(%arg13 : memref<80x80xf32, #tpu.memory_space<vmem>>) dst(%dma_wait3A_57 : memref<10000x80xf32, #tpu.memory_space<vmem_shared>>)
        tpu.yield
      }) : () -> ()
      %scan3A_45 = arith.constant 1 : i32
    }
    %scan3A_14 = arith.constant 125 : i32
    %barrier3A_15 = arith.constant 0 : index
    tpu.barrier barrier_id(%barrier3A_15)
    %mul3A_16 = arith.constant 625 : i32
    %mul3A_17 = arith.muli %arg1, %mul3A_16 : i32
    %mul3A_18 = arith.constant 625 : i32
    %mul3A_19 = arith.muli %arg1, %mul3A_18 : i32
    "tpu.region"() ({
      %run_scoped3A = tpu.sem_alloc : memref<!tpu.dma_semaphore, #tpu.memory_space<semaphore_mem>>
      %dma_start3A = arith.constant 0 : i32
      %dma_start3A_20 = tpu.memref_slice %arg7[%arg0, %mul3A_19, %dma_start3A] : memref<2x10000x80xf32, #tpu.memory_space<hbm>> -> memref<1x625x80xf32, #tpu.memory_space<hbm>>
      %dma_start3A_21 = tpu.memref_squeeze %dma_start3A_20 : memref<1x625x80xf32, #tpu.memory_space<hbm>> -> memref<625x80xf32, #tpu.memory_space<hbm>>
      %dma_start3A_22 = arith.constant 0 : i32
      %dma_start3A_23 = tpu.memref_slice %arg8[%mul3A_17, %dma_start3A_22] : memref<10000x80xf32, #tpu.memory_space<vmem_shared>> -> memref<625x80xf32, #tpu.memory_space<vmem_shared>>
      tpu.enqueue_dma source(%dma_start3A_23 : memref<625x80xf32, #tpu.memory_space<vmem_shared>>) target(%dma_start3A_21 : memref<625x80xf32, #tpu.memory_space<hbm>>) target_semaphore(%run_scoped3A : memref<!tpu.dma_semaphore, #tpu.memory_space<semaphore_mem>>)
      %dma_wait3A = arith.constant 0 : i32
      %dma_wait3A_24 = tpu.memref_slice %arg7[%arg0, %mul3A_19, %dma_wait3A] : memref<2x10000x80xf32, #tpu.memory_space<hbm>> -> memref<1x625x80xf32, #tpu.memory_space<hbm>>
      %dma_wait3A_25 = tpu.memref_squeeze %dma_wait3A_24 : memref<1x625x80xf32, #tpu.memory_space<hbm>> -> memref<625x80xf32, #tpu.memory_space<hbm>>
      %dma_wait3A_26 = arith.constant 0 : i32
      %dma_wait3A_27 = tpu.memref_slice %arg8[%mul3A_17, %dma_wait3A_26] : memref<10000x80xf32, #tpu.memory_space<vmem_shared>> -> memref<625x80xf32, #tpu.memory_space<vmem_shared>>
      tpu.wait_dma2 semaphore(%run_scoped3A : memref<!tpu.dma_semaphore, #tpu.memory_space<semaphore_mem>>) src(%dma_wait3A_27 : memref<625x80xf32, #tpu.memory_space<vmem_shared>>) dst(%dma_wait3A_25 : memref<625x80xf32, #tpu.memory_space<hbm>>)
      tpu.yield
    }) : () -> ()
    return
  }
}

module attributes {stable_mosaic.version = 14 : i64} {
  func.func @_tc1_body(%arg0: i32, %arg1: memref<1000x128xf32, #tpu.memory_space<vmem>>, %arg2: memref<128x64xf32, #tpu.memory_space<vmem>>, %arg3: memref<64xf32, #tpu.memory_space<vmem>>, %arg4: memref<64xf32, #tpu.memory_space<vmem>>, %arg5: memref<1000x80xf32, #tpu.memory_space<vmem>>, %arg6: memref<1000x2xf32, #tpu.memory_space<vmem>>) attributes {dimension_semantics = [#tpu.dimension_semantics<arbitrary>], iteration_bounds = array<i64: 10>, scalar_prefetch = 0 : i64, scratch_operands = 0 : i64, tpu.core_type = #tpu.core_type<tc>, window_params = [{transform_indices = @transform_0, window_bounds = array<i64: 1000, 128>}, {pipeline_mode = #tpu.pipeline_mode<synchronous>, transform_indices = @transform_1, window_bounds = array<i64: 128, 64>}, {pipeline_mode = #tpu.pipeline_mode<synchronous>, transform_indices = @transform_2, window_bounds = array<i64: 64>}, {pipeline_mode = #tpu.pipeline_mode<synchronous>, transform_indices = @transform_3, window_bounds = array<i64: 64>}, {transform_indices = @transform_4, window_bounds = array<i64: 1000, 80>}, {transform_indices = @transform_5, window_bounds = array<i64: 1000, 2>}]} {
    %get3A = arith.constant 0 : index
    %get3A_0 = arith.constant 0 : index
    %get3A_1 = vector.load %arg1[%get3A, %get3A_0] : memref<1000x128xf32, #tpu.memory_space<vmem>>, vector<1000x128xf32>
    %get3A_2 = arith.constant 0 : index
    %get3A_3 = arith.constant 0 : index
    %get3A_4 = vector.load %arg2[%get3A_2, %get3A_3] : memref<128x64xf32, #tpu.memory_space<vmem>>, vector<128x64xf32>
    %dot_general3A = arith.constant dense<0.000000e+00> : vector<1000x64xf32>
    %dot_general3A_5 = tpu.matmul %get3A_1, %get3A_4, %dot_general3A {dimension_numbers = #tpu.dot_dimension_numbers<[1], [0], [0], [1], [0, 0, 1, 1], [], []>, transpose_lhs_hint = false} : vector<1000x128xf32>, vector<128x64xf32>, vector<1000x64xf32> -> vector<1000x64xf32>
    %broadcast_in_dim3A = arith.constant 1.000000e+00 : f32
    %broadcast_in_dim3A_6 = vector.broadcast %broadcast_in_dim3A : f32 to vector<1000x1xf32>
    %broadcast_in_dim3A_7 = arith.constant 0.000000e+00 : f32
    %broadcast_in_dim3A_8 = vector.broadcast %broadcast_in_dim3A_7 : f32 to vector<1000x15xf32>
    %concatenate3A = tpu.concatenate %dot_general3A_5, %broadcast_in_dim3A_6, %broadcast_in_dim3A_8 in 1 : vector<1000x64xf32>, vector<1000x1xf32>, vector<1000x15xf32> -> vector<1000x80xf32>
    %swap3A = arith.constant 0 : index
    %swap3A_9 = arith.constant 0 : index
    %swap3A_10 = vector.load %arg5[%swap3A, %swap3A_9] : memref<1000x80xf32, #tpu.memory_space<vmem>>, vector<1000x80xf32>
    tpu.vector_store %arg5[%swap3A, %swap3A_9], %concatenate3A {strides = array<i32>} : memref<1000x80xf32, #tpu.memory_space<vmem>>, vector<1000x80xf32>,
    %get3A_11 = arith.constant 0 : index
    %get3A_12 = vector.load %arg3[%get3A_11] : memref<64xf32, #tpu.memory_space<vmem>>, vector<64xf32>
    %dot_general3A_13 = arith.constant dense<0.000000e+00> : vector<1000xf32>
    %dot_general3A_14 = tpu.matmul %dot_general3A_5, %get3A_12, %dot_general3A_13 {dimension_numbers = #tpu.dot_dimension_numbers<[1], [0], [0], [], [0, 0], [], []>, transpose_lhs_hint = false} : vector<1000x64xf32>, vector<64xf32>, vector<1000xf32> -> vector<1000xf32>
    %get3A_15 = arith.constant 0 : index
    %get3A_16 = vector.load %arg4[%get3A_15] : memref<64xf32, #tpu.memory_space<vmem>>, vector<64xf32>
    %dot_general3A_17 = arith.constant dense<0.000000e+00> : vector<1000xf32>
    %dot_general3A_18 = tpu.matmul %dot_general3A_5, %get3A_16, %dot_general3A_17 {dimension_numbers = #tpu.dot_dimension_numbers<[1], [0], [0], [], [0, 0], [], []>, transpose_lhs_hint = false} : vector<1000x64xf32>, vector<64xf32>, vector<1000xf32> -> vector<1000xf32>
    %stack3A = vector.shape_cast %dot_general3A_14 : vector<1000xf32> to vector<1000x1xf32>
    %stack3A_19 = vector.shape_cast %dot_general3A_18 : vector<1000xf32> to vector<1000x1xf32>
    %stack3A_20 = tpu.concatenate %stack3A, %stack3A_19 in 1 : vector<1000x1xf32>, vector<1000x1xf32> -> vector<1000x2xf32>
    %swap3A_21 = arith.constant 0 : index
    %swap3A_22 = arith.constant 0 : index
    %swap3A_23 = vector.load %arg6[%swap3A_21, %swap3A_22] : memref<1000x2xf32, #tpu.memory_space<vmem>>, vector<1000x2xf32>
    tpu.vector_store %arg6[%swap3A_21, %swap3A_22], %stack3A_20 {strides = array<i32>} : memref<1000x2xf32, #tpu.memory_space<vmem>>, vector<1000x2xf32>,
    return
  }
  func.func @transform_0(%arg0: i32) -> (i32, i32) {
    %c0_i32 = arith.constant 0 : i32
    %c0_i32_0 = arith.constant 0 : i32
    return %arg0, %c0_i32 : i32, i32
  }
  func.func @transform_1(%arg0: i32) -> (i32, i32) {
    %c0_i32 = arith.constant 0 : i32
    %c0_i32_0 = arith.constant 0 : i32
    %c0_i32_1 = arith.constant 0 : i32
    return %c0_i32, %c0_i32_0 : i32, i32
  }
  func.func @transform_2(%arg0: i32) -> i32 {
    %c0_i32 = arith.constant 0 : i32
    %c0_i32_0 = arith.constant 0 : i32
    return %c0_i32 : i32
  }
  func.func @transform_3(%arg0: i32) -> i32 {
    %c0_i32 = arith.constant 0 : i32
    %c0_i32_0 = arith.constant 0 : i32
    return %c0_i32 : i32
  }
  func.func @transform_4(%arg0: i32) -> (i32, i32) {
    %c0_i32 = arith.constant 0 : i32
    %c0_i32_0 = arith.constant 0 : i32
    return %arg0, %c0_i32 : i32, i32
  }
  func.func @transform_5(%arg0: i32) -> (i32, i32) {
    %c0_i32 = arith.constant 0 : i32
    %c0_i32_0 = arith.constant 0 : i32
    return %arg0, %c0_i32 : i32, i32
  }
}

module attributes {stable_mosaic.version = 14 : i64} {
  func.func @_tc2_body(%arg0: i32, %arg1: memref<2x1000x80xf32, #tpu.memory_space<vmem>>, %arg2: memref<1000x80xf32, #tpu.memory_space<vmem>>, %arg3: memref<1000x2xf32, #tpu.memory_space<vmem>>, %arg4: memref<64xf32, #tpu.memory_space<vmem>>, %arg5: memref<64x64xf32, #tpu.memory_space<vmem>>, %arg6: memref<64xf32, #tpu.memory_space<vmem>>, %arg7: memref<64xf32, #tpu.memory_space<vmem>>, %arg8: memref<1000x80xf32, #tpu.memory_space<vmem>>, %arg9: memref<1000x2xf32, #tpu.memory_space<vmem>>) attributes {dimension_semantics = [#tpu.dimension_semantics<arbitrary>], iteration_bounds = array<i64: 10>, scalar_prefetch = 0 : i64, scratch_operands = 0 : i64, tpu.core_type = #tpu.core_type<tc>, window_params = [{transform_indices = @transform_0, window_bounds = array<i64: 2, 1000, 80>}, {transform_indices = @transform_1, window_bounds = array<i64: 1000, 80>}, {transform_indices = @transform_2, window_bounds = array<i64: 1000, 2>}, {pipeline_mode = #tpu.pipeline_mode<synchronous>, transform_indices = @transform_3, window_bounds = array<i64: 64>}, {pipeline_mode = #tpu.pipeline_mode<synchronous>, transform_indices = @transform_4, window_bounds = array<i64: 64, 64>}, {pipeline_mode = #tpu.pipeline_mode<synchronous>, transform_indices = @transform_5, window_bounds = array<i64: 64>}, {pipeline_mode = #tpu.pipeline_mode<synchronous>, transform_indices = @transform_6, window_bounds = array<i64: 64>}, {transform_indices = @transform_7, window_bounds = array<i64: 1000, 80>}, {transform_indices = @transform_8, window_bounds = array<i64: 1000, 2>}]} {
    %get3A = arith.constant 0 : index
    %get3A_0 = arith.constant 0 : index
    %get3A_1 = arith.constant 0 : index
    %get3A_2 = vector.load %arg1[%get3A, %get3A_0, %get3A_1] : memref<2x1000x80xf32, #tpu.memory_space<vmem>>, vector<2x1000x80xf32>
    %get3A_3 = arith.constant 0 : index
    %get3A_4 = arith.constant 0 : index
    %get3A_5 = vector.load %arg2[%get3A_3, %get3A_4] : memref<1000x80xf32, #tpu.memory_space<vmem>>, vector<1000x80xf32>
    %get3A_6 = arith.constant 0 : index
    %get3A_7 = arith.constant 0 : index
    %get3A_8 = vector.load %arg3[%get3A_6, %get3A_7] : memref<1000x2xf32, #tpu.memory_space<vmem>>, vector<1000x2xf32>
    %get3A_9 = arith.constant 0 : index
    %get3A_10 = vector.load %arg4[%get3A_9] : memref<64xf32, #tpu.memory_space<vmem>>, vector<64xf32>
    %slice3A = vector.extract_strided_slice %get3A_8 {offsets = [0, 0], sizes = [1000, 1], strides = [1, 1]} : vector<1000x2xf32> to vector<1000x1xf32>
    %squeeze3A = vector.shape_cast %slice3A : vector<1000x1xf32> to vector<1000xf32>
    %slice3A_11 = vector.extract_strided_slice %get3A_8 {offsets = [0, 1], sizes = [1000, 1], strides = [1, 1]} : vector<1000x2xf32> to vector<1000x1xf32>
    %squeeze3A_12 = vector.shape_cast %slice3A_11 : vector<1000x1xf32> to vector<1000xf32>
    %add3A = arith.addf %squeeze3A, %squeeze3A_12 : vector<1000xf32>
    %ge3A = arith.constant 0.000000e+00 : f32
    %ge3A_13 = vector.broadcast %ge3A : f32 to vector<1000xf32>
    %ge3A_14 = arith.cmpf oge, %add3A, %ge3A_13 : vector<1000xf32>
    %mul3A = arith.constant 2.000000e-01 : f32
    %mul3A_15 = vector.broadcast %mul3A : f32 to vector<1000xf32>
    %mul3A_16 = arith.mulf %add3A, %mul3A_15 : vector<1000xf32>
    %select_n3A = arith.select %ge3A_14, %add3A, %mul3A_16 : vector<1000xi1>, vector<1000xf32>
    %exp3A = math.exp %select_n3A : vector<1000xf32>
    %slice3A_17 = vector.extract_strided_slice %get3A_2 {offsets = [0, 0, 0], sizes = [1, 1000, 64], strides = [1, 1, 1]} : vector<2x1000x80xf32> to vector<1x1000x64xf32>
    %squeeze3A_18 = vector.shape_cast %slice3A_17 : vector<1x1000x64xf32> to vector<1000x64xf32>
    %slice3A_19 = vector.extract_strided_slice %get3A_2 {offsets = [1, 0, 0], sizes = [1, 1000, 64], strides = [1, 1, 1]} : vector<2x1000x80xf32> to vector<1x1000x64xf32>
    %squeeze3A_20 = vector.shape_cast %slice3A_19 : vector<1x1000x64xf32> to vector<1000x64xf32>
    %add3A_21 = arith.addf %squeeze3A_18, %squeeze3A_20 : vector<1000x64xf32>
    %broadcast_in_dim3A = vector.shape_cast %exp3A : vector<1000xf32> to vector<1000x1xf32>
    %slice3A_22 = vector.extract_strided_slice %get3A_5 {offsets = [0, 0], sizes = [1000, 64], strides = [1, 1]} : vector<1000x80xf32> to vector<1000x64xf32>
    %mul3A_23 = vector.broadcast %broadcast_in_dim3A : vector<1000x1xf32> to vector<1000x64xf32>
    %mul3A_24 = arith.mulf %mul3A_23, %slice3A_22 : vector<1000x64xf32>
    %add3A_25 = arith.addf %add3A_21, %mul3A_24 : vector<1000x64xf32>
    %slice3A_26 = vector.extract_strided_slice %get3A_2 {offsets = [0, 0, 64], sizes = [1, 1000, 1], strides = [1, 1, 1]} : vector<2x1000x80xf32> to vector<1x1000x1xf32>
    %squeeze3A_27 = vector.shape_cast %slice3A_26 : vector<1x1000x1xf32> to vector<1000xf32>
    %slice3A_28 = vector.extract_strided_slice %get3A_2 {offsets = [1, 0, 64], sizes = [1, 1000, 1], strides = [1, 1, 1]} : vector<2x1000x80xf32> to vector<1x1000x1xf32>
    %squeeze3A_29 = vector.shape_cast %slice3A_28 : vector<1x1000x1xf32> to vector<1000xf32>
    %add3A_30 = arith.addf %squeeze3A_27, %squeeze3A_29 : vector<1000xf32>
    %add3A_31 = arith.addf %add3A_30, %exp3A : vector<1000xf32>
    %add3A_32 = arith.constant 1.000000e-16 : f32
    %add3A_33 = vector.broadcast %add3A_32 : f32 to vector<1000xf32>
    %add3A_34 = arith.addf %add3A_31, %add3A_33 : vector<1000xf32>
    %broadcast_in_dim3A_35 = vector.shape_cast %add3A_34 : vector<1000xf32> to vector<1000x1xf32>
    %div3A = vector.broadcast %broadcast_in_dim3A_35 : vector<1000x1xf32> to vector<1000x64xf32>
    %div3A_36 = arith.divf %add3A_25, %div3A : vector<1000x64xf32>
    %broadcast_in_dim3A_37 = vector.shape_cast %get3A_10 : vector<64xf32> to vector<1x64xf32>
    %add3A_38 = vector.broadcast %broadcast_in_dim3A_37 : vector<1x64xf32> to vector<1000x64xf32>
    %add3A_39 = arith.addf %div3A_36, %add3A_38 : vector<1000x64xf32>
    %max3A = arith.constant 0.000000e+00 : f32
    %max3A_40 = vector.broadcast %max3A : f32 to vector<1000x64xf32>
    %max3A_41 = arith.maximumf %add3A_39, %max3A_40 : vector<1000x64xf32>
    %get3A_42 = arith.constant 0 : index
    %get3A_43 = arith.constant 0 : index
    %get3A_44 = vector.load %arg5[%get3A_42, %get3A_43] : memref<64x64xf32, #tpu.memory_space<vmem>>, vector<64x64xf32>
    %dot_general3A = arith.constant dense<0.000000e+00> : vector<1000x64xf32>
    %dot_general3A_45 = tpu.matmul %max3A_41, %get3A_44, %dot_general3A {dimension_numbers = #tpu.dot_dimension_numbers<[1], [0], [0], [1], [0, 0, 1, 1], [], []>, transpose_lhs_hint = false} : vector<1000x64xf32>, vector<64x64xf32>, vector<1000x64xf32> -> vector<1000x64xf32>
    %broadcast_in_dim3A_46 = arith.constant 1.000000e+00 : f32
    %broadcast_in_dim3A_47 = vector.broadcast %broadcast_in_dim3A_46 : f32 to vector<1000x1xf32>
    %broadcast_in_dim3A_48 = arith.constant 0.000000e+00 : f32
    %broadcast_in_dim3A_49 = vector.broadcast %broadcast_in_dim3A_48 : f32 to vector<1000x15xf32>
    %concatenate3A = tpu.concatenate %dot_general3A_45, %broadcast_in_dim3A_47, %broadcast_in_dim3A_49 in 1 : vector<1000x64xf32>, vector<1000x1xf32>, vector<1000x15xf32> -> vector<1000x80xf32>
    %swap3A = arith.constant 0 : index
    %swap3A_50 = arith.constant 0 : index
    %swap3A_51 = vector.load %arg8[%swap3A, %swap3A_50] : memref<1000x80xf32, #tpu.memory_space<vmem>>, vector<1000x80xf32>
    tpu.vector_store %arg8[%swap3A, %swap3A_50], %concatenate3A {strides = array<i32>} : memref<1000x80xf32, #tpu.memory_space<vmem>>, vector<1000x80xf32>,
    %get3A_52 = arith.constant 0 : index
    %get3A_53 = vector.load %arg6[%get3A_52] : memref<64xf32, #tpu.memory_space<vmem>>, vector<64xf32>
    %dot_general3A_54 = arith.constant dense<0.000000e+00> : vector<1000xf32>
    %dot_general3A_55 = tpu.matmul %dot_general3A_45, %get3A_53, %dot_general3A_54 {dimension_numbers = #tpu.dot_dimension_numbers<[1], [0], [0], [], [0, 0], [], []>, transpose_lhs_hint = false} : vector<1000x64xf32>, vector<64xf32>, vector<1000xf32> -> vector<1000xf32>
    %get3A_56 = arith.constant 0 : index
    %get3A_57 = vector.load %arg7[%get3A_56] : memref<64xf32, #tpu.memory_space<vmem>>, vector<64xf32>
    %dot_general3A_58 = arith.constant dense<0.000000e+00> : vector<1000xf32>
    %dot_general3A_59 = tpu.matmul %dot_general3A_45, %get3A_57, %dot_general3A_58 {dimension_numbers = #tpu.dot_dimension_numbers<[1], [0], [0], [], [0, 0], [], []>, transpose_lhs_hint = false} : vector<1000x64xf32>, vector<64xf32>, vector<1000xf32> -> vector<1000xf32>
    %stack3A = vector.shape_cast %dot_general3A_55 : vector<1000xf32> to vector<1000x1xf32>
    %stack3A_60 = vector.shape_cast %dot_general3A_59 : vector<1000xf32> to vector<1000x1xf32>
    %stack3A_61 = tpu.concatenate %stack3A, %stack3A_60 in 1 : vector<1000x1xf32>, vector<1000x1xf32> -> vector<1000x2xf32>
    %swap3A_62 = arith.constant 0 : index
    %swap3A_63 = arith.constant 0 : index
    %swap3A_64 = vector.load %arg9[%swap3A_62, %swap3A_63] : memref<1000x2xf32, #tpu.memory_space<vmem>>, vector<1000x2xf32>
    tpu.vector_store %arg9[%swap3A_62, %swap3A_63], %stack3A_61 {strides = array<i32>} : memref<1000x2xf32, #tpu.memory_space<vmem>>, vector<1000x2xf32>,
    return
  }
  func.func @transform_0(%arg0: i32) -> (i32, i32, i32) {
    %c0_i32 = arith.constant 0 : i32
    %c0_i32_0 = arith.constant 0 : i32
    %c0_i32_1 = arith.constant 0 : i32
    return %c0_i32, %arg0, %c0_i32_0 : i32, i32, i32
  }
  func.func @transform_1(%arg0: i32) -> (i32, i32) {
    %c0_i32 = arith.constant 0 : i32
    %c0_i32_0 = arith.constant 0 : i32
    return %arg0, %c0_i32 : i32, i32
  }
  func.func @transform_2(%arg0: i32) -> (i32, i32) {
    %c0_i32 = arith.constant 0 : i32
    %c0_i32_0 = arith.constant 0 : i32
    return %arg0, %c0_i32 : i32, i32
  }
  func.func @transform_3(%arg0: i32) -> i32 {
    %c0_i32 = arith.constant 0 : i32
    %c0_i32_0 = arith.constant 0 : i32
    return %c0_i32 : i32
  }
  func.func @transform_4(%arg0: i32) -> (i32, i32) {
    %c0_i32 = arith.constant 0 : i32
    %c0_i32_0 = arith.constant 0 : i32
    %c0_i32_1 = arith.constant 0 : i32
    return %c0_i32, %c0_i32_0 : i32, i32
  }
  func.func @transform_5(%arg0: i32) -> i32 {
    %c0_i32 = arith.constant 0 : i32
    %c0_i32_0 = arith.constant 0 : i32
    return %c0_i32 : i32
  }
  func.func @transform_6(%arg0: i32) -> i32 {
    %c0_i32 = arith.constant 0 : i32
    %c0_i32_0 = arith.constant 0 : i32
    return %c0_i32 : i32
  }
  func.func @transform_7(%arg0: i32) -> (i32, i32) {
    %c0_i32 = arith.constant 0 : i32
    %c0_i32_0 = arith.constant 0 : i32
    return %arg0, %c0_i32 : i32, i32
  }
  func.func @transform_8(%arg0: i32) -> (i32, i32) {
    %c0_i32 = arith.constant 0 : i32
    %c0_i32_0 = arith.constant 0 : i32
    return %arg0, %c0_i32 : i32, i32
  }
}

module attributes {stable_mosaic.version = 14 : i64} {
  func.func @_tc3_body(%arg0: i32, %arg1: memref<2x1000x80xf32, #tpu.memory_space<vmem>>, %arg2: memref<1000x80xf32, #tpu.memory_space<vmem>>, %arg3: memref<1000x2xf32, #tpu.memory_space<vmem>>, %arg4: memref<64xf32, #tpu.memory_space<vmem>>, %arg5: memref<1x1x1000xi32, #tpu.memory_space<vmem>>, %arg6: memref<64x32xf32, #tpu.memory_space<vmem>>, %arg7: memref<32xf32, #tpu.memory_space<vmem>>, %arg8: memref<32x10xf32, #tpu.memory_space<vmem>>, %arg9: memref<10xf32, #tpu.memory_space<vmem>>, %arg10: memref<64x10xf32, #tpu.memory_space<vmem>>, %arg11: memref<64x128xf32, #tpu.memory_space<vmem>>) attributes {dimension_semantics = [#tpu.dimension_semantics<arbitrary>], iteration_bounds = array<i64: 10>, scalar_prefetch = 0 : i64, scratch_operands = 1 : i64, tpu.core_type = #tpu.core_type<tc>, window_params = [{transform_indices = @transform_0, window_bounds = array<i64: 2, 1000, 80>}, {transform_indices = @transform_1, window_bounds = array<i64: 1000, 80>}, {transform_indices = @transform_2, window_bounds = array<i64: 1000, 2>}, {pipeline_mode = #tpu.pipeline_mode<synchronous>, transform_indices = @transform_3, window_bounds = array<i64: 64>}, {transform_indices = @transform_4, window_bounds = array<i64: 1, 1, 1000>}, {pipeline_mode = #tpu.pipeline_mode<synchronous>, transform_indices = @transform_5, window_bounds = array<i64: 64, 32>}, {pipeline_mode = #tpu.pipeline_mode<synchronous>, transform_indices = @transform_6, window_bounds = array<i64: 32>}, {pipeline_mode = #tpu.pipeline_mode<synchronous>, transform_indices = @transform_7, window_bounds = array<i64: 32, 10>}, {pipeline_mode = #tpu.pipeline_mode<synchronous>, transform_indices = @transform_8, window_bounds = array<i64: 10>}, {pipeline_mode = #tpu.pipeline_mode<synchronous>, transform_indices = @transform_9, window_bounds = array<i64: 64, 10>}]} {
    %eq3A = arith.constant 0 : i32
    %eq3A_0 = arith.cmpi eq, %arg0, %eq3A : i32
    %convert_element_type3A = arith.extui %eq3A_0 : i1 to i32
    %cond3A = arith.constant 0 : i32
    %cond3A_1 = arith.cmpi ne, %convert_element_type3A, %cond3A : i32
    scf.if %cond3A_1 {
      %broadcast_in_dim3A_66 = arith.constant 0.000000e+00 : f32
      %broadcast_in_dim3A_67 = vector.broadcast %broadcast_in_dim3A_66 : f32 to vector<64x128xf32>
      %swap3A_68 = arith.constant 0 : index
      %swap3A_69 = arith.constant 0 : index
      %swap3A_70 = vector.load %arg11[%swap3A_68, %swap3A_69] : memref<64x128xf32, #tpu.memory_space<vmem>>, vector<64x128xf32>
      tpu.vector_store %arg11[%swap3A_68, %swap3A_69], %broadcast_in_dim3A_67 {strides = array<i32>} : memref<64x128xf32, #tpu.memory_space<vmem>>, vector<64x128xf32>,
    } else {
    }
    %get3A = arith.constant 0 : index
    %get3A_2 = arith.constant 0 : index
    %get3A_3 = arith.constant 0 : index
    %get3A_4 = vector.load %arg1[%get3A, %get3A_2, %get3A_3] : memref<2x1000x80xf32, #tpu.memory_space<vmem>>, vector<2x1000x80xf32>
    %get3A_5 = arith.constant 0 : index
    %get3A_6 = arith.constant 0 : index
    %get3A_7 = vector.load %arg2[%get3A_5, %get3A_6] : memref<1000x80xf32, #tpu.memory_space<vmem>>, vector<1000x80xf32>
    %get3A_8 = arith.constant 0 : index
    %get3A_9 = arith.constant 0 : index
    %get3A_10 = vector.load %arg3[%get3A_8, %get3A_9] : memref<1000x2xf32, #tpu.memory_space<vmem>>, vector<1000x2xf32>
    %get3A_11 = arith.constant 0 : index
    %get3A_12 = vector.load %arg4[%get3A_11] : memref<64xf32, #tpu.memory_space<vmem>>, vector<64xf32>
    %slice3A = vector.extract_strided_slice %get3A_10 {offsets = [0, 0], sizes = [1000, 1], strides = [1, 1]} : vector<1000x2xf32> to vector<1000x1xf32>
    %squeeze3A = vector.shape_cast %slice3A : vector<1000x1xf32> to vector<1000xf32>
    %slice3A_13 = vector.extract_strided_slice %get3A_10 {offsets = [0, 1], sizes = [1000, 1], strides = [1, 1]} : vector<1000x2xf32> to vector<1000x1xf32>
    %squeeze3A_14 = vector.shape_cast %slice3A_13 : vector<1000x1xf32> to vector<1000xf32>
    %add3A = arith.addf %squeeze3A, %squeeze3A_14 : vector<1000xf32>
    %ge3A = arith.constant 0.000000e+00 : f32
    %ge3A_15 = vector.broadcast %ge3A : f32 to vector<1000xf32>
    %ge3A_16 = arith.cmpf oge, %add3A, %ge3A_15 : vector<1000xf32>
    %mul3A = arith.constant 2.000000e-01 : f32
    %mul3A_17 = vector.broadcast %mul3A : f32 to vector<1000xf32>
    %mul3A_18 = arith.mulf %add3A, %mul3A_17 : vector<1000xf32>
    %select_n3A = arith.select %ge3A_16, %add3A, %mul3A_18 : vector<1000xi1>, vector<1000xf32>
    %exp3A = math.exp %select_n3A : vector<1000xf32>
    %slice3A_19 = vector.extract_strided_slice %get3A_4 {offsets = [0, 0, 0], sizes = [1, 1000, 64], strides = [1, 1, 1]} : vector<2x1000x80xf32> to vector<1x1000x64xf32>
    %squeeze3A_20 = vector.shape_cast %slice3A_19 : vector<1x1000x64xf32> to vector<1000x64xf32>
    %slice3A_21 = vector.extract_strided_slice %get3A_4 {offsets = [1, 0, 0], sizes = [1, 1000, 64], strides = [1, 1, 1]} : vector<2x1000x80xf32> to vector<1x1000x64xf32>
    %squeeze3A_22 = vector.shape_cast %slice3A_21 : vector<1x1000x64xf32> to vector<1000x64xf32>
    %add3A_23 = arith.addf %squeeze3A_20, %squeeze3A_22 : vector<1000x64xf32>
    %broadcast_in_dim3A = vector.shape_cast %exp3A : vector<1000xf32> to vector<1000x1xf32>
    %slice3A_24 = vector.extract_strided_slice %get3A_7 {offsets = [0, 0], sizes = [1000, 64], strides = [1, 1]} : vector<1000x80xf32> to vector<1000x64xf32>
    %mul3A_25 = vector.broadcast %broadcast_in_dim3A : vector<1000x1xf32> to vector<1000x64xf32>
    %mul3A_26 = arith.mulf %mul3A_25, %slice3A_24 : vector<1000x64xf32>
    %add3A_27 = arith.addf %add3A_23, %mul3A_26 : vector<1000x64xf32>
    %slice3A_28 = vector.extract_strided_slice %get3A_4 {offsets = [0, 0, 64], sizes = [1, 1000, 1], strides = [1, 1, 1]} : vector<2x1000x80xf32> to vector<1x1000x1xf32>
    %squeeze3A_29 = vector.shape_cast %slice3A_28 : vector<1x1000x1xf32> to vector<1000xf32>
    %slice3A_30 = vector.extract_strided_slice %get3A_4 {offsets = [1, 0, 64], sizes = [1, 1000, 1], strides = [1, 1, 1]} : vector<2x1000x80xf32> to vector<1x1000x1xf32>
    %squeeze3A_31 = vector.shape_cast %slice3A_30 : vector<1x1000x1xf32> to vector<1000xf32>
    %add3A_32 = arith.addf %squeeze3A_29, %squeeze3A_31 : vector<1000xf32>
    %add3A_33 = arith.addf %add3A_32, %exp3A : vector<1000xf32>
    %add3A_34 = arith.constant 1.000000e-16 : f32
    %add3A_35 = vector.broadcast %add3A_34 : f32 to vector<1000xf32>
    %add3A_36 = arith.addf %add3A_33, %add3A_35 : vector<1000xf32>
    %broadcast_in_dim3A_37 = vector.shape_cast %add3A_36 : vector<1000xf32> to vector<1000x1xf32>
    %div3A = vector.broadcast %broadcast_in_dim3A_37 : vector<1000x1xf32> to vector<1000x64xf32>
    %div3A_38 = arith.divf %add3A_27, %div3A : vector<1000x64xf32>
    %broadcast_in_dim3A_39 = vector.shape_cast %get3A_12 : vector<64xf32> to vector<1x64xf32>
    %add3A_40 = vector.broadcast %broadcast_in_dim3A_39 : vector<1x64xf32> to vector<1000x64xf32>
    %add3A_41 = arith.addf %div3A_38, %add3A_40 : vector<1000x64xf32>
    %get3A_42 = arith.constant 0 : index
    %get3A_43 = arith.constant 0 : index
    %get3A_44 = arith.constant 0 : index
    %get3A_45 = vector.load %arg5[%get3A_42, %get3A_43, %get3A_44] : memref<1x1x1000xi32, #tpu.memory_space<vmem>>, vector<1x1x1000xi32>
    %get3A_46 = vector.shape_cast %get3A_45 : vector<1x1x1000xi32> to vector<1000xi32>
    %iota3A = tpu.iota {dimensions = array<i32: 0>} : vector<64x1000xi32>
    %broadcast_in_dim3A_47 = vector.shape_cast %get3A_46 : vector<1000xi32> to vector<1x1000xi32>
    %eq3A_48 = vector.broadcast %broadcast_in_dim3A_47 : vector<1x1000xi32> to vector<64x1000xi32>
    %eq3A_49 = arith.cmpi eq, %iota3A, %eq3A_48 : vector<64x1000xi32>
    %convert_element_type3A_50 = arith.extui %eq3A_49 : vector<64x1000xi1> to vector<64x1000xi32>
    %convert_element_type3A_51 = arith.sitofp %convert_element_type3A_50 : vector<64x1000xi32> to vector<64x1000xf32>
    %broadcast_in_dim3A_52 = arith.constant 1.000000e+00 : f32
    %broadcast_in_dim3A_53 = vector.broadcast %broadcast_in_dim3A_52 : f32 to vector<1000x64xf32>
    %concatenate3A = tpu.concatenate %add3A_41, %broadcast_in_dim3A_53 in 1 : vector<1000x64xf32>, vector<1000x64xf32> -> vector<1000x128xf32>
    %get3A_54 = arith.constant 0 : index
    %get3A_55 = arith.constant 0 : index
    %get3A_56 = vector.load %arg11[%get3A_54, %get3A_55] : memref<64x128xf32, #tpu.memory_space<vmem>>, vector<64x128xf32>
    %dot_general3A = arith.constant dense<0.000000e+00> : vector<64x128xf32>
    %dot_general3A_57 = tpu.matmul %convert_element_type3A_51, %concatenate3A, %dot_general3A {dimension_numbers = #tpu.dot_dimension_numbers<[1], [0], [0], [1], [0, 0, 1, 1], [], []>, transpose_lhs_hint = false} : vector<64x1000xf32>, vector<1000x128xf32>, vector<64x128xf32> -> vector<64x128xf32>
    %add3A_58 = arith.addf %get3A_56, %dot_general3A_57 : vector<64x128xf32>
    %swap3A = arith.constant 0 : index
    %swap3A_59 = arith.constant 0 : index
    %swap3A_60 = vector.load %arg11[%swap3A, %swap3A_59] : memref<64x128xf32, #tpu.memory_space<vmem>>, vector<64x128xf32>
    tpu.vector_store %arg11[%swap3A, %swap3A_59], %add3A_58 {strides = array<i32>} : memref<64x128xf32, #tpu.memory_space<vmem>>, vector<64x128xf32>,
    %eq3A_61 = arith.constant 9 : i32
    %eq3A_62 = arith.cmpi eq, %arg0, %eq3A_61 : i32
    %convert_element_type3A_63 = arith.extui %eq3A_62 : i1 to i32
    %cond3A_64 = arith.constant 0 : i32
    %cond3A_65 = arith.cmpi ne, %convert_element_type3A_63, %cond3A_64 : i32
    scf.if %cond3A_65 {
      %get3A_66 = arith.constant 0 : index
      %get3A_67 = arith.constant 0 : index
      %get3A_68 = vector.load %arg11[%get3A_66, %get3A_67] : memref<64x128xf32, #tpu.memory_space<vmem>>, vector<64x64xf32>
      %get3A_69 = arith.constant 0 : index
      %get3A_70 = arith.constant 64 : index
      %get3A_71 = vector.load %arg11[%get3A_69, %get3A_70] : memref<64x128xf32, #tpu.memory_space<vmem>>, vector<64x1xf32>
      %max3A = arith.constant 1.000000e+00 : f32
      %max3A_72 = vector.broadcast %max3A : f32 to vector<64x1xf32>
      %max3A_73 = arith.maximumf %get3A_71, %max3A_72 : vector<64x1xf32>
      %div3A_74 = vector.broadcast %max3A_73 : vector<64x1xf32> to vector<64x64xf32>
      %div3A_75 = arith.divf %get3A_68, %div3A_74 : vector<64x64xf32>
      %get3A_76 = arith.constant 0 : index
      %get3A_77 = arith.constant 0 : index
      %get3A_78 = vector.load %arg6[%get3A_76, %get3A_77] : memref<64x32xf32, #tpu.memory_space<vmem>>, vector<64x32xf32>
      %dot_general3A_79 = arith.constant dense<0.000000e+00> : vector<64x32xf32>
      %dot_general3A_80 = tpu.matmul %div3A_75, %get3A_78, %dot_general3A_79 {dimension_numbers = #tpu.dot_dimension_numbers<[1], [0], [0], [1], [0, 0, 1, 1], [], []>, transpose_lhs_hint = false} : vector<64x64xf32>, vector<64x32xf32>, vector<64x32xf32> -> vector<64x32xf32>
      %get3A_81 = arith.constant 0 : index
      %get3A_82 = vector.load %arg7[%get3A_81] : memref<32xf32, #tpu.memory_space<vmem>>, vector<32xf32>
      %broadcast_in_dim3A_83 = vector.shape_cast %get3A_82 : vector<32xf32> to vector<1x32xf32>
      %add3A_84 = vector.broadcast %broadcast_in_dim3A_83 : vector<1x32xf32> to vector<64x32xf32>
      %add3A_85 = arith.addf %dot_general3A_80, %add3A_84 : vector<64x32xf32>
      %max3A_86 = arith.constant 0.000000e+00 : f32
      %max3A_87 = vector.broadcast %max3A_86 : f32 to vector<64x32xf32>
      %max3A_88 = arith.maximumf %add3A_85, %max3A_87 : vector<64x32xf32>
      %get3A_89 = arith.constant 0 : index
      %get3A_90 = arith.constant 0 : index
      %get3A_91 = vector.load %arg8[%get3A_89, %get3A_90] : memref<32x10xf32, #tpu.memory_space<vmem>>, vector<32x10xf32>
      %dot_general3A_92 = arith.constant dense<0.000000e+00> : vector<64x10xf32>
      %dot_general3A_93 = tpu.matmul %max3A_88, %get3A_91, %dot_general3A_92 {dimension_numbers = #tpu.dot_dimension_numbers<[1], [0], [0], [1], [0, 0, 1, 1], [], []>, transpose_lhs_hint = false} : vector<64x32xf32>, vector<32x10xf32>, vector<64x10xf32> -> vector<64x10xf32>
      %get3A_94 = arith.constant 0 : index
      %get3A_95 = vector.load %arg9[%get3A_94] : memref<10xf32, #tpu.memory_space<vmem>>, vector<10xf32>
      %broadcast_in_dim3A_96 = vector.shape_cast %get3A_95 : vector<10xf32> to vector<1x10xf32>
      %add3A_97 = vector.broadcast %broadcast_in_dim3A_96 : vector<1x10xf32> to vector<64x10xf32>
      %add3A_98 = arith.addf %dot_general3A_93, %add3A_97 : vector<64x10xf32>
      %reduce_max3A = arith.constant dense<0xFF800000> : vector<64xf32>
      %reduce_max3A_99 = vector.multi_reduction <maximumf>, %add3A_98, %reduce_max3A [1] : vector<64x10xf32> to vector<64xf32>
      %max3A_100 = arith.constant 0xFF800000 : f32
      %max3A_101 = vector.broadcast %max3A_100 : f32 to vector<64xf32>
      %max3A_102 = arith.maximumf %max3A_101, %reduce_max3A_99 : vector<64xf32>
      %broadcast_in_dim3A_103 = vector.shape_cast %max3A_102 : vector<64xf32> to vector<64x1xf32>
      %sub3A = vector.broadcast %broadcast_in_dim3A_103 : vector<64x1xf32> to vector<64x10xf32>
      %sub3A_104 = arith.subf %add3A_98, %sub3A : vector<64x10xf32>
      %exp3A_105 = math.exp %sub3A_104 : vector<64x10xf32>
      %reduce_sum3A = arith.constant dense<0.000000e+00> : vector<64xf32>
      %reduce_sum3A_106 = vector.multi_reduction <add>, %exp3A_105, %reduce_sum3A [1] : vector<64x10xf32> to vector<64xf32>
      %broadcast_in_dim3A_107 = vector.shape_cast %reduce_sum3A_106 : vector<64xf32> to vector<64x1xf32>
      %log3A = math.log %broadcast_in_dim3A_107 : vector<64x1xf32>
      %sub3A_108 = vector.broadcast %log3A : vector<64x1xf32> to vector<64x10xf32>
      %sub3A_109 = arith.subf %sub3A_104, %sub3A_108 : vector<64x10xf32>
      %swap3A_110 = arith.constant 0 : index
      %swap3A_111 = arith.constant 0 : index
      %swap3A_112 = vector.load %arg10[%swap3A_110, %swap3A_111] : memref<64x10xf32, #tpu.memory_space<vmem>>, vector<64x10xf32>
      tpu.vector_store %arg10[%swap3A_110, %swap3A_111], %sub3A_109 {strides = array<i32>} : memref<64x10xf32, #tpu.memory_space<vmem>>, vector<64x10xf32>,
    } else {
    }
    return
  }
  func.func @transform_0(%arg0: i32) -> (i32, i32, i32) {
    %c0_i32 = arith.constant 0 : i32
    %c0_i32_0 = arith.constant 0 : i32
    %c0_i32_1 = arith.constant 0 : i32
    return %c0_i32, %arg0, %c0_i32_0 : i32, i32, i32
  }
  func.func @transform_1(%arg0: i32) -> (i32, i32) {
    %c0_i32 = arith.constant 0 : i32
    %c0_i32_0 = arith.constant 0 : i32
    return %arg0, %c0_i32 : i32, i32
  }
  func.func @transform_2(%arg0: i32) -> (i32, i32) {
    %c0_i32 = arith.constant 0 : i32
    %c0_i32_0 = arith.constant 0 : i32
    return %arg0, %c0_i32 : i32, i32
  }
  func.func @transform_3(%arg0: i32) -> i32 {
    %c0_i32 = arith.constant 0 : i32
    %c0_i32_0 = arith.constant 0 : i32
    return %c0_i32 : i32
  }
  func.func @transform_4(%arg0: i32) -> (i32, i32, i32) {
    %c0_i32 = arith.constant 0 : i32
    %c0_i32_0 = arith.constant 0 : i32
    %c0_i32_1 = arith.constant 0 : i32
    return %arg0, %c0_i32, %c0_i32_0 : i32, i32, i32
  }
  func.func @transform_5(%arg0: i32) -> (i32, i32) {
    %c0_i32 = arith.constant 0 : i32
    %c0_i32_0 = arith.constant 0 : i32
    %c0_i32_1 = arith.constant 0 : i32
    return %c0_i32, %c0_i32_0 : i32, i32
  }
  func.func @transform_6(%arg0: i32) -> i32 {
    %c0_i32 = arith.constant 0 : i32
    %c0_i32_0 = arith.constant 0 : i32
    return %c0_i32 : i32
  }
  func.func @transform_7(%arg0: i32) -> (i32, i32) {
    %c0_i32 = arith.constant 0 : i32
    %c0_i32_0 = arith.constant 0 : i32
    %c0_i32_1 = arith.constant 0 : i32
    return %c0_i32, %c0_i32_0 : i32, i32
  }
  func.func @transform_8(%arg0: i32) -> i32 {
    %c0_i32 = arith.constant 0 : i32
    %c0_i32_0 = arith.constant 0 : i32
    return %c0_i32 : i32
  }
  func.func @transform_9(%arg0: i32) -> (i32, i32) {
    %c0_i32 = arith.constant 0 : i32
    %c0_i32_0 = arith.constant 0 : i32
    %c0_i32_1 = arith.constant 0 : i32
    return %c0_i32, %c0_i32_0 : i32, i32
  }
}

</mosaic_0001>

<sc_bundles>
// kernel: kernel.10.cloned.1.call-start
scs
__scs_entry_jumppad:
0x0: {  	(pc) =	sbr.rel $0x88, $3  }
0x1: {  	(tag) =	ssettag $0x0;
	lr =	simm.s32 $0x1  }
0x2: {  	[smem:$0x3F91] =	sst lr;
	_ =	strace $0xD0000000  }
0x3: {  	_ = 	snop  }
0x4: {  	_ = 	snop  }
0x5: {  	_ = 	snop  }
0x6: {  	_ = 	snop  }
0x7: {  	_ = 	snop  }
__scs_overlays_trampoline_lowered:
0x8: {  	[smem:$0x3FA0] =	sst s0  }
0x9: {  	[smem:$0x3FA1] =	sst s1  }
0xa: {  	[smem:$0x3FA2] =	sst s2  }
0xb: {  	[smem:$0x3FA3] =	sst s3  }
0xc: {  	[smem:$0x3FA4] =	sst s4  }
0xd: {  	[smem:$0x3FA5] =	sst s5  }
0xe: {  	[smem:$0x3FA6] =	sst s6  }
0xf: {  	[smem:$0x3FA7] =	sst s7  }
0x10: {  	[smem:$0x3FA8] =	sst s8  }
0x11: {  	[smem:$0x3FA9] =	sst s9;
	s0 =	simm.s32 @!p0 $0x0  }
0x12: {  	s1 =	sld [smem:$0x3F8F];
	s0 =	simm.s32 @p0 $0x1  }
0x13: {  	[smem:$0x3FAA] =	sst s0;
	s0 =	simm.s32 @!p1 $0x0  }
0x14: {  	s2 =	sld [smem:$0x3F8E];
	s0 =	simm.s32 @p1 $0x1  }
0x15: {  	[smem:$0x3FAB] =	sst s0;
	s0 =	simm.s32 @!p2 $0x0  }
0x16: {  	s3 =	sld [smem:$0x3FDB];
	s0 =	simm.s32 @p2 $0x1  }
0x17: {  	s4 =	simm.s32 $0x1BF5;
	[smem:$0x3FAD] =	sst s0  }
0x18: {  	s0 =	sld [smem:$0x3F90];
	_ =	swait.ge [sflag:s4], $0x0  }
0x19: {  	s7 =	sld [smem:$0x3F91]  }
0x1a: {  	s8 =	sadd.s32 $0xFFFFE003, lr  }
0x1b: {  	s9 =	sadd.s32 $0xFFFFFEF7, lr;
	s5 =	simm.s32 $0xFFFFFFFF;
	p2 =	slt.u32 s8, $0xFFFFF086  }
0x1c: {  	p1 =	slt.u32 s9, $0xF7A;
	s5 =	simm.s32 @!p2 $0x0  }
0x1d: {  	s5 =	simm.s32 @p1 $0x1;
	p0 =	seq.s32 s7, s2  }
0x1e: {  	s7 =	smul.u32 @!p0 $0xF7A, s2;
	p2 =	seq.s32 @!p0 s5, $0x0  }
0x1f: {  	s9 =	smul.u32 $0xF7A, s1;
	s8 =	simm.s32 @!p0 $0x1BF5;
	p2 =	por !p2, p0  }
0x20: {  	[sflag:s8] =	ssyncset.s32 @!p0 $0xFFFFF086;
	s6 =	sadd.s32 @!p0 s3, s7;
	s7 =	simm.s32 @!p0 $0x108  }
0x21: {  	s3 =	sadd.s32 s3, s9;
	s6 =	sadd.s32 @!p0 $0x88, s6;
	s7 =	simm.s32 @p2 $0x1082  }
0x22: {  	[simem:s7], [sflag:s8] =	dma.local @!p0 [hbm:s6], $0xF7A  }
0x23: {  	s9 =	sor.u32 $0xD0000000, s2;
	s6 =	simm.s32 $0x108;
	_ =	swait.ge @!p0 [sflag:s8], $0x0  }
0x24: {  	s3 =	sadd.s32 $0x88, s3;
	s6 =	simm.s32 @!p1 $0x1082;
	[sflag:s4] =	ssyncset.s32 $0xFFFFF086  }
0x25: {  	[simem:s6], [sflag:s4] =	dma.local [hbm:s3], $0xF7A  }
0x26: {  	[smem:$0x3F91] =	sst s1;
	(tag) =	ssettag s2;
	_ =	strace s9  }
0x27: {  	s1 =	sld [smem:$0x3FA1]  }
0x28: {  	s2 =	sld [smem:$0x3FA2]  }
0x29: {  	s4 =	sld [smem:$0x3FA4]  }
0x2a: {  	p0 =	seq.s32 s5, $0x0;
	s5 =	sld [smem:$0x3FA5]  }
0x2b: {  	s6 =	sld [smem:$0x3FA6]  }
0x2c: {  	s7 =	sld [smem:$0x3FA7]  }
0x2d: {  	s3 =	simm.s32 $0x108;
	s8 =	sld [smem:$0x3FA8]  }
0x2e: {  	s3 =	simm.s32 @!p0 $0x1082;
	s9 =	sld [smem:$0x3FA9]  }
0x2f: {  	lr =	sadd.s32 s0, s3;
	s0 =	sld [smem:$0x3FA0]  }
0x30: {  	s3 =	sld [smem:$0x3FA3]  }
0x31: {  	[smem:$0x3FAC] =	sst s10  }
0x32: {  	s10 =	sld [smem:$0x3FAA];
	_ =	sdelay $0x3  }
0x33: {  	p0 =	seq.s32 s10, $0x1;
	s10 =	sld [smem:$0x3FAC];
	_ =	sdelay $0x3  }
0x34: {  	[smem:$0x3FAC] =	sst s10  }
0x35: {  	s10 =	sld [smem:$0x3FAB];
	_ =	sdelay $0x3  }
0x36: {  	p1 =	seq.s32 s10, $0x1;
	s10 =	sld [smem:$0x3FAC];
	_ =	sdelay $0x3  }
0x37: {  	[smem:$0x3FAC] =	sst s10  }
0x38: {  	s10 =	sld [smem:$0x3FAD]  }
0x39: {  	_ = 	snop;
	(pc) =	sbr.ind lr, $3  }
0x3a: {  	_ = 	snop  }
0x3b: {  	_ = 	snop  }
0x3c: {  	p2 =	seq.s32 s10, $0x1;
	s10 =	sld [smem:$0x3FAC]  }
0x3d: {  	_ =	shalt  }
0x3e: {  	_ =	shalt  }
0x3f: {  	_ =	shalt  }
0x40: {  	_ =	shalt  }
0x41: {  	_ =	shalt  }
0x42: {  	_ =	shalt  }
0x43: {  	_ =	shalt  }
0x44: {  	_ =	shalt  }
0x45: {  	_ =	shalt  }
0x46: {  	_ =	shalt  }
0x47: {  	_ =	shalt  }
0x48: {  	_ =	shalt  }
0x49: {  	_ =	shalt  }
0x4a: {  	_ =	shalt  }
0x4b: {  	_ =	shalt  }
0x4c: {  	_ =	shalt  }
0x4d: {  	_ =	shalt  }
0x4e: {  	_ =	shalt  }
0x4f: {  	_ =	shalt  }
0x50: {  	_ =	shalt  }
0x51: {  	_ =	shalt  }
0x52: {  	_ =	shalt  }
0x53: {  	_ =	shalt  }
0x54: {  	_ =	shalt  }
0x55: {  	_ =	shalt  }
0x56: {  	_ =	shalt  }
0x57: {  	_ =	shalt  }
0x58: {  	_ =	shalt  }
0x59: {  	_ =	shalt  }
0x5a: {  	_ =	shalt  }
0x5b: {  	_ =	shalt  }
0x5c: {  	_ =	shalt  }
0x5d: {  	_ =	shalt  }
0x5e: {  	_ =	shalt  }
0x5f: {  	_ =	shalt  }
0x60: {  	_ =	shalt  }
0x61: {  	_ =	shalt  }
0x62: {  	_ =	shalt  }
0x63: {  	_ =	shalt  }
0x64: {  	_ =	shalt  }
0x65: {  	_ =	shalt  }
0x66: {  	_ =	shalt  }
0x67: {  	_ =	shalt  }
0x68: {  	_ =	shalt  }
0x69: {  	_ =	shalt  }
0x6a: {  	_ =	shalt  }
0x6b: {  	_ =	shalt  }
0x6c: {  	_ =	shalt  }
0x6d: {  	_ =	shalt  }
0x6e: {  	_ =	shalt  }
0x6f: {  	_ =	shalt  }
0x70: {  	_ =	shalt  }
0x71: {  	_ =	shalt  }
0x72: {  	_ =	shalt  }
0x73: {  	_ =	shalt  }
0x74: {  	_ =	shalt  }
0x75: {  	_ =	shalt  }
0x76: {  	_ =	shalt  }
0x77: {  	_ =	shalt  }
0x78: {  	_ =	shalt  }
0x79: {  	_ =	shalt  }
0x7a: {  	_ =	shalt  }
0x7b: {  	_ =	shalt  }
0x7c: {  	_ =	shalt  }
0x7d: {  	_ =	shalt  }
0x7e: {  	_ =	shalt  }
0x7f: {  	_ =	shalt  }
0x80: {  	_ =	shalt  }
0x81: {  	_ =	shalt  }
0x82: {  	_ =	shalt  }
0x83: {  	_ =	shalt  }
0x84: {  	_ =	shalt  }
0x85: {  	_ =	shalt  }
0x86: {  	_ =	shalt  }
0x87: {  	_ =	shalt  }
.Lfunc_end0:
.L_simem_size_0:
called_computation.1_lowered:
.L_overlay_start_0:
0x88: {  	s2 =	sld [smem:$0x3FD9]  }
0x89: {  	s3 =	sld [smem:$0x3FFE];
	_ =	sdelay $0x1  }
0x8a: {  	s1 =	srdreg.scid  }
0x8b: {  	s0 =	sand.u32 $0x1, s1  }
0x8c: {  	s17 =	sshll.u32 s0, $0xA;
	s2 =	sadd.s32 s3, s2  }
0x8d: {  	s2 =	sadd.s32 s2, s17  }
0x8e: {  	[smem:$0x3FB8] =	sst s2  }
0x8f: {  	_ = 	snop  }
0x90: {  	s2 =	sld [smem:$0x3FC7];
	(tm) =	ssettm $0x1  }
0x91: {  	s18 =	sld [smem:$0x3FFB];
	_ =	sdelay $0x3  }
0x92: {  	_ =	strace s18  }
0x93: {  	s3 =	sld [smem:$0x3FFC];
	_ =	sdelay $0x3  }
0x94: {  	_ =	strace s3  }
0x95: {  	s3 =	sld [smem:$0x3FFD];
	_ =	sdelay $0x3  }
0x96: {  	_ =	strace s3  }
0x97: {  	_ =	strace $0x8FFFFFFF  }
0x98: {  	s19 =	sld [smem:$0x3FDB];
	_ =	sdelay $0x1  }
0x99: {  	s4 =	simm.s32 $_scs_section_size  }
0x9a: {  	s5 =	simm.s32 $_size__tile_overlayer_lowered;
	s6 =	simm.s32 $_tile_overlayer_lowered  }
0x9b: {  	s22 =	simm.s32 $0x1BFF;
	s21 =	sshll.u32 s6, $0x1;
	s3 =	sadd.s32 s4, s19  }
0x9c: {  	s7 =	simm.s32 $0x0;
	s20 =	sshll.u32 s5, $0x1;
	s5 =	sadd.s32 s21, s3  }
0x9d: {  	[timem:s7], [sflag:s22] =	dma.local [hbm:s5], s20  }
0x9e: {  	_ =	swait.ge [sflag:s22], s20  }
0x9f: {  	s4 =	ssub.s32 $0x0, s20;
	[sflag:s22] =	ssyncset.done $0x0  }
0xa0: {  	[sflag:s22] =	ssyncadd.s32 s4;
	_ =	sdelay $0x1  }
0xa1: {  	s23 =	simm.s32 $0x1B8B  }
0xa2: {  	_ =	swait.ge [sflag:s23], $0x1  }
0xa3: {  	[sflag:s23] =	ssyncset.done $0x0  }
0xa4: {  	s25 =	simm.s32 $0x1B8E;
	s24 =	sld [smem:$0x3FFE];
	[sflag:s23] =	ssyncadd.s32 $0xFFFFFFFF  }
0xa5: {  	s26 =	simm.s32 $execute0_lowered;
	[smem:$0x3FD2] =	sst s25  }
0xa6: {  	s5 =	sshll.u32 s26, $0x1;
	_ =	strace $0x80000049;
	[dreg:$0x1] =	wrdreg $0xFFFFFFFF  }
0xa7: {  	s28 =	simm.s32 $_size_execute0_lowered;
	s3 =	sadd.s32 s3, s5;
	[dreg:$0x0] =	wrdreg $0x0  }
0xa8: {  	s5 =	sshll.u32 s28, $0x1;
	[dreg:$0x2] =	wrdreg s3  }
0xa9: {  	[dreg:$0x3] =	wrdreg s5  }
0xaa: {  	[dreg:$0x4] =	wrdreg $0xC0  }
0xab: {  	_ =	task [dreg:s7], $0x5FFFF  }
0xac: {  	[dreg:$0x1] =	wrdreg $0xFFFFFFFF  }
0xad: {  	[dreg:$0x0] =	wrdreg $0x60  }
0xae: {  	[dreg:$0x2] =	wrdreg s24  }
0xaf: {  	[dreg:$0x3] =	wrdreg s2  }
0xb0: {  	[dreg:$0x4] =	wrdreg $0x0  }
0xb1: {  	[dreg:$0x5] =	wrdreg $0x9  }
0xb2: {  	_ =	task.clear_ibuf [dreg:s7], $0x6FFFF;
	_ =	strace $0x90000049  }
0xb3: {  	s29 =	simm.s32 $0x9;
	_ =	strace $0x8000004B  }
0xb4: {  	_ =	swait.ge [sflag:s29], $0x1  }
0xb5: {  	[sflag:s29] =	ssyncadd.s32 $0xFFFFFFFF  }
0xb6: {  	_ =	strace $0x9000004B  }
0xb7: {  	_ =	sfence  }
0xb8: {  	s30 =	sld [smem:$0x0];
	_ =	sdelay $0x2  }
0xb9: {  	s31 =	sshll.u32 s1, $0xD;
	s1 =	sshrl.u32 s1, $0x2  }
0xba: {  	s3 =	sand.u32 $0x4000, s31;
	s1 =	sadd.s32 s1, s30  }
0xbb: {  	s0 =	sor.u32 s3, s0;
	s1 =	sshll.u32 s1, $0x11  }
0xbc: {  	s0 =	sor.u32 s1, s0  }
0xbd: {  	s0 =	sadd.s32 $0x8F2B, s0  }
0xbe: {  	[sflag:s0] =	ssyncadd.remote.s32 $0x1  }
0xbf: {  	_ =	sfence.sel $0xFFFF  }
0xc0: {  	[dreg:$0x0] =	wrdreg $0xFFFFFFFF;
	(pc) =	sbr.abs _section_cstart, $3  }
0xc1: {  	[dreg:$0x1] =	wrdreg $0xFFFFFFFF  }
0xc2: {  	_ =	task.clear_ibuf [dreg:s7], $0x2FFFF;
	_ =	strace $0x9FFFFFFF  }
0xc3: {  	(tm) =	ssettm $0x7FFFFFFF  }
tec
execute0_lowered:
.L_overlay_start_1:
0x0: {  	(tag) =	ssettag $0x1  }
0x1: {  	s9 =	rddreg [dreg:$0x0]  }
0x2: {  	s1 =	rddreg [dreg:$0x1]  }
0x3: {  	s2 =	rddreg [dreg:$0x2]  }
0x4: {  	s3 =	srdreg.scid;
	s0 =	rddreg [dreg:$0x3]  }
0x5: {  	s4 =	simm.s32 $0x0;
	s16 =	simm.s32 $0x11170;
	s17 =	simm.s32 $0x111C0  }
0x6: {  	s18 =	simm.s32 $0x11210;
	s19 =	simm.s32 $0x50;
	s20 =	simm.s32 $0x1  }
0x7: {  	s22 =	simm.s32 $0x0;
	s10 =	sand.u32 $0x1, s3;
	s3 =	stileid.u32  }
0x8: {  	[smem:$0x7FF] =	sst s4;
	s5 =	sadd.s32 $0x2000, s9;
	s6 =	sadd.s32 $0x1A800, s9  }
0x9: {  	s7 =	sadd.s32 $0x25000, s9;
	s8 =	sadd.s32 $0x1B200, s9;
	s11 =	smul.u32 $0xC3500, s10  }
0xa: {  	s12 =	smul.u32 $0xC350, s3;
	_ =	strace $0x8000004A;
	s13 =	ssub.s32 $0x2, s10  }
0xb: {  	s14 =	sshll.u32 s3, $0x1;
	s30 =	smul.u32 $0x30D40, s3;
	s15 =	sshrl.u32 s13, $0x1  }
0xc: {  	s10 =	sor.u32 s10, s14;
	s14 =	simm.s32 $0x2;
	s11 =	sadd.s32 s12, s11  }
0xd: {  	s13 =	ssub.s32 s13, s15;
	s21 =	sadd.s32 s12, s2;
	s31 =	sshrl.u32 s30, $0x2  }
0xe: {  	s15 =	simm.s32 $0x11260;
	s11 =	sshrl.u32 s11, $0x3;
	s12 =	sadd.s32 s31, s2  }
0xf: {  	s21 =	sshrl.u32 s21, $0x3;
	s11 =	sadd.s32 s11, s9;
	s9 =	smul.u32 $0x2710, s10  }
0x10: {  	v0 =	vimm.f32 $0.0e+00;
	s10 =	sadd.s32 $0x2EE00, s11;
	s11 =	smax.u32 s13, $0x1;
	s13 =	simm.s32 $0xC350  }
.LBB2_1:
0x11: {  	[tilespmem:s13], [sflag:$0x2] =	stream.linear.gather [hbm4b:s6+s4], $0x4E20, $0x38;
	[tilespmem:$0x12B60] =	vst v63  }
0x12: {  	_ =	swait.ge [sflag:s14], $0x4E20  }
0x13: {  	[sflag:s14] =	ssyncset.done $0x0  }
0x14: {  	s24 =	simm.s32 $0x240;
	s23 =	simm.s32 $0x40;
	[sflag:s14] =	ssyncadd.s32 $0xFFFFB1E0  }
.LBB2_2:
0x15: {  	p0 =	sne.s32 s24, $0x63C0;
	[tilespmem:s23+$0x11260] =	vst v0;
	s25 =	smov.u32 s24;
	s24 =	sadd.s32 $0x140, s24  }
.Ltmp0:
0x16: {  	[tilespmem:s23+$0x11250] =	vst v0;
	(pc) =	sbr.rel @p0 .LBB2_2-.Ltmp0, $4  }
0x17: {  	[tilespmem:s23+$0x11240] =	vst v0  }
0x18: {  	[tilespmem:s23+$0x11220] =	vst v0  }
0x19: {  	[tilespmem:s23+$0x11230] =	vst v0  }
0x1a: {  	s23 =	sshra.s32 s25, $0x2  }
0x1b: {  	[tilespmem:s23+$0x11260] =	vst v0  }
0x1c: {  	[tilespmem:s23+$0x11250] =	vst v0  }
0x1d: {  	[tilespmem:s23+$0x11240] =	vst v0  }
0x1e: {  	[tilespmem:s23+$0x11220] =	vst v0  }
0x1f: {  	[tilespmem:s23+$0x11230] =	vst v0;
	s31 =	sadd.s32 $0x0, s12  }
0x20: {  	[spmem:s31] =	stream.linear.scatter [tilespmem:s15], [sflag:$0x2], $0x7D0, $0x38;
	[tilespmem:$0x12B60] =	vst v63  }
0x21: {  	s23 =	simm.s32 $0x1F40;
	_ =	swait.ge [sflag:s14], $0x7D0  }
.LBB2_4:
0x22: {  	s24 =	sshra.s32 s23, $0x2;
	[sflag:s14] =	ssyncset.done $0x0;
	p0 =	sne.s32 s23, $0x2EE00  }
.Ltmp1:
0x23: {  	s24 =	sadd.s32 s24, s12;
	[sflag:s14] =	ssyncadd.s32 $0xFFFFF830;
	(pc) =	sbr.rel @p0 .LBB2_4-.Ltmp1, $3  }
0x24: {  	[spmem:s24] =	stream.linear.scatter [tilespmem:s15], [sflag:$0x2], $0x7D0, $0x38;
	[tilespmem:$0x12B60] =	vst v63  }
0x25: {  	s23 =	sadd.s32 $0x1F40, s23;
	_ =	sdelay $0x1  }
0x26: {  	_ =	swait.ge [sflag:s14], $0x7D0  }
0x27: {  	[sflag:s14] =	ssyncset.done $0x0  }
0x28: {  	[sflag:s14] =	ssyncadd.s32 $0xFFFFF830  }
0x29: {  	s23 =	simm.s32 $0x0;
	s24 =	simm.s32 $0x0;
	[bflag:$0x0] =	sbarrier.arrive $0xFFFF  }
.LBB2_6:
0x2a: {  	s25 =	smul.u32 $0x50, s24;
	_ =	sdelay $0x1  }
0x2b: {  	s25 =	sadd.s32 s9, s25  }
0x2c: {  	s25 =	sshrl.u32 s25, $0x3  }
0x2d: {  	s26 =	sadd.s32 s7, s25  }
0x2e: {  	[tilespmem:s16], [sflag:$0x2] =	stream.linear.gather [hbm4b:s26+s23], $0x50, $0x38;
	[tilespmem:$0x12B60] =	vst v63  }
0x2f: {  	_ =	swait.ge [sflag:s14], $0x50  }
0x30: {  	[sflag:s14] =	ssyncset.done $0x0  }
0x31: {  	s31 =	sadd.s32 s8, s25;
	[sflag:s14] =	ssyncadd.s32 $0xFFFFFFB0  }
0x32: {  	[tilespmem:s17], [sflag:$0x2] =	stream.linear.gather [hbm4b:s31+s23], $0x50, $0x38;
	[tilespmem:$0x12B60] =	vst v63  }
0x33: {  	_ =	swait.ge [sflag:s14], $0x50  }
0x34: {  	[sflag:s14] =	ssyncset.done $0x0  }
0x35: {  	s25 =	sadd.s32 s1, s25;
	[sflag:s14] =	ssyncadd.s32 $0xFFFFFFB0  }
0x36: {  	[tilespmem:s18], [sflag:$0x2] =	stream.linear.gather [hbm4b:s25+s23], $0x50, $0x38;
	[tilespmem:$0x12B60] =	vst v63  }
0x37: {  	_ =	swait.ge [sflag:s14], $0x50  }
0x38: {  	[sflag:s14] =	ssyncset.done $0x0  }
0x39: {  	[sflag:s14] =	ssyncadd.s32 $0xFFFFFFB0  }
0x3a: {  	[tilespmem:s15], [sflag:$0x1] =	stream.indirect.gather [hbm4b:s5+s19], $0x50, s16, s19, $0xb8;
	[tilespmem:$0x12B60] =	vst v63  }
0x3b: {  	_ =	swait.ge [sflag:s20], $0x1900  }
0x3c: {  	[sflag:s20] =	ssyncset.done $0x0  }
0x3d: {  	s26 =	simm.s32 $0x0;
	s25 =	simm.s32 $0x114E0;
	[sflag:s20] =	ssyncadd.s32 $0xFFFFE700  }
.LBB2_7:
0x3e: {  	s28 =	sshra.s32 s26, $0x2  }
0x3f: {  	v1 =	vld [tilespmem:s28+$0x11170]  }
0x40: {  	v2 =	vld [tilespmem:s28+$0x111C0];
	_ =	sdelay $0x4  }
0x41: {  	v1 =	vshll.u32 v1, $0x1;
	v2 =	vshll.u32 v2, $0x1  }
0x42: {  	v2 =	vor.u32 $0x1, v2;
	_ =	sdelay $0x3  }
0x43: {  	v1 =	vld.idx.msk [tilespmem:v1+s13+$0x0], $0xffff  }
0x44: {  	v2 =	vld.idx.msk [tilespmem:v2+s13+$0x0], $0xffff;
	_ =	sdelay $0x4  }
0x45: {  	v1 =	vadd.f32 v2, v1;
	_ =	sdelay $0x1  }
0x46: {  	v2 =	vmul.f32 $2.000000030e-01, v1  }
0x47: {  	vm0 =	vge.f32 v1, $0.0e+00  }
0x48: {  	v1 =	vsel vm0, v1, v2  }
0x49: {  	v1 =	vmul.f32 $1.442695020e+00, v1;
	_ =	sdelay $0x1  }
0x4a: {  	(erf) = vpow2.f32 v1;
	_ =	sdelay $0x4  }
0x4b: {  	v2 =	vld [tilespmem:s28+$0x11210];
	_ =	sdelay $0x3  }
0x4c: {  	v3 =	vld [tilespmem:s25+$0xFFFFFD80];
	v1 =	vpop (erf)  }
0x4d: {  	v2 =	vmul.f32 v1, v2;
	_ =	sdelay $0x1  }
0x4e: {  	v4 =	vbroadcast v2, $0x0;
	_ =	sdelay $0x1  }
0x4f: {  	v3 =	vmul.f32 v4, v3;
	_ =	sdelay $0x1  }
0x50: {  	[tilespmem:s25+$0xFFFFFD80] =	vst v3;
	v3 =	vld [tilespmem:s25+$0xFFFFFD90];
	_ =	sdelay $0x4  }
0x51: {  	v3 =	vmul.f32 v4, v3;
	_ =	sdelay $0x1  }
0x52: {  	[tilespmem:s25+$0xFFFFFD90] =	vst v3;
	v3 =	vld [tilespmem:s25+$0xFFFFFDA0];
	_ =	sdelay $0x4  }
0x53: {  	v3 =	vmul.f32 v4, v3;
	_ =	sdelay $0x1  }
0x54: {  	[tilespmem:s25+$0xFFFFFDA0] =	vst v3;
	v3 =	vld [tilespmem:s25+$0xFFFFFDB0];
	_ =	sdelay $0x4  }
0x55: {  	v3 =	vmul.f32 v3, v4;
	_ =	sdelay $0x1  }
0x56: {  	[tilespmem:s25+$0xFFFFFDB0] =	vst v3;
	v3 =	vld [tilespmem:s25+$0xFFFFFDC0];
	_ =	sdelay $0x2  }
0x57: {  	v35 =	vbroadcast v1, $0x0;
	_ =	sdelay $0x1  }
0x58: {  	v3 =	vmul.f32 v3, v35;
	_ =	sdelay $0x1  }
0x59: {  	[tilespmem:s25+$0xFFFFFDC0] =	vst v3;
	v3 =	vld [tilespmem:s25+$0xFFFFFDD0];
	_ =	sdelay $0x2  }
0x5a: {  	v36 =	vbroadcast v2, $0x1;
	_ =	sdelay $0x1  }
0x5b: {  	v3 =	vmul.f32 v3, v36;
	_ =	sdelay $0x1  }
0x5c: {  	[tilespmem:s25+$0xFFFFFDD0] =	vst v3;
	v3 =	vld [tilespmem:s25+$0xFFFFFDE0];
	_ =	sdelay $0x4  }
0x5d: {  	v3 =	vmul.f32 v3, v36;
	_ =	sdelay $0x1  }
0x5e: {  	[tilespmem:s25+$0xFFFFFDE0] =	vst v3;
	v3 =	vld [tilespmem:s25+$0xFFFFFDF0];
	_ =	sdelay $0x4  }
0x5f: {  	v3 =	vmul.f32 v3, v36;
	_ =	sdelay $0x1  }
0x60: {  	[tilespmem:s25+$0xFFFFFDF0] =	vst v3;
	v3 =	vld [tilespmem:s25+$0xFFFFFE00];
	_ =	sdelay $0x4  }
0x61: {  	v3 =	vmul.f32 v3, v36;
	_ =	sdelay $0x1  }
0x62: {  	[tilespmem:s25+$0xFFFFFE00] =	vst v3;
	v3 =	vld [tilespmem:s25+$0xFFFFFE10];
	_ =	sdelay $0x2  }
0x63: {  	v37 =	vbroadcast v1, $0x1;
	_ =	sdelay $0x1  }
0x64: {  	v3 =	vmul.f32 v3, v37;
	_ =	sdelay $0x1  }
0x65: {  	[tilespmem:s25+$0xFFFFFE10] =	vst v3;
	v3 =	vld [tilespmem:s25+$0xFFFFFE20];
	_ =	sdelay $0x2  }
0x66: {  	v38 =	vbroadcast v2, $0x2;
	_ =	sdelay $0x1  }
0x67: {  	v3 =	vmul.f32 v3, v38;
	_ =	sdelay $0x1  }
0x68: {  	[tilespmem:s25+$0xFFFFFE20] =	vst v3;
	v3 =	vld [tilespmem:s25+$0xFFFFFE30];
	_ =	sdelay $0x4  }
0x69: {  	v3 =	vmul.f32 v3, v38;
	_ =	sdelay $0x1  }
0x6a: {  	[tilespmem:s25+$0xFFFFFE30] =	vst v3;
	v3 =	vld [tilespmem:s25+$0xFFFFFE40];
	_ =	sdelay $0x4  }
0x6b: {  	v3 =	vmul.f32 v3, v38;
	_ =	sdelay $0x1  }
0x6c: {  	[tilespmem:s25+$0xFFFFFE40] =	vst v3;
	v3 =	vld [tilespmem:s25+$0xFFFFFE50];
	_ =	sdelay $0x4  }
0x6d: {  	v3 =	vmul.f32 v3, v38;
	_ =	sdelay $0x1  }
0x6e: {  	[tilespmem:s25+$0xFFFFFE50] =	vst v3;
	v3 =	vld [tilespmem:s25+$0xFFFFFE60];
	_ =	sdelay $0x2  }
0x6f: {  	v39 =	vbroadcast v1, $0x2;
	_ =	sdelay $0x1  }
0x70: {  	v3 =	vmul.f32 v3, v39;
	_ =	sdelay $0x1  }
0x71: {  	[tilespmem:s25+$0xFFFFFE60] =	vst v3;
	v3 =	vld [tilespmem:s25+$0xFFFFFE70];
	_ =	sdelay $0x2  }
0x72: {  	v40 =	vbroadcast v2, $0x3;
	_ =	sdelay $0x1  }
0x73: {  	v3 =	vmul.f32 v3, v40;
	_ =	sdelay $0x1  }
0x74: {  	[tilespmem:s25+$0xFFFFFE70] =	vst v3;
	v3 =	vld [tilespmem:s25+$0xFFFFFE80];
	_ =	sdelay $0x4  }
0x75: {  	v3 =	vmul.f32 v3, v40;
	_ =	sdelay $0x1  }
0x76: {  	[tilespmem:s25+$0xFFFFFE80] =	vst v3;
	v3 =	vld [tilespmem:s25+$0xFFFFFE90];
	_ =	sdelay $0x4  }
0x77: {  	v3 =	vmul.f32 v3, v40;
	_ =	sdelay $0x1  }
0x78: {  	[tilespmem:s25+$0xFFFFFE90] =	vst v3;
	v3 =	vld [tilespmem:s25+$0xFFFFFEA0];
	_ =	sdelay $0x4  }
0x79: {  	v3 =	vmul.f32 v3, v40;
	_ =	sdelay $0x1  }
0x7a: {  	[tilespmem:s25+$0xFFFFFEA0] =	vst v3;
	v3 =	vld [tilespmem:s25+$0xFFFFFEB0];
	_ =	sdelay $0x2  }
0x7b: {  	v41 =	vbroadcast v1, $0x3;
	_ =	sdelay $0x1  }
0x7c: {  	v3 =	vmul.f32 v3, v41;
	_ =	sdelay $0x1  }
0x7d: {  	[tilespmem:s25+$0xFFFFFEB0] =	vst v3;
	v3 =	vld [tilespmem:s25+$0xFFFFFEC0];
	_ =	sdelay $0x2  }
0x7e: {  	v42 =	vbroadcast v2, $0x4;
	_ =	sdelay $0x1  }
0x7f: {  	v3 =	vmul.f32 v3, v42;
	_ =	sdelay $0x1  }
0x80: {  	[tilespmem:s25+$0xFFFFFEC0] =	vst v3;
	v3 =	vld [tilespmem:s25+$0xFFFFFED0];
	_ =	sdelay $0x4  }
0x81: {  	v3 =	vmul.f32 v3, v42;
	_ =	sdelay $0x1  }
0x82: {  	[tilespmem:s25+$0xFFFFFED0] =	vst v3;
	v3 =	vld [tilespmem:s25+$0xFFFFFEE0];
	_ =	sdelay $0x4  }
0x83: {  	v3 =	vmul.f32 v3, v42;
	_ =	sdelay $0x1  }
0x84: {  	[tilespmem:s25+$0xFFFFFEE0] =	vst v3;
	v3 =	vld [tilespmem:s25+$0xFFFFFEF0];
	_ =	sdelay $0x4  }
0x85: {  	v3 =	vmul.f32 v3, v42;
	_ =	sdelay $0x1  }
0x86: {  	[tilespmem:s25+$0xFFFFFEF0] =	vst v3;
	v3 =	vld [tilespmem:s25+$0xFFFFFF00];
	_ =	sdelay $0x2  }
0x87: {  	v43 =	vbroadcast v1, $0x4;
	_ =	sdelay $0x1  }
0x88: {  	v3 =	vmul.f32 v3, v43;
	_ =	sdelay $0x1  }
0x89: {  	[tilespmem:s25+$0xFFFFFF00] =	vst v3;
	v3 =	vld [tilespmem:s25+$0xFFFFFF10];
	_ =	sdelay $0x2  }
0x8a: {  	v44 =	vbroadcast v2, $0x5;
	_ =	sdelay $0x1  }
0x8b: {  	v3 =	vmul.f32 v3, v44;
	_ =	sdelay $0x1  }
0x8c: {  	[tilespmem:s25+$0xFFFFFF10] =	vst v3;
	v3 =	vld [tilespmem:s25+$0xFFFFFF20];
	_ =	sdelay $0x4  }
0x8d: {  	v3 =	vmul.f32 v3, v44;
	_ =	sdelay $0x1  }
0x8e: {  	[tilespmem:s25+$0xFFFFFF20] =	vst v3;
	v3 =	vld [tilespmem:s25+$0xFFFFFF30];
	_ =	sdelay $0x4  }
0x8f: {  	v3 =	vmul.f32 v3, v44;
	_ =	sdelay $0x1  }
0x90: {  	[tilespmem:s25+$0xFFFFFF30] =	vst v3;
	v3 =	vld [tilespmem:s25+$0xFFFFFF40];
	_ =	sdelay $0x4  }
0x91: {  	v3 =	vmul.f32 v3, v44;
	_ =	sdelay $0x1  }
0x92: {  	[tilespmem:s25+$0xFFFFFF40] =	vst v3;
	v3 =	vld [tilespmem:s25+$0xFFFFFF50];
	_ =	sdelay $0x2  }
0x93: {  	v45 =	vbroadcast v1, $0x5;
	_ =	sdelay $0x1  }
0x94: {  	v3 =	vmul.f32 v3, v45;
	_ =	sdelay $0x1  }
0x95: {  	[tilespmem:s25+$0xFFFFFF50] =	vst v3;
	v3 =	vld [tilespmem:s25+$0xFFFFFF60];
	_ =	sdelay $0x2  }
0x96: {  	v46 =	vbroadcast v2, $0x6;
	_ =	sdelay $0x1  }
0x97: {  	v3 =	vmul.f32 v3, v46;
	_ =	sdelay $0x1  }
0x98: {  	[tilespmem:s25+$0xFFFFFF60] =	vst v3;
	v3 =	vld [tilespmem:s25+$0xFFFFFF70];
	_ =	sdelay $0x4  }
0x99: {  	v3 =	vmul.f32 v3, v46;
	_ =	sdelay $0x1  }
0x9a: {  	[tilespmem:s25+$0xFFFFFF70] =	vst v3;
	v3 =	vld [tilespmem:s25+$0xFFFFFF80];
	_ =	sdelay $0x4  }
0x9b: {  	v3 =	vmul.f32 v3, v46;
	_ =	sdelay $0x1  }
0x9c: {  	[tilespmem:s25+$0xFFFFFF80] =	vst v3;
	v3 =	vld [tilespmem:s25+$0xFFFFFF90];
	_ =	sdelay $0x4  }
0x9d: {  	v3 =	vmul.f32 v3, v46;
	_ =	sdelay $0x1  }
0x9e: {  	[tilespmem:s25+$0xFFFFFF90] =	vst v3;
	v3 =	vld [tilespmem:s25+$0xFFFFFFA0];
	_ =	sdelay $0x2  }
0x9f: {  	v47 =	vbroadcast v1, $0x6;
	_ =	sdelay $0x1  }
0xa0: {  	v3 =	vmul.f32 v3, v47;
	_ =	sdelay $0x1  }
0xa1: {  	[tilespmem:s25+$0xFFFFFFA0] =	vst v3;
	v3 =	vld [tilespmem:s25+$0xFFFFFFB0];
	_ =	sdelay $0x2  }
0xa2: {  	v48 =	vbroadcast v2, $0x7;
	_ =	sdelay $0x1  }
0xa3: {  	v3 =	vmul.f32 v3, v48;
	_ =	sdelay $0x1  }
0xa4: {  	[tilespmem:s25+$0xFFFFFFB0] =	vst v3;
	v3 =	vld [tilespmem:s25+$0xFFFFFFC0];
	_ =	sdelay $0x4  }
0xa5: {  	v3 =	vmul.f32 v3, v48;
	_ =	sdelay $0x1  }
0xa6: {  	[tilespmem:s25+$0xFFFFFFC0] =	vst v3;
	v3 =	vld [tilespmem:s25+$0xFFFFFFD0];
	_ =	sdelay $0x4  }
0xa7: {  	v3 =	vmul.f32 v3, v48;
	_ =	sdelay $0x1  }
0xa8: {  	[tilespmem:s25+$0xFFFFFFD0] =	vst v3;
	v3 =	vld [tilespmem:s25+$0xFFFFFFE0];
	_ =	sdelay $0x4  }
0xa9: {  	v3 =	vmul.f32 v3, v48;
	_ =	sdelay $0x1  }
0xaa: {  	[tilespmem:s25+$0xFFFFFFE0] =	vst v3;
	v3 =	vld [tilespmem:s25+$0xFFFFFFF0];
	_ =	sdelay $0x2  }
0xab: {  	v49 =	vbroadcast v1, $0x7;
	_ =	sdelay $0x1  }
0xac: {  	v3 =	vmul.f32 v3, v49;
	_ =	sdelay $0x1  }
0xad: {  	[tilespmem:s25+$0xFFFFFFF0] =	vst v3;
	v3 =	vld [tilespmem:s25+$0x0];
	_ =	sdelay $0x2  }
0xae: {  	v50 =	vbroadcast v2, $0x8;
	_ =	sdelay $0x1  }
0xaf: {  	v3 =	vmul.f32 v3, v50;
	_ =	sdelay $0x1  }
0xb0: {  	[tilespmem:s25+$0x0] =	vst v3;
	v3 =	vld [tilespmem:s25+$0x10];
	_ =	sdelay $0x4  }
0xb1: {  	v3 =	vmul.f32 v3, v50;
	_ =	sdelay $0x1  }
0xb2: {  	[tilespmem:s25+$0x10] =	vst v3;
	v3 =	vld [tilespmem:s25+$0x20];
	_ =	sdelay $0x4  }
0xb3: {  	v3 =	vmul.f32 v3, v50;
	_ =	sdelay $0x1  }
0xb4: {  	[tilespmem:s25+$0x20] =	vst v3;
	v3 =	vld [tilespmem:s25+$0x30];
	_ =	sdelay $0x4  }
0xb5: {  	v3 =	vmul.f32 v3, v50;
	_ =	sdelay $0x1  }
0xb6: {  	[tilespmem:s25+$0x30] =	vst v3;
	v3 =	vld [tilespmem:s25+$0x40];
	_ =	sdelay $0x2  }
0xb7: {  	v51 =	vbroadcast v1, $0x8;
	_ =	sdelay $0x1  }
0xb8: {  	v3 =	vmul.f32 v3, v51;
	_ =	sdelay $0x1  }
0xb9: {  	[tilespmem:s25+$0x40] =	vst v3;
	v3 =	vld [tilespmem:s25+$0x50];
	_ =	sdelay $0x2  }
0xba: {  	v52 =	vbroadcast v2, $0x9;
	_ =	sdelay $0x1  }
0xbb: {  	v3 =	vmul.f32 v3, v52;
	_ =	sdelay $0x1  }
0xbc: {  	[tilespmem:s25+$0x50] =	vst v3;
	v3 =	vld [tilespmem:s25+$0x60];
	_ =	sdelay $0x4  }
0xbd: {  	v3 =	vmul.f32 v3, v52;
	_ =	sdelay $0x1  }
0xbe: {  	[tilespmem:s25+$0x60] =	vst v3;
	v3 =	vld [tilespmem:s25+$0x70];
	_ =	sdelay $0x4  }
0xbf: {  	v3 =	vmul.f32 v3, v52;
	_ =	sdelay $0x1  }
0xc0: {  	[tilespmem:s25+$0x70] =	vst v3;
	v3 =	vld [tilespmem:s25+$0x80];
	_ =	sdelay $0x4  }
0xc1: {  	v3 =	vmul.f32 v3, v52;
	_ =	sdelay $0x1  }
0xc2: {  	[tilespmem:s25+$0x80] =	vst v3;
	v3 =	vld [tilespmem:s25+$0x90];
	_ =	sdelay $0x2  }
0xc3: {  	v53 =	vbroadcast v1, $0x9;
	_ =	sdelay $0x1  }
0xc4: {  	v3 =	vmul.f32 v3, v53;
	_ =	sdelay $0x1  }
0xc5: {  	[tilespmem:s25+$0x90] =	vst v3;
	v3 =	vld [tilespmem:s25+$0xA0];
	_ =	sdelay $0x2  }
0xc6: {  	v54 =	vbroadcast v2, $0xA;
	_ =	sdelay $0x1  }
0xc7: {  	v3 =	vmul.f32 v3, v54;
	_ =	sdelay $0x1  }
0xc8: {  	[tilespmem:s25+$0xA0] =	vst v3;
	v3 =	vld [tilespmem:s25+$0xB0];
	_ =	sdelay $0x4  }
0xc9: {  	v3 =	vmul.f32 v3, v54;
	_ =	sdelay $0x1  }
0xca: {  	[tilespmem:s25+$0xB0] =	vst v3;
	v3 =	vld [tilespmem:s25+$0xC0];
	_ =	sdelay $0x4  }
0xcb: {  	v3 =	vmul.f32 v3, v54;
	_ =	sdelay $0x1  }
0xcc: {  	[tilespmem:s25+$0xC0] =	vst v3;
	v3 =	vld [tilespmem:s25+$0xD0];
	_ =	sdelay $0x4  }
0xcd: {  	v3 =	vmul.f32 v3, v54;
	_ =	sdelay $0x1  }
0xce: {  	[tilespmem:s25+$0xD0] =	vst v3;
	v3 =	vld [tilespmem:s25+$0xE0];
	_ =	sdelay $0x2  }
0xcf: {  	v55 =	vbroadcast v1, $0xA;
	_ =	sdelay $0x1  }
0xd0: {  	v3 =	vmul.f32 v3, v55;
	_ =	sdelay $0x1  }
0xd1: {  	[tilespmem:s25+$0xE0] =	vst v3;
	v3 =	vld [tilespmem:s25+$0xF0];
	_ =	sdelay $0x2  }
0xd2: {  	v56 =	vbroadcast v2, $0xB;
	_ =	sdelay $0x1  }
0xd3: {  	v3 =	vmul.f32 v3, v56;
	_ =	sdelay $0x1  }
0xd4: {  	[tilespmem:s25+$0xF0] =	vst v3;
	v3 =	vld [tilespmem:s25+$0x100];
	_ =	sdelay $0x4  }
0xd5: {  	v3 =	vmul.f32 v3, v56;
	_ =	sdelay $0x1  }
0xd6: {  	[tilespmem:s25+$0x100] =	vst v3;
	v3 =	vld [tilespmem:s25+$0x110];
	_ =	sdelay $0x4  }
0xd7: {  	v3 =	vmul.f32 v3, v56;
	_ =	sdelay $0x1  }
0xd8: {  	[tilespmem:s25+$0x110] =	vst v3;
	v3 =	vld [tilespmem:s25+$0x120];
	_ =	sdelay $0x4  }
0xd9: {  	v3 =	vmul.f32 v3, v56;
	_ =	sdelay $0x1  }
0xda: {  	[tilespmem:s25+$0x120] =	vst v3;
	v3 =	vld [tilespmem:s25+$0x130];
	_ =	sdelay $0x2  }
0xdb: {  	v57 =	vbroadcast v1, $0xB;
	_ =	sdelay $0x1  }
0xdc: {  	v3 =	vmul.f32 v3, v57;
	_ =	sdelay $0x1  }
0xdd: {  	[tilespmem:s25+$0x130] =	vst v3;
	v3 =	vld [tilespmem:s25+$0x140];
	_ =	sdelay $0x2  }
0xde: {  	v58 =	vbroadcast v2, $0xC;
	_ =	sdelay $0x1  }
0xdf: {  	v3 =	vmul.f32 v3, v58;
	_ =	sdelay $0x1  }
0xe0: {  	[tilespmem:s25+$0x140] =	vst v3;
	v3 =	vld [tilespmem:s25+$0x150];
	_ =	sdelay $0x4  }
0xe1: {  	v3 =	vmul.f32 v3, v58;
	_ =	sdelay $0x1  }
0xe2: {  	[tilespmem:s25+$0x150] =	vst v3;
	v3 =	vld [tilespmem:s25+$0x160];
	_ =	sdelay $0x4  }
0xe3: {  	v3 =	vmul.f32 v3, v58;
	_ =	sdelay $0x1  }
0xe4: {  	[tilespmem:s25+$0x160] =	vst v3;
	v3 =	vld [tilespmem:s25+$0x170];
	_ =	sdelay $0x4  }
0xe5: {  	v3 =	vmul.f32 v3, v58;
	_ =	sdelay $0x1  }
0xe6: {  	[tilespmem:s25+$0x170] =	vst v3;
	v3 =	vld [tilespmem:s25+$0x180];
	_ =	sdelay $0x2  }
0xe7: {  	v59 =	vbroadcast v1, $0xC;
	_ =	sdelay $0x1  }
0xe8: {  	v3 =	vmul.f32 v3, v59;
	_ =	sdelay $0x1  }
0xe9: {  	[tilespmem:s25+$0x180] =	vst v3;
	v3 =	vld [tilespmem:s25+$0x190];
	_ =	sdelay $0x2  }
0xea: {  	v60 =	vbroadcast v2, $0xD;
	_ =	sdelay $0x1  }
0xeb: {  	v3 =	vmul.f32 v3, v60;
	_ =	sdelay $0x1  }
0xec: {  	[tilespmem:s25+$0x190] =	vst v3;
	v3 =	vld [tilespmem:s25+$0x1A0];
	_ =	sdelay $0x4  }
0xed: {  	v3 =	vmul.f32 v3, v60;
	_ =	sdelay $0x1  }
0xee: {  	[tilespmem:s25+$0x1A0] =	vst v3;
	v3 =	vld [tilespmem:s25+$0x1B0];
	_ =	sdelay $0x4  }
0xef: {  	v3 =	vmul.f32 v3, v60;
	_ =	sdelay $0x1  }
0xf0: {  	[tilespmem:s25+$0x1B0] =	vst v3;
	v3 =	vld [tilespmem:s25+$0x1C0];
	_ =	sdelay $0x4  }
0xf1: {  	v3 =	vmul.f32 v3, v60;
	_ =	sdelay $0x1  }
0xf2: {  	[tilespmem:s25+$0x1C0] =	vst v3;
	v3 =	vld [tilespmem:s25+$0x1D0];
	_ =	sdelay $0x2  }
0xf3: {  	v61 =	vbroadcast v1, $0xD;
	_ =	sdelay $0x1  }
0xf4: {  	v3 =	vmul.f32 v3, v61;
	_ =	sdelay $0x1  }
0xf5: {  	[tilespmem:s25+$0x1D0] =	vst v3;
	v3 =	vld [tilespmem:s25+$0x1E0];
	_ =	sdelay $0x2  }
0xf6: {  	v62 =	vbroadcast v2, $0xE;
	_ =	sdelay $0x1  }
0xf7: {  	v3 =	vmul.f32 v3, v62;
	_ =	sdelay $0x1  }
0xf8: {  	[tilespmem:s25+$0x1E0] =	vst v3;
	v3 =	vld [tilespmem:s25+$0x1F0];
	_ =	sdelay $0x4  }
0xf9: {  	v3 =	vmul.f32 v3, v62;
	_ =	sdelay $0x1  }
0xfa: {  	[tilespmem:s25+$0x1F0] =	vst v3;
	v3 =	vld [tilespmem:s25+$0x200];
	_ =	sdelay $0x4  }
0xfb: {  	v3 =	vmul.f32 v3, v62;
	_ =	sdelay $0x1  }
0xfc: {  	[tilespmem:s25+$0x200] =	vst v3;
	v3 =	vld [tilespmem:s25+$0x210];
	_ =	sdelay $0x4  }
0xfd: {  	v3 =	vmul.f32 v3, v62;
	_ =	sdelay $0x1  }
0xfe: {  	[tilespmem:s25+$0x210] =	vst v3;
	v3 =	vld [tilespmem:s25+$0x220];
	_ =	sdelay $0x2  }
0xff: {  	v63 =	vbroadcast v1, $0xE;
	_ =	sdelay $0x1  }
0x100: {  	v3 =	vmul.f32 v3, v63;
	_ =	sdelay $0x1  }
0x101: {  	[tilespmem:s25+$0x220] =	vst v3;
	v3 =	vld [tilespmem:s25+$0x230];
	_ =	sdelay $0x2  }
0x102: {  	v2 =	vbroadcast v2, $0xF;
	_ =	sdelay $0x1  }
0x103: {  	v3 =	vmul.f32 v3, v2;
	_ =	sdelay $0x1  }
0x104: {  	[tilespmem:s25+$0x230] =	vst v3;
	v3 =	vld [tilespmem:s25+$0x240];
	_ =	sdelay $0x4  }
0x105: {  	v3 =	vmul.f32 v3, v2;
	_ =	sdelay $0x1  }
0x106: {  	[tilespmem:s25+$0x240] =	vst v3;
	v3 =	vld [tilespmem:s25+$0x250];
	_ =	sdelay $0x4  }
0x107: {  	v3 =	vmul.f32 v3, v2;
	_ =	sdelay $0x1  }
0x108: {  	[tilespmem:s25+$0x250] =	vst v3;
	v3 =	vld [tilespmem:s25+$0x260];
	_ =	sdelay $0x4  }
0x109: {  	v2 =	vmul.f32 v3, v2;
	_ =	sdelay $0x1  }
0x10a: {  	[tilespmem:s25+$0x260] =	vst v2;
	v2 =	vld [tilespmem:s25+$0x270];
	_ =	sdelay $0x1  }
0x10b: {  	p0 =	sne.s32 s26, $0x100  }
.Ltmp2:
0x10c: {  	v1 =	vbroadcast v1, $0xF;
	(pc) =	sbr.rel @p0 .LBB2_7-.Ltmp2, $3  }
0x10d: {  	_ = 	snop  }
0x10e: {  	v1 =	vmul.f32 v2, v1;
	_ =	sdelay $0x1  }
0x10f: {  	s26 =	sadd.s32 $0x40, s26;
	[tilespmem:s25+$0x270] =	vst v1;
	s25 =	sadd.s32 $0x500, s25  }
0x110: {  	s24 =	sadd.s32 $0x1, s24  }
0x111: {  	p0 =	sne.s32 s24, $0x7D  }
.Ltmp3:
0x112: {  	_ = 	snop;
	(pc) =	sbr.rel @p0 .LBB2_6-.Ltmp3, $4  }
0x113: {  	[spmem:s2] =	stream.indirect.scatter.add.f32 [tilespmem:s15], [sflag:$0x2], $0x50, s17, s19, $0xb8;
	[tilespmem:$0x12B60] =	vst v63  }
0x114: {  	_ =	swait.ge [sflag:s14], $0x1900  }
0x115: {  	[sflag:s14] =	ssyncset.done $0x0  }
0x116: {  	[sflag:s14] =	ssyncadd.s32 $0xFFFFE700  }
0x117: {  	s22 =	sadd.s32 $0x1, s22  }
0x118: {  	s23 =	sshll.u32 s3, $0x6;
	p0 =	sne.s32 s22, s11  }
.Ltmp4:
0x119: {  	[bflag:$0x0] =	sbarrier.arrive $0xFFFF;
	s23 =	sor.u32 $0x1C02, s23;
	(pc) =	sbr.rel @p0 .LBB2_1-.Ltmp4, $4  }
0x11a: {  	[hbm:s10], [sflag:s23] =	dma.local [spmem:s21], $0x186A  }
0x11b: {  	_ =	swait.ge [sflag:s14], $0x186A  }
0x11c: {  	[sflag:s14] =	ssyncset.done $0x0  }
0x11d: {  	[sflag:s14] =	ssyncadd.s32 $0xFFFFE796  }
0x11e: {  	_ =	sfence.sel $0x180000  }
0x11f: {  	[bflag:$0x0] =	sbarrier.arrive $0xFFFF  }
0x120: {  	p0 =	sne.s32 s3, $0x0;
	_ =	strace $0x9000004A  }
0x121: {  	s0 =	sadd.s32 @!p0 $0x100000, s0;
	[bflag:$0x2] =	sbarrier.arrive $0xFFFF  }
0x122: {  	[sflag:s0] =	ssyncadd.tile.s32 @!p0 $0x1;
	_ =	shalt  }
.Lfunc_end2:
_tile_overlayer_lowered:
.L_overlay_start_2:
0x123: {  	(tag) =	ssettag $0x2  }
0x124: {  	s0 =	rddreg [dreg:$0x0];
	s2 =	stileid.u32  }
0x125: {  	s1 =	rddreg [dreg:$0x1];
	p0 =	sne.s32 s2, $0x0  }
0x126: {  	s3 =	rddreg [dreg:$0x2];
	[bflag:$0x3] =	sbarrier.arrive $0xFFFF;
	s2 =	simm.s32 @!p0 $0x1C02  }
0x127: {  	[timem:s3], [sflag:s2] =	dma.local @!p0 [hbm:s0], s1  }
0x128: {  	s0 =	simm.s32 @!p0 $0x2  }
0x129: {  	_ =	swait.ge @!p0 [sflag:s0], s1  }
0x12a: {  	s1 =	ssub.s32 @!p0 $0x0, s1;
	[sflag:s0] =	ssyncset.done @!p0 $0x0  }
0x12b: {  	[sflag:s0] =	ssyncadd.s32 @!p0 s1  }
0x12c: {  	[bflag:$0x3] =	sbarrier.arrive $0xFFFF  }
0x12d: {  	_ =	shalt  }

// kernel: kernel.7.cloned.1.call-start
scs
__scs_entry_jumppad:
0x0: {  	(pc) =	sbr.rel $0x88, $3  }
0x1: {  	(tag) =	ssettag $0x0;
	lr =	simm.s32 $0x1  }
0x2: {  	[smem:$0x3F91] =	sst lr;
	_ =	strace $0xD0000000  }
0x3: {  	_ = 	snop  }
0x4: {  	_ = 	snop  }
0x5: {  	_ = 	snop  }
0x6: {  	_ = 	snop  }
0x7: {  	_ = 	snop  }
__scs_overlays_trampoline_lowered:
0x8: {  	[smem:$0x3FA0] =	sst s0  }
0x9: {  	[smem:$0x3FA1] =	sst s1  }
0xa: {  	[smem:$0x3FA2] =	sst s2  }
0xb: {  	[smem:$0x3FA3] =	sst s3  }
0xc: {  	[smem:$0x3FA4] =	sst s4  }
0xd: {  	[smem:$0x3FA5] =	sst s5  }
0xe: {  	[smem:$0x3FA6] =	sst s6  }
0xf: {  	[smem:$0x3FA7] =	sst s7  }
0x10: {  	[smem:$0x3FA8] =	sst s8  }
0x11: {  	[smem:$0x3FA9] =	sst s9;
	s0 =	simm.s32 @!p0 $0x0  }
0x12: {  	s1 =	sld [smem:$0x3F8F];
	s0 =	simm.s32 @p0 $0x1  }
0x13: {  	[smem:$0x3FAA] =	sst s0;
	s0 =	simm.s32 @!p1 $0x0  }
0x14: {  	s2 =	sld [smem:$0x3F8E];
	s0 =	simm.s32 @p1 $0x1  }
0x15: {  	[smem:$0x3FAB] =	sst s0;
	s0 =	simm.s32 @!p2 $0x0  }
0x16: {  	s3 =	sld [smem:$0x3FDB];
	s0 =	simm.s32 @p2 $0x1  }
0x17: {  	s4 =	simm.s32 $0x1BF5;
	[smem:$0x3FAD] =	sst s0  }
0x18: {  	s0 =	sld [smem:$0x3F90];
	_ =	swait.ge [sflag:s4], $0x0  }
0x19: {  	s7 =	sld [smem:$0x3F91]  }
0x1a: {  	s8 =	sadd.s32 $0xFFFFE003, lr  }
0x1b: {  	s9 =	sadd.s32 $0xFFFFFEF7, lr;
	s5 =	simm.s32 $0xFFFFFFFF;
	p2 =	slt.u32 s8, $0xFFFFF086  }
0x1c: {  	p1 =	slt.u32 s9, $0xF7A;
	s5 =	simm.s32 @!p2 $0x0  }
0x1d: {  	s5 =	simm.s32 @p1 $0x1;
	p0 =	seq.s32 s7, s2  }
0x1e: {  	s7 =	smul.u32 @!p0 $0xF7A, s2;
	p2 =	seq.s32 @!p0 s5, $0x0  }
0x1f: {  	s9 =	smul.u32 $0xF7A, s1;
	s8 =	simm.s32 @!p0 $0x1BF5;
	p2 =	por !p2, p0  }
0x20: {  	[sflag:s8] =	ssyncset.s32 @!p0 $0xFFFFF086;
	s6 =	sadd.s32 @!p0 s3, s7;
	s7 =	simm.s32 @!p0 $0x108  }
0x21: {  	s3 =	sadd.s32 s3, s9;
	s6 =	sadd.s32 @!p0 $0x88, s6;
	s7 =	simm.s32 @p2 $0x1082  }
0x22: {  	[simem:s7], [sflag:s8] =	dma.local @!p0 [hbm:s6], $0xF7A  }
0x23: {  	s9 =	sor.u32 $0xD0000000, s2;
	s6 =	simm.s32 $0x108;
	_ =	swait.ge @!p0 [sflag:s8], $0x0  }
0x24: {  	s3 =	sadd.s32 $0x88, s3;
	s6 =	simm.s32 @!p1 $0x1082;
	[sflag:s4] =	ssyncset.s32 $0xFFFFF086  }
0x25: {  	[simem:s6], [sflag:s4] =	dma.local [hbm:s3], $0xF7A  }
0x26: {  	[smem:$0x3F91] =	sst s1;
	(tag) =	ssettag s2;
	_ =	strace s9  }
0x27: {  	s1 =	sld [smem:$0x3FA1]  }
0x28: {  	s2 =	sld [smem:$0x3FA2]  }
0x29: {  	s4 =	sld [smem:$0x3FA4]  }
0x2a: {  	p0 =	seq.s32 s5, $0x0;
	s5 =	sld [smem:$0x3FA5]  }
0x2b: {  	s6 =	sld [smem:$0x3FA6]  }
0x2c: {  	s7 =	sld [smem:$0x3FA7]  }
0x2d: {  	s3 =	simm.s32 $0x108;
	s8 =	sld [smem:$0x3FA8]  }
0x2e: {  	s3 =	simm.s32 @!p0 $0x1082;
	s9 =	sld [smem:$0x3FA9]  }
0x2f: {  	lr =	sadd.s32 s0, s3;
	s0 =	sld [smem:$0x3FA0]  }
0x30: {  	s3 =	sld [smem:$0x3FA3]  }
0x31: {  	[smem:$0x3FAC] =	sst s10  }
0x32: {  	s10 =	sld [smem:$0x3FAA];
	_ =	sdelay $0x3  }
0x33: {  	p0 =	seq.s32 s10, $0x1;
	s10 =	sld [smem:$0x3FAC];
	_ =	sdelay $0x3  }
0x34: {  	[smem:$0x3FAC] =	sst s10  }
0x35: {  	s10 =	sld [smem:$0x3FAB];
	_ =	sdelay $0x3  }
0x36: {  	p1 =	seq.s32 s10, $0x1;
	s10 =	sld [smem:$0x3FAC];
	_ =	sdelay $0x3  }
0x37: {  	[smem:$0x3FAC] =	sst s10  }
0x38: {  	s10 =	sld [smem:$0x3FAD]  }
0x39: {  	_ = 	snop;
	(pc) =	sbr.ind lr, $3  }
0x3a: {  	_ = 	snop  }
0x3b: {  	_ = 	snop  }
0x3c: {  	p2 =	seq.s32 s10, $0x1;
	s10 =	sld [smem:$0x3FAC]  }
0x3d: {  	_ =	shalt  }
0x3e: {  	_ =	shalt  }
0x3f: {  	_ =	shalt  }
0x40: {  	_ =	shalt  }
0x41: {  	_ =	shalt  }
0x42: {  	_ =	shalt  }
0x43: {  	_ =	shalt  }
0x44: {  	_ =	shalt  }
0x45: {  	_ =	shalt  }
0x46: {  	_ =	shalt  }
0x47: {  	_ =	shalt  }
0x48: {  	_ =	shalt  }
0x49: {  	_ =	shalt  }
0x4a: {  	_ =	shalt  }
0x4b: {  	_ =	shalt  }
0x4c: {  	_ =	shalt  }
0x4d: {  	_ =	shalt  }
0x4e: {  	_ =	shalt  }
0x4f: {  	_ =	shalt  }
0x50: {  	_ =	shalt  }
0x51: {  	_ =	shalt  }
0x52: {  	_ =	shalt  }
0x53: {  	_ =	shalt  }
0x54: {  	_ =	shalt  }
0x55: {  	_ =	shalt  }
0x56: {  	_ =	shalt  }
0x57: {  	_ =	shalt  }
0x58: {  	_ =	shalt  }
0x59: {  	_ =	shalt  }
0x5a: {  	_ =	shalt  }
0x5b: {  	_ =	shalt  }
0x5c: {  	_ =	shalt  }
0x5d: {  	_ =	shalt  }
0x5e: {  	_ =	shalt  }
0x5f: {  	_ =	shalt  }
0x60: {  	_ =	shalt  }
0x61: {  	_ =	shalt  }
0x62: {  	_ =	shalt  }
0x63: {  	_ =	shalt  }
0x64: {  	_ =	shalt  }
0x65: {  	_ =	shalt  }
0x66: {  	_ =	shalt  }
0x67: {  	_ =	shalt  }
0x68: {  	_ =	shalt  }
0x69: {  	_ =	shalt  }
0x6a: {  	_ =	shalt  }
0x6b: {  	_ =	shalt  }
0x6c: {  	_ =	shalt  }
0x6d: {  	_ =	shalt  }
0x6e: {  	_ =	shalt  }
0x6f: {  	_ =	shalt  }
0x70: {  	_ =	shalt  }
0x71: {  	_ =	shalt  }
0x72: {  	_ =	shalt  }
0x73: {  	_ =	shalt  }
0x74: {  	_ =	shalt  }
0x75: {  	_ =	shalt  }
0x76: {  	_ =	shalt  }
0x77: {  	_ =	shalt  }
0x78: {  	_ =	shalt  }
0x79: {  	_ =	shalt  }
0x7a: {  	_ =	shalt  }
0x7b: {  	_ =	shalt  }
0x7c: {  	_ =	shalt  }
0x7d: {  	_ =	shalt  }
0x7e: {  	_ =	shalt  }
0x7f: {  	_ =	shalt  }
0x80: {  	_ =	shalt  }
0x81: {  	_ =	shalt  }
0x82: {  	_ =	shalt  }
0x83: {  	_ =	shalt  }
0x84: {  	_ =	shalt  }
0x85: {  	_ =	shalt  }
0x86: {  	_ =	shalt  }
0x87: {  	_ =	shalt  }
.Lfunc_end0:
.L_simem_size_0:
called_computation_lowered:
.L_overlay_start_0:
0x88: {  	s2 =	sld [smem:$0x3FD9]  }
0x89: {  	s3 =	sld [smem:$0x3FFE];
	_ =	sdelay $0x1  }
0x8a: {  	s1 =	srdreg.scid  }
0x8b: {  	s0 =	sand.u32 $0x1, s1  }
0x8c: {  	s17 =	sshll.u32 s0, $0xA;
	s2 =	sadd.s32 s3, s2  }
0x8d: {  	s2 =	sadd.s32 s2, s17  }
0x8e: {  	[smem:$0x3FB8] =	sst s2  }
0x8f: {  	_ = 	snop  }
0x90: {  	s2 =	sld [smem:$0x3FC7];
	(tm) =	ssettm $0x1  }
0x91: {  	s18 =	sld [smem:$0x3FFB];
	_ =	sdelay $0x3  }
0x92: {  	_ =	strace s18  }
0x93: {  	s3 =	sld [smem:$0x3FFC];
	_ =	sdelay $0x3  }
0x94: {  	_ =	strace s3  }
0x95: {  	s3 =	sld [smem:$0x3FFD];
	_ =	sdelay $0x3  }
0x96: {  	_ =	strace s3  }
0x97: {  	_ =	strace $0x8FFFFFFF  }
0x98: {  	s19 =	sld [smem:$0x3FDB];
	_ =	sdelay $0x1  }
0x99: {  	s4 =	simm.s32 $_scs_section_size  }
0x9a: {  	s5 =	simm.s32 $_size__tile_overlayer_lowered;
	s6 =	simm.s32 $_tile_overlayer_lowered  }
0x9b: {  	s22 =	simm.s32 $0x1BFF;
	s21 =	sshll.u32 s6, $0x1;
	s3 =	sadd.s32 s4, s19  }
0x9c: {  	s7 =	simm.s32 $0x0;
	s20 =	sshll.u32 s5, $0x1;
	s5 =	sadd.s32 s21, s3  }
0x9d: {  	[timem:s7], [sflag:s22] =	dma.local [hbm:s5], s20  }
0x9e: {  	_ =	swait.ge [sflag:s22], s20  }
0x9f: {  	s4 =	ssub.s32 $0x0, s20;
	[sflag:s22] =	ssyncset.done $0x0  }
0xa0: {  	[sflag:s22] =	ssyncadd.s32 s4;
	_ =	sdelay $0x1  }
0xa1: {  	s23 =	simm.s32 $0x1B8B  }
0xa2: {  	_ =	swait.ge [sflag:s23], $0x1  }
0xa3: {  	[sflag:s23] =	ssyncset.done $0x0  }
0xa4: {  	s25 =	simm.s32 $0x1B8E;
	s24 =	sld [smem:$0x3FFE];
	[sflag:s23] =	ssyncadd.s32 $0xFFFFFFFF  }
0xa5: {  	s26 =	simm.s32 $execute0_lowered;
	[smem:$0x3FD2] =	sst s25  }
0xa6: {  	s5 =	sshll.u32 s26, $0x1;
	_ =	strace $0x80000046;
	[dreg:$0x1] =	wrdreg $0xFFFFFFFF  }
0xa7: {  	s28 =	simm.s32 $_size_execute0_lowered;
	s3 =	sadd.s32 s3, s5;
	[dreg:$0x0] =	wrdreg $0x0  }
0xa8: {  	s5 =	sshll.u32 s28, $0x1;
	[dreg:$0x2] =	wrdreg s3  }
0xa9: {  	[dreg:$0x3] =	wrdreg s5  }
0xaa: {  	[dreg:$0x4] =	wrdreg $0xC0  }
0xab: {  	_ =	task [dreg:s7], $0x5FFFF  }
0xac: {  	[dreg:$0x1] =	wrdreg $0xFFFFFFFF  }
0xad: {  	[dreg:$0x0] =	wrdreg $0x60  }
0xae: {  	[dreg:$0x2] =	wrdreg s24  }
0xaf: {  	[dreg:$0x3] =	wrdreg s2  }
0xb0: {  	[dreg:$0x4] =	wrdreg $0x0  }
0xb1: {  	[dreg:$0x5] =	wrdreg $0x9  }
0xb2: {  	_ =	task.clear_ibuf [dreg:s7], $0x6FFFF;
	_ =	strace $0x90000046  }
0xb3: {  	s29 =	simm.s32 $0x9;
	_ =	strace $0x80000048  }
0xb4: {  	_ =	swait.ge [sflag:s29], $0x1  }
0xb5: {  	[sflag:s29] =	ssyncadd.s32 $0xFFFFFFFF  }
0xb6: {  	_ =	strace $0x90000048  }
0xb7: {  	_ =	sfence  }
0xb8: {  	s30 =	sld [smem:$0x0];
	_ =	sdelay $0x2  }
0xb9: {  	s31 =	sshll.u32 s1, $0xD;
	s1 =	sshrl.u32 s1, $0x2  }
0xba: {  	s3 =	sand.u32 $0x4000, s31;
	s1 =	sadd.s32 s1, s30  }
0xbb: {  	s0 =	sor.u32 s3, s0;
	s1 =	sshll.u32 s1, $0x11  }
0xbc: {  	s0 =	sor.u32 s1, s0  }
0xbd: {  	s0 =	sadd.s32 $0x8F2B, s0  }
0xbe: {  	[sflag:s0] =	ssyncadd.remote.s32 $0x1  }
0xbf: {  	_ =	sfence.sel $0xFFFF  }
0xc0: {  	[dreg:$0x0] =	wrdreg $0xFFFFFFFF;
	(pc) =	sbr.abs _section_cstart, $3  }
0xc1: {  	[dreg:$0x1] =	wrdreg $0xFFFFFFFF  }
0xc2: {  	_ =	task.clear_ibuf [dreg:s7], $0x2FFFF;
	_ =	strace $0x9FFFFFFF  }
0xc3: {  	(tm) =	ssettm $0x7FFFFFFF  }
tec
execute0_lowered:
.L_overlay_start_1:
0x0: {  	(tag) =	ssettag $0x1  }
0x1: {  	s9 =	rddreg [dreg:$0x0]  }
0x2: {  	s1 =	rddreg [dreg:$0x1]  }
0x3: {  	s2 =	rddreg [dreg:$0x2]  }
0x4: {  	s3 =	srdreg.scid;
	s0 =	rddreg [dreg:$0x3]  }
0x5: {  	s4 =	simm.s32 $0x0;
	s16 =	simm.s32 $0x11170;
	s17 =	simm.s32 $0x111C0  }
0x6: {  	s18 =	simm.s32 $0x11210;
	s19 =	simm.s32 $0x50;
	s20 =	simm.s32 $0x1  }
0x7: {  	s22 =	simm.s32 $0x0;
	s10 =	sand.u32 $0x1, s3;
	s3 =	stileid.u32  }
0x8: {  	[smem:$0x7FF] =	sst s4;
	s5 =	sadd.s32 $0x2000, s9;
	s6 =	sadd.s32 $0x1A800, s9  }
0x9: {  	s7 =	sadd.s32 $0x25000, s9;
	s8 =	sadd.s32 $0x1B200, s9;
	s11 =	smul.u32 $0xC3500, s10  }
0xa: {  	s12 =	smul.u32 $0xC350, s3;
	_ =	strace $0x80000047;
	s13 =	ssub.s32 $0x2, s10  }
0xb: {  	s14 =	sshll.u32 s3, $0x1;
	s30 =	smul.u32 $0x30D40, s3;
	s15 =	sshrl.u32 s13, $0x1  }
0xc: {  	s10 =	sor.u32 s10, s14;
	s14 =	simm.s32 $0x2;
	s11 =	sadd.s32 s12, s11  }
0xd: {  	s13 =	ssub.s32 s13, s15;
	s21 =	sadd.s32 s12, s2;
	s31 =	sshrl.u32 s30, $0x2  }
0xe: {  	s15 =	simm.s32 $0x11260;
	s11 =	sshrl.u32 s11, $0x3;
	s12 =	sadd.s32 s31, s2  }
0xf: {  	s21 =	sshrl.u32 s21, $0x3;
	s11 =	sadd.s32 s11, s9;
	s9 =	smul.u32 $0x2710, s10  }
0x10: {  	v0 =	vimm.f32 $0.0e+00;
	s10 =	sadd.s32 $0x2EE00, s11;
	s11 =	smax.u32 s13, $0x1;
	s13 =	simm.s32 $0xC350  }
.LBB2_1:
0x11: {  	[tilespmem:s13], [sflag:$0x2] =	stream.linear.gather [hbm4b:s6+s4], $0x4E20, $0x38;
	[tilespmem:$0x12B60] =	vst v63  }
0x12: {  	_ =	swait.ge [sflag:s14], $0x4E20  }
0x13: {  	[sflag:s14] =	ssyncset.done $0x0  }
0x14: {  	s24 =	simm.s32 $0x240;
	s23 =	simm.s32 $0x40;
	[sflag:s14] =	ssyncadd.s32 $0xFFFFB1E0  }
.LBB2_2:
0x15: {  	p0 =	sne.s32 s24, $0x63C0;
	[tilespmem:s23+$0x11260] =	vst v0;
	s25 =	smov.u32 s24;
	s24 =	sadd.s32 $0x140, s24  }
.Ltmp0:
0x16: {  	[tilespmem:s23+$0x11250] =	vst v0;
	(pc) =	sbr.rel @p0 .LBB2_2-.Ltmp0, $4  }
0x17: {  	[tilespmem:s23+$0x11240] =	vst v0  }
0x18: {  	[tilespmem:s23+$0x11220] =	vst v0  }
0x19: {  	[tilespmem:s23+$0x11230] =	vst v0  }
0x1a: {  	s23 =	sshra.s32 s25, $0x2  }
0x1b: {  	[tilespmem:s23+$0x11260] =	vst v0  }
0x1c: {  	[tilespmem:s23+$0x11250] =	vst v0  }
0x1d: {  	[tilespmem:s23+$0x11240] =	vst v0  }
0x1e: {  	[tilespmem:s23+$0x11220] =	vst v0  }
0x1f: {  	[tilespmem:s23+$0x11230] =	vst v0;
	s31 =	sadd.s32 $0x0, s12  }
0x20: {  	[spmem:s31] =	stream.linear.scatter [tilespmem:s15], [sflag:$0x2], $0x7D0, $0x38;
	[tilespmem:$0x12B60] =	vst v63  }
0x21: {  	s23 =	simm.s32 $0x1F40;
	_ =	swait.ge [sflag:s14], $0x7D0  }
.LBB2_4:
0x22: {  	s24 =	sshra.s32 s23, $0x2;
	[sflag:s14] =	ssyncset.done $0x0;
	p0 =	sne.s32 s23, $0x2EE00  }
.Ltmp1:
0x23: {  	s24 =	sadd.s32 s24, s12;
	[sflag:s14] =	ssyncadd.s32 $0xFFFFF830;
	(pc) =	sbr.rel @p0 .LBB2_4-.Ltmp1, $3  }
0x24: {  	[spmem:s24] =	stream.linear.scatter [tilespmem:s15], [sflag:$0x2], $0x7D0, $0x38;
	[tilespmem:$0x12B60] =	vst v63  }
0x25: {  	s23 =	sadd.s32 $0x1F40, s23;
	_ =	sdelay $0x1  }
0x26: {  	_ =	swait.ge [sflag:s14], $0x7D0  }
0x27: {  	[sflag:s14] =	ssyncset.done $0x0  }
0x28: {  	[sflag:s14] =	ssyncadd.s32 $0xFFFFF830  }
0x29: {  	s23 =	simm.s32 $0x0;
	s24 =	simm.s32 $0x0;
	[bflag:$0x0] =	sbarrier.arrive $0xFFFF  }
.LBB2_6:
0x2a: {  	s25 =	smul.u32 $0x50, s24;
	_ =	sdelay $0x1  }
0x2b: {  	s25 =	sadd.s32 s9, s25  }
0x2c: {  	s25 =	sshrl.u32 s25, $0x3  }
0x2d: {  	s26 =	sadd.s32 s7, s25  }
0x2e: {  	[tilespmem:s16], [sflag:$0x2] =	stream.linear.gather [hbm4b:s26+s23], $0x50, $0x38;
	[tilespmem:$0x12B60] =	vst v63  }
0x2f: {  	_ =	swait.ge [sflag:s14], $0x50  }
0x30: {  	[sflag:s14] =	ssyncset.done $0x0  }
0x31: {  	s31 =	sadd.s32 s8, s25;
	[sflag:s14] =	ssyncadd.s32 $0xFFFFFFB0  }
0x32: {  	[tilespmem:s17], [sflag:$0x2] =	stream.linear.gather [hbm4b:s31+s23], $0x50, $0x38;
	[tilespmem:$0x12B60] =	vst v63  }
0x33: {  	_ =	swait.ge [sflag:s14], $0x50  }
0x34: {  	[sflag:s14] =	ssyncset.done $0x0  }
0x35: {  	s25 =	sadd.s32 s1, s25;
	[sflag:s14] =	ssyncadd.s32 $0xFFFFFFB0  }
0x36: {  	[tilespmem:s18], [sflag:$0x2] =	stream.linear.gather [hbm4b:s25+s23], $0x50, $0x38;
	[tilespmem:$0x12B60] =	vst v63  }
0x37: {  	_ =	swait.ge [sflag:s14], $0x50  }
0x38: {  	[sflag:s14] =	ssyncset.done $0x0  }
0x39: {  	[sflag:s14] =	ssyncadd.s32 $0xFFFFFFB0  }
0x3a: {  	[tilespmem:s15], [sflag:$0x1] =	stream.indirect.gather [hbm4b:s5+s19], $0x50, s16, s19, $0xb8;
	[tilespmem:$0x12B60] =	vst v63  }
0x3b: {  	_ =	swait.ge [sflag:s20], $0x1900  }
0x3c: {  	[sflag:s20] =	ssyncset.done $0x0  }
0x3d: {  	s26 =	simm.s32 $0x0;
	s25 =	simm.s32 $0x114E0;
	[sflag:s20] =	ssyncadd.s32 $0xFFFFE700  }
.LBB2_7:
0x3e: {  	s28 =	sshra.s32 s26, $0x2  }
0x3f: {  	v1 =	vld [tilespmem:s28+$0x11170]  }
0x40: {  	v2 =	vld [tilespmem:s28+$0x111C0];
	_ =	sdelay $0x4  }
0x41: {  	v1 =	vshll.u32 v1, $0x1;
	v2 =	vshll.u32 v2, $0x1  }
0x42: {  	v2 =	vor.u32 $0x1, v2;
	_ =	sdelay $0x3  }
0x43: {  	v1 =	vld.idx.msk [tilespmem:v1+s13+$0x0], $0xffff  }
0x44: {  	v2 =	vld.idx.msk [tilespmem:v2+s13+$0x0], $0xffff;
	_ =	sdelay $0x4  }
0x45: {  	v1 =	vadd.f32 v2, v1;
	_ =	sdelay $0x1  }
0x46: {  	v2 =	vmul.f32 $2.000000030e-01, v1  }
0x47: {  	vm0 =	vge.f32 v1, $0.0e+00  }
0x48: {  	v1 =	vsel vm0, v1, v2  }
0x49: {  	v1 =	vmul.f32 $1.442695020e+00, v1;
	_ =	sdelay $0x1  }
0x4a: {  	(erf) = vpow2.f32 v1;
	_ =	sdelay $0x4  }
0x4b: {  	v2 =	vld [tilespmem:s28+$0x11210];
	_ =	sdelay $0x3  }
0x4c: {  	v3 =	vld [tilespmem:s25+$0xFFFFFD80];
	v1 =	vpop (erf)  }
0x4d: {  	v2 =	vmul.f32 v1, v2;
	_ =	sdelay $0x1  }
0x4e: {  	v4 =	vbroadcast v2, $0x0;
	_ =	sdelay $0x1  }
0x4f: {  	v3 =	vmul.f32 v4, v3;
	_ =	sdelay $0x1  }
0x50: {  	[tilespmem:s25+$0xFFFFFD80] =	vst v3;
	v3 =	vld [tilespmem:s25+$0xFFFFFD90];
	_ =	sdelay $0x4  }
0x51: {  	v3 =	vmul.f32 v4, v3;
	_ =	sdelay $0x1  }
0x52: {  	[tilespmem:s25+$0xFFFFFD90] =	vst v3;
	v3 =	vld [tilespmem:s25+$0xFFFFFDA0];
	_ =	sdelay $0x4  }
0x53: {  	v3 =	vmul.f32 v4, v3;
	_ =	sdelay $0x1  }
0x54: {  	[tilespmem:s25+$0xFFFFFDA0] =	vst v3;
	v3 =	vld [tilespmem:s25+$0xFFFFFDB0];
	_ =	sdelay $0x4  }
0x55: {  	v3 =	vmul.f32 v3, v4;
	_ =	sdelay $0x1  }
0x56: {  	[tilespmem:s25+$0xFFFFFDB0] =	vst v3;
	v3 =	vld [tilespmem:s25+$0xFFFFFDC0];
	_ =	sdelay $0x2  }
0x57: {  	v35 =	vbroadcast v1, $0x0;
	_ =	sdelay $0x1  }
0x58: {  	v3 =	vmul.f32 v3, v35;
	_ =	sdelay $0x1  }
0x59: {  	[tilespmem:s25+$0xFFFFFDC0] =	vst v3;
	v3 =	vld [tilespmem:s25+$0xFFFFFDD0];
	_ =	sdelay $0x2  }
0x5a: {  	v36 =	vbroadcast v2, $0x1;
	_ =	sdelay $0x1  }
0x5b: {  	v3 =	vmul.f32 v3, v36;
	_ =	sdelay $0x1  }
0x5c: {  	[tilespmem:s25+$0xFFFFFDD0] =	vst v3;
	v3 =	vld [tilespmem:s25+$0xFFFFFDE0];
	_ =	sdelay $0x4  }
0x5d: {  	v3 =	vmul.f32 v3, v36;
	_ =	sdelay $0x1  }
0x5e: {  	[tilespmem:s25+$0xFFFFFDE0] =	vst v3;
	v3 =	vld [tilespmem:s25+$0xFFFFFDF0];
	_ =	sdelay $0x4  }
0x5f: {  	v3 =	vmul.f32 v3, v36;
	_ =	sdelay $0x1  }
0x60: {  	[tilespmem:s25+$0xFFFFFDF0] =	vst v3;
	v3 =	vld [tilespmem:s25+$0xFFFFFE00];
	_ =	sdelay $0x4  }
0x61: {  	v3 =	vmul.f32 v3, v36;
	_ =	sdelay $0x1  }
0x62: {  	[tilespmem:s25+$0xFFFFFE00] =	vst v3;
	v3 =	vld [tilespmem:s25+$0xFFFFFE10];
	_ =	sdelay $0x2  }
0x63: {  	v37 =	vbroadcast v1, $0x1;
	_ =	sdelay $0x1  }
0x64: {  	v3 =	vmul.f32 v3, v37;
	_ =	sdelay $0x1  }
0x65: {  	[tilespmem:s25+$0xFFFFFE10] =	vst v3;
	v3 =	vld [tilespmem:s25+$0xFFFFFE20];
	_ =	sdelay $0x2  }
0x66: {  	v38 =	vbroadcast v2, $0x2;
	_ =	sdelay $0x1  }
0x67: {  	v3 =	vmul.f32 v3, v38;
	_ =	sdelay $0x1  }
0x68: {  	[tilespmem:s25+$0xFFFFFE20] =	vst v3;
	v3 =	vld [tilespmem:s25+$0xFFFFFE30];
	_ =	sdelay $0x4  }
0x69: {  	v3 =	vmul.f32 v3, v38;
	_ =	sdelay $0x1  }
0x6a: {  	[tilespmem:s25+$0xFFFFFE30] =	vst v3;
	v3 =	vld [tilespmem:s25+$0xFFFFFE40];
	_ =	sdelay $0x4  }
0x6b: {  	v3 =	vmul.f32 v3, v38;
	_ =	sdelay $0x1  }
0x6c: {  	[tilespmem:s25+$0xFFFFFE40] =	vst v3;
	v3 =	vld [tilespmem:s25+$0xFFFFFE50];
	_ =	sdelay $0x4  }
0x6d: {  	v3 =	vmul.f32 v3, v38;
	_ =	sdelay $0x1  }
0x6e: {  	[tilespmem:s25+$0xFFFFFE50] =	vst v3;
	v3 =	vld [tilespmem:s25+$0xFFFFFE60];
	_ =	sdelay $0x2  }
0x6f: {  	v39 =	vbroadcast v1, $0x2;
	_ =	sdelay $0x1  }
0x70: {  	v3 =	vmul.f32 v3, v39;
	_ =	sdelay $0x1  }
0x71: {  	[tilespmem:s25+$0xFFFFFE60] =	vst v3;
	v3 =	vld [tilespmem:s25+$0xFFFFFE70];
	_ =	sdelay $0x2  }
0x72: {  	v40 =	vbroadcast v2, $0x3;
	_ =	sdelay $0x1  }
0x73: {  	v3 =	vmul.f32 v3, v40;
	_ =	sdelay $0x1  }
0x74: {  	[tilespmem:s25+$0xFFFFFE70] =	vst v3;
	v3 =	vld [tilespmem:s25+$0xFFFFFE80];
	_ =	sdelay $0x4  }
0x75: {  	v3 =	vmul.f32 v3, v40;
	_ =	sdelay $0x1  }
0x76: {  	[tilespmem:s25+$0xFFFFFE80] =	vst v3;
	v3 =	vld [tilespmem:s25+$0xFFFFFE90];
	_ =	sdelay $0x4  }
0x77: {  	v3 =	vmul.f32 v3, v40;
	_ =	sdelay $0x1  }
0x78: {  	[tilespmem:s25+$0xFFFFFE90] =	vst v3;
	v3 =	vld [tilespmem:s25+$0xFFFFFEA0];
	_ =	sdelay $0x4  }
0x79: {  	v3 =	vmul.f32 v3, v40;
	_ =	sdelay $0x1  }
0x7a: {  	[tilespmem:s25+$0xFFFFFEA0] =	vst v3;
	v3 =	vld [tilespmem:s25+$0xFFFFFEB0];
	_ =	sdelay $0x2  }
0x7b: {  	v41 =	vbroadcast v1, $0x3;
	_ =	sdelay $0x1  }
0x7c: {  	v3 =	vmul.f32 v3, v41;
	_ =	sdelay $0x1  }
0x7d: {  	[tilespmem:s25+$0xFFFFFEB0] =	vst v3;
	v3 =	vld [tilespmem:s25+$0xFFFFFEC0];
	_ =	sdelay $0x2  }
0x7e: {  	v42 =	vbroadcast v2, $0x4;
	_ =	sdelay $0x1  }
0x7f: {  	v3 =	vmul.f32 v3, v42;
	_ =	sdelay $0x1  }
0x80: {  	[tilespmem:s25+$0xFFFFFEC0] =	vst v3;
	v3 =	vld [tilespmem:s25+$0xFFFFFED0];
	_ =	sdelay $0x4  }
0x81: {  	v3 =	vmul.f32 v3, v42;
	_ =	sdelay $0x1  }
0x82: {  	[tilespmem:s25+$0xFFFFFED0] =	vst v3;
	v3 =	vld [tilespmem:s25+$0xFFFFFEE0];
	_ =	sdelay $0x4  }
0x83: {  	v3 =	vmul.f32 v3, v42;
	_ =	sdelay $0x1  }
0x84: {  	[tilespmem:s25+$0xFFFFFEE0] =	vst v3;
	v3 =	vld [tilespmem:s25+$0xFFFFFEF0];
	_ =	sdelay $0x4  }
0x85: {  	v3 =	vmul.f32 v3, v42;
	_ =	sdelay $0x1  }
0x86: {  	[tilespmem:s25+$0xFFFFFEF0] =	vst v3;
	v3 =	vld [tilespmem:s25+$0xFFFFFF00];
	_ =	sdelay $0x2  }
0x87: {  	v43 =	vbroadcast v1, $0x4;
	_ =	sdelay $0x1  }
0x88: {  	v3 =	vmul.f32 v3, v43;
	_ =	sdelay $0x1  }
0x89: {  	[tilespmem:s25+$0xFFFFFF00] =	vst v3;
	v3 =	vld [tilespmem:s25+$0xFFFFFF10];
	_ =	sdelay $0x2  }
0x8a: {  	v44 =	vbroadcast v2, $0x5;
	_ =	sdelay $0x1  }
0x8b: {  	v3 =	vmul.f32 v3, v44;
	_ =	sdelay $0x1  }
0x8c: {  	[tilespmem:s25+$0xFFFFFF10] =	vst v3;
	v3 =	vld [tilespmem:s25+$0xFFFFFF20];
	_ =	sdelay $0x4  }
0x8d: {  	v3 =	vmul.f32 v3, v44;
	_ =	sdelay $0x1  }
0x8e: {  	[tilespmem:s25+$0xFFFFFF20] =	vst v3;
	v3 =	vld [tilespmem:s25+$0xFFFFFF30];
	_ =	sdelay $0x4  }
0x8f: {  	v3 =	vmul.f32 v3, v44;
	_ =	sdelay $0x1  }
0x90: {  	[tilespmem:s25+$0xFFFFFF30] =	vst v3;
	v3 =	vld [tilespmem:s25+$0xFFFFFF40];
	_ =	sdelay $0x4  }
0x91: {  	v3 =	vmul.f32 v3, v44;
	_ =	sdelay $0x1  }
0x92: {  	[tilespmem:s25+$0xFFFFFF40] =	vst v3;
	v3 =	vld [tilespmem:s25+$0xFFFFFF50];
	_ =	sdelay $0x2  }
0x93: {  	v45 =	vbroadcast v1, $0x5;
	_ =	sdelay $0x1  }
0x94: {  	v3 =	vmul.f32 v3, v45;
	_ =	sdelay $0x1  }
0x95: {  	[tilespmem:s25+$0xFFFFFF50] =	vst v3;
	v3 =	vld [tilespmem:s25+$0xFFFFFF60];
	_ =	sdelay $0x2  }
0x96: {  	v46 =	vbroadcast v2, $0x6;
	_ =	sdelay $0x1  }
0x97: {  	v3 =	vmul.f32 v3, v46;
	_ =	sdelay $0x1  }
0x98: {  	[tilespmem:s25+$0xFFFFFF60] =	vst v3;
	v3 =	vld [tilespmem:s25+$0xFFFFFF70];
	_ =	sdelay $0x4  }
0x99: {  	v3 =	vmul.f32 v3, v46;
	_ =	sdelay $0x1  }
0x9a: {  	[tilespmem:s25+$0xFFFFFF70] =	vst v3;
	v3 =	vld [tilespmem:s25+$0xFFFFFF80];
	_ =	sdelay $0x4  }
0x9b: {  	v3 =	vmul.f32 v3, v46;
	_ =	sdelay $0x1  }
0x9c: {  	[tilespmem:s25+$0xFFFFFF80] =	vst v3;
	v3 =	vld [tilespmem:s25+$0xFFFFFF90];
	_ =	sdelay $0x4  }
0x9d: {  	v3 =	vmul.f32 v3, v46;
	_ =	sdelay $0x1  }
0x9e: {  	[tilespmem:s25+$0xFFFFFF90] =	vst v3;
	v3 =	vld [tilespmem:s25+$0xFFFFFFA0];
	_ =	sdelay $0x2  }
0x9f: {  	v47 =	vbroadcast v1, $0x6;
	_ =	sdelay $0x1  }
0xa0: {  	v3 =	vmul.f32 v3, v47;
	_ =	sdelay $0x1  }
0xa1: {  	[tilespmem:s25+$0xFFFFFFA0] =	vst v3;
	v3 =	vld [tilespmem:s25+$0xFFFFFFB0];
	_ =	sdelay $0x2  }
0xa2: {  	v48 =	vbroadcast v2, $0x7;
	_ =	sdelay $0x1  }
0xa3: {  	v3 =	vmul.f32 v3, v48;
	_ =	sdelay $0x1  }
0xa4: {  	[tilespmem:s25+$0xFFFFFFB0] =	vst v3;
	v3 =	vld [tilespmem:s25+$0xFFFFFFC0];
	_ =	sdelay $0x4  }
0xa5: {  	v3 =	vmul.f32 v3, v48;
	_ =	sdelay $0x1  }
0xa6: {  	[tilespmem:s25+$0xFFFFFFC0] =	vst v3;
	v3 =	vld [tilespmem:s25+$0xFFFFFFD0];
	_ =	sdelay $0x4  }
0xa7: {  	v3 =	vmul.f32 v3, v48;
	_ =	sdelay $0x1  }
0xa8: {  	[tilespmem:s25+$0xFFFFFFD0] =	vst v3;
	v3 =	vld [tilespmem:s25+$0xFFFFFFE0];
	_ =	sdelay $0x4  }
0xa9: {  	v3 =	vmul.f32 v3, v48;
	_ =	sdelay $0x1  }
0xaa: {  	[tilespmem:s25+$0xFFFFFFE0] =	vst v3;
	v3 =	vld [tilespmem:s25+$0xFFFFFFF0];
	_ =	sdelay $0x2  }
0xab: {  	v49 =	vbroadcast v1, $0x7;
	_ =	sdelay $0x1  }
0xac: {  	v3 =	vmul.f32 v3, v49;
	_ =	sdelay $0x1  }
0xad: {  	[tilespmem:s25+$0xFFFFFFF0] =	vst v3;
	v3 =	vld [tilespmem:s25+$0x0];
	_ =	sdelay $0x2  }
0xae: {  	v50 =	vbroadcast v2, $0x8;
	_ =	sdelay $0x1  }
0xaf: {  	v3 =	vmul.f32 v3, v50;
	_ =	sdelay $0x1  }
0xb0: {  	[tilespmem:s25+$0x0] =	vst v3;
	v3 =	vld [tilespmem:s25+$0x10];
	_ =	sdelay $0x4  }
0xb1: {  	v3 =	vmul.f32 v3, v50;
	_ =	sdelay $0x1  }
0xb2: {  	[tilespmem:s25+$0x10] =	vst v3;
	v3 =	vld [tilespmem:s25+$0x20];
	_ =	sdelay $0x4  }
0xb3: {  	v3 =	vmul.f32 v3, v50;
	_ =	sdelay $0x1  }
0xb4: {  	[tilespmem:s25+$0x20] =	vst v3;
	v3 =	vld [tilespmem:s25+$0x30];
	_ =	sdelay $0x4  }
0xb5: {  	v3 =	vmul.f32 v3, v50;
	_ =	sdelay $0x1  }
0xb6: {  	[tilespmem:s25+$0x30] =	vst v3;
	v3 =	vld [tilespmem:s25+$0x40];
	_ =	sdelay $0x2  }
0xb7: {  	v51 =	vbroadcast v1, $0x8;
	_ =	sdelay $0x1  }
0xb8: {  	v3 =	vmul.f32 v3, v51;
	_ =	sdelay $0x1  }
0xb9: {  	[tilespmem:s25+$0x40] =	vst v3;
	v3 =	vld [tilespmem:s25+$0x50];
	_ =	sdelay $0x2  }
0xba: {  	v52 =	vbroadcast v2, $0x9;
	_ =	sdelay $0x1  }
0xbb: {  	v3 =	vmul.f32 v3, v52;
	_ =	sdelay $0x1  }
0xbc: {  	[tilespmem:s25+$0x50] =	vst v3;
	v3 =	vld [tilespmem:s25+$0x60];
	_ =	sdelay $0x4  }
0xbd: {  	v3 =	vmul.f32 v3, v52;
	_ =	sdelay $0x1  }
0xbe: {  	[tilespmem:s25+$0x60] =	vst v3;
	v3 =	vld [tilespmem:s25+$0x70];
	_ =	sdelay $0x4  }
0xbf: {  	v3 =	vmul.f32 v3, v52;
	_ =	sdelay $0x1  }
0xc0: {  	[tilespmem:s25+$0x70] =	vst v3;
	v3 =	vld [tilespmem:s25+$0x80];
	_ =	sdelay $0x4  }
0xc1: {  	v3 =	vmul.f32 v3, v52;
	_ =	sdelay $0x1  }
0xc2: {  	[tilespmem:s25+$0x80] =	vst v3;
	v3 =	vld [tilespmem:s25+$0x90];
	_ =	sdelay $0x2  }
0xc3: {  	v53 =	vbroadcast v1, $0x9;
	_ =	sdelay $0x1  }
0xc4: {  	v3 =	vmul.f32 v3, v53;
	_ =	sdelay $0x1  }
0xc5: {  	[tilespmem:s25+$0x90] =	vst v3;
	v3 =	vld [tilespmem:s25+$0xA0];
	_ =	sdelay $0x2  }
0xc6: {  	v54 =	vbroadcast v2, $0xA;
	_ =	sdelay $0x1  }
0xc7: {  	v3 =	vmul.f32 v3, v54;
	_ =	sdelay $0x1  }
0xc8: {  	[tilespmem:s25+$0xA0] =	vst v3;
	v3 =	vld [tilespmem:s25+$0xB0];
	_ =	sdelay $0x4  }
0xc9: {  	v3 =	vmul.f32 v3, v54;
	_ =	sdelay $0x1  }
0xca: {  	[tilespmem:s25+$0xB0] =	vst v3;
	v3 =	vld [tilespmem:s25+$0xC0];
	_ =	sdelay $0x4  }
0xcb: {  	v3 =	vmul.f32 v3, v54;
	_ =	sdelay $0x1  }
0xcc: {  	[tilespmem:s25+$0xC0] =	vst v3;
	v3 =	vld [tilespmem:s25+$0xD0];
	_ =	sdelay $0x4  }
0xcd: {  	v3 =	vmul.f32 v3, v54;
	_ =	sdelay $0x1  }
0xce: {  	[tilespmem:s25+$0xD0] =	vst v3;
	v3 =	vld [tilespmem:s25+$0xE0];
	_ =	sdelay $0x2  }
0xcf: {  	v55 =	vbroadcast v1, $0xA;
	_ =	sdelay $0x1  }
0xd0: {  	v3 =	vmul.f32 v3, v55;
	_ =	sdelay $0x1  }
0xd1: {  	[tilespmem:s25+$0xE0] =	vst v3;
	v3 =	vld [tilespmem:s25+$0xF0];
	_ =	sdelay $0x2  }
0xd2: {  	v56 =	vbroadcast v2, $0xB;
	_ =	sdelay $0x1  }
0xd3: {  	v3 =	vmul.f32 v3, v56;
	_ =	sdelay $0x1  }
0xd4: {  	[tilespmem:s25+$0xF0] =	vst v3;
	v3 =	vld [tilespmem:s25+$0x100];
	_ =	sdelay $0x4  }
0xd5: {  	v3 =	vmul.f32 v3, v56;
	_ =	sdelay $0x1  }
0xd6: {  	[tilespmem:s25+$0x100] =	vst v3;
	v3 =	vld [tilespmem:s25+$0x110];
	_ =	sdelay $0x4  }
0xd7: {  	v3 =	vmul.f32 v3, v56;
	_ =	sdelay $0x1  }
0xd8: {  	[tilespmem:s25+$0x110] =	vst v3;
	v3 =	vld [tilespmem:s25+$0x120];
	_ =	sdelay $0x4  }
0xd9: {  	v3 =	vmul.f32 v3, v56;
	_ =	sdelay $0x1  }
0xda: {  	[tilespmem:s25+$0x120] =	vst v3;
	v3 =	vld [tilespmem:s25+$0x130];
	_ =	sdelay $0x2  }
0xdb: {  	v57 =	vbroadcast v1, $0xB;
	_ =	sdelay $0x1  }
0xdc: {  	v3 =	vmul.f32 v3, v57;
	_ =	sdelay $0x1  }
0xdd: {  	[tilespmem:s25+$0x130] =	vst v3;
	v3 =	vld [tilespmem:s25+$0x140];
	_ =	sdelay $0x2  }
0xde: {  	v58 =	vbroadcast v2, $0xC;
	_ =	sdelay $0x1  }
0xdf: {  	v3 =	vmul.f32 v3, v58;
	_ =	sdelay $0x1  }
0xe0: {  	[tilespmem:s25+$0x140] =	vst v3;
	v3 =	vld [tilespmem:s25+$0x150];
	_ =	sdelay $0x4  }
0xe1: {  	v3 =	vmul.f32 v3, v58;
	_ =	sdelay $0x1  }
0xe2: {  	[tilespmem:s25+$0x150] =	vst v3;
	v3 =	vld [tilespmem:s25+$0x160];
	_ =	sdelay $0x4  }
0xe3: {  	v3 =	vmul.f32 v3, v58;
	_ =	sdelay $0x1  }
0xe4: {  	[tilespmem:s25+$0x160] =	vst v3;
	v3 =	vld [tilespmem:s25+$0x170];
	_ =	sdelay $0x4  }
0xe5: {  	v3 =	vmul.f32 v3, v58;
	_ =	sdelay $0x1  }
0xe6: {  	[tilespmem:s25+$0x170] =	vst v3;
	v3 =	vld [tilespmem:s25+$0x180];
	_ =	sdelay $0x2  }
0xe7: {  	v59 =	vbroadcast v1, $0xC;
	_ =	sdelay $0x1  }
0xe8: {  	v3 =	vmul.f32 v3, v59;
	_ =	sdelay $0x1  }
0xe9: {  	[tilespmem:s25+$0x180] =	vst v3;
	v3 =	vld [tilespmem:s25+$0x190];
	_ =	sdelay $0x2  }
0xea: {  	v60 =	vbroadcast v2, $0xD;
	_ =	sdelay $0x1  }
0xeb: {  	v3 =	vmul.f32 v3, v60;
	_ =	sdelay $0x1  }
0xec: {  	[tilespmem:s25+$0x190] =	vst v3;
	v3 =	vld [tilespmem:s25+$0x1A0];
	_ =	sdelay $0x4  }
0xed: {  	v3 =	vmul.f32 v3, v60;
	_ =	sdelay $0x1  }
0xee: {  	[tilespmem:s25+$0x1A0] =	vst v3;
	v3 =	vld [tilespmem:s25+$0x1B0];
	_ =	sdelay $0x4  }
0xef: {  	v3 =	vmul.f32 v3, v60;
	_ =	sdelay $0x1  }
0xf0: {  	[tilespmem:s25+$0x1B0] =	vst v3;
	v3 =	vld [tilespmem:s25+$0x1C0];
	_ =	sdelay $0x4  }
0xf1: {  	v3 =	vmul.f32 v3, v60;
	_ =	sdelay $0x1  }
0xf2: {  	[tilespmem:s25+$0x1C0] =	vst v3;
	v3 =	vld [tilespmem:s25+$0x1D0];
	_ =	sdelay $0x2  }
0xf3: {  	v61 =	vbroadcast v1, $0xD;
	_ =	sdelay $0x1  }
0xf4: {  	v3 =	vmul.f32 v3, v61;
	_ =	sdelay $0x1  }
0xf5: {  	[tilespmem:s25+$0x1D0] =	vst v3;
	v3 =	vld [tilespmem:s25+$0x1E0];
	_ =	sdelay $0x2  }
0xf6: {  	v62 =	vbroadcast v2, $0xE;
	_ =	sdelay $0x1  }
0xf7: {  	v3 =	vmul.f32 v3, v62;
	_ =	sdelay $0x1  }
0xf8: {  	[tilespmem:s25+$0x1E0] =	vst v3;
	v3 =	vld [tilespmem:s25+$0x1F0];
	_ =	sdelay $0x4  }
0xf9: {  	v3 =	vmul.f32 v3, v62;
	_ =	sdelay $0x1  }
0xfa: {  	[tilespmem:s25+$0x1F0] =	vst v3;
	v3 =	vld [tilespmem:s25+$0x200];
	_ =	sdelay $0x4  }
0xfb: {  	v3 =	vmul.f32 v3, v62;
	_ =	sdelay $0x1  }
0xfc: {  	[tilespmem:s25+$0x200] =	vst v3;
	v3 =	vld [tilespmem:s25+$0x210];
	_ =	sdelay $0x4  }
0xfd: {  	v3 =	vmul.f32 v3, v62;
	_ =	sdelay $0x1  }
0xfe: {  	[tilespmem:s25+$0x210] =	vst v3;
	v3 =	vld [tilespmem:s25+$0x220];
	_ =	sdelay $0x2  }
0xff: {  	v63 =	vbroadcast v1, $0xE;
	_ =	sdelay $0x1  }
0x100: {  	v3 =	vmul.f32 v3, v63;
	_ =	sdelay $0x1  }
0x101: {  	[tilespmem:s25+$0x220] =	vst v3;
	v3 =	vld [tilespmem:s25+$0x230];
	_ =	sdelay $0x2  }
0x102: {  	v2 =	vbroadcast v2, $0xF;
	_ =	sdelay $0x1  }
0x103: {  	v3 =	vmul.f32 v3, v2;
	_ =	sdelay $0x1  }
0x104: {  	[tilespmem:s25+$0x230] =	vst v3;
	v3 =	vld [tilespmem:s25+$0x240];
	_ =	sdelay $0x4  }
0x105: {  	v3 =	vmul.f32 v3, v2;
	_ =	sdelay $0x1  }
0x106: {  	[tilespmem:s25+$0x240] =	vst v3;
	v3 =	vld [tilespmem:s25+$0x250];
	_ =	sdelay $0x4  }
0x107: {  	v3 =	vmul.f32 v3, v2;
	_ =	sdelay $0x1  }
0x108: {  	[tilespmem:s25+$0x250] =	vst v3;
	v3 =	vld [tilespmem:s25+$0x260];
	_ =	sdelay $0x4  }
0x109: {  	v2 =	vmul.f32 v3, v2;
	_ =	sdelay $0x1  }
0x10a: {  	[tilespmem:s25+$0x260] =	vst v2;
	v2 =	vld [tilespmem:s25+$0x270];
	_ =	sdelay $0x1  }
0x10b: {  	p0 =	sne.s32 s26, $0x100  }
.Ltmp2:
0x10c: {  	v1 =	vbroadcast v1, $0xF;
	(pc) =	sbr.rel @p0 .LBB2_7-.Ltmp2, $3  }
0x10d: {  	_ = 	snop  }
0x10e: {  	v1 =	vmul.f32 v2, v1;
	_ =	sdelay $0x1  }
0x10f: {  	s26 =	sadd.s32 $0x40, s26;
	[tilespmem:s25+$0x270] =	vst v1;
	s25 =	sadd.s32 $0x500, s25  }
0x110: {  	s24 =	sadd.s32 $0x1, s24  }
0x111: {  	p0 =	sne.s32 s24, $0x7D  }
.Ltmp3:
0x112: {  	_ = 	snop;
	(pc) =	sbr.rel @p0 .LBB2_6-.Ltmp3, $4  }
0x113: {  	[spmem:s2] =	stream.indirect.scatter.add.f32 [tilespmem:s15], [sflag:$0x2], $0x50, s17, s19, $0xb8;
	[tilespmem:$0x12B60] =	vst v63  }
0x114: {  	_ =	swait.ge [sflag:s14], $0x1900  }
0x115: {  	[sflag:s14] =	ssyncset.done $0x0  }
0x116: {  	[sflag:s14] =	ssyncadd.s32 $0xFFFFE700  }
0x117: {  	s22 =	sadd.s32 $0x1, s22  }
0x118: {  	s23 =	sshll.u32 s3, $0x6;
	p0 =	sne.s32 s22, s11  }
.Ltmp4:
0x119: {  	[bflag:$0x0] =	sbarrier.arrive $0xFFFF;
	s23 =	sor.u32 $0x1C02, s23;
	(pc) =	sbr.rel @p0 .LBB2_1-.Ltmp4, $4  }
0x11a: {  	[hbm:s10], [sflag:s23] =	dma.local [spmem:s21], $0x186A  }
0x11b: {  	_ =	swait.ge [sflag:s14], $0x186A  }
0x11c: {  	[sflag:s14] =	ssyncset.done $0x0  }
0x11d: {  	[sflag:s14] =	ssyncadd.s32 $0xFFFFE796  }
0x11e: {  	_ =	sfence.sel $0x180000  }
0x11f: {  	[bflag:$0x0] =	sbarrier.arrive $0xFFFF  }
0x120: {  	p0 =	sne.s32 s3, $0x0;
	_ =	strace $0x90000047  }
0x121: {  	s0 =	sadd.s32 @!p0 $0x100000, s0;
	[bflag:$0x2] =	sbarrier.arrive $0xFFFF  }
0x122: {  	[sflag:s0] =	ssyncadd.tile.s32 @!p0 $0x1;
	_ =	shalt  }
.Lfunc_end2:
_tile_overlayer_lowered:
.L_overlay_start_2:
0x123: {  	(tag) =	ssettag $0x2  }
0x124: {  	s0 =	rddreg [dreg:$0x0];
	s2 =	stileid.u32  }
0x125: {  	s1 =	rddreg [dreg:$0x1];
	p0 =	sne.s32 s2, $0x0  }
0x126: {  	s3 =	rddreg [dreg:$0x2];
	[bflag:$0x3] =	sbarrier.arrive $0xFFFF;
	s2 =	simm.s32 @!p0 $0x1C02  }
0x127: {  	[timem:s3], [sflag:s2] =	dma.local @!p0 [hbm:s0], s1  }
0x128: {  	s0 =	simm.s32 @!p0 $0x2  }
0x129: {  	_ =	swait.ge @!p0 [sflag:s0], s1  }
0x12a: {  	s1 =	ssub.s32 @!p0 $0x0, s1;
	[sflag:s0] =	ssyncset.done @!p0 $0x0  }
0x12b: {  	[sflag:s0] =	ssyncadd.s32 @!p0 s1  }
0x12c: {  	[bflag:$0x3] =	sbarrier.arrive $0xFFFF  }
0x12d: {  	_ =	shalt  }

</sc_bundles>
